<compile_context>
chip_gen: v7x
topology: tpu7x:2x2x1
jax: 0.10.2.dev20260603
libtpu: 0.0.44.dev20260713+nightly
codegen_flags: <defaults>
</compile_context>

<pallas_src>
import functools

import jax
import jax.numpy as jnp
from jax import lax
from jax.experimental import pallas as pl
from jax.experimental.pallas import tpu as pltpu
from jax.experimental.pallas import tpu_sc as plsc

_N = 10000
_E = 320000
_EMB = 128
_HID = 128
_NCLS = 10
_NGRAPH = 64

_NC = 2
_NS = 16
_NW = _NC * _NS

_NP = 10240
_RPW = _NP // _NW
_GCH = 80
_NGCH = _RPW // _GCH
_EP = 323584
_ET = _EP // _NW
_ECH = 128
_NCHUNK = _ET // _ECH
_STAGE = 40
_EDW = _E // _NW
_SLAB = _NP // _NS

_BR = 1024
_NBLK = _NP // _BR

_sc_mesh = plsc.VectorSubcoreMesh(core_axis_name="c", subcore_axis_name="s")


@functools.partial(
    pl.kernel,
    out_type=[
        jax.ShapeDtypeStruct((_NP, _EMB), jnp.float32),
        jax.ShapeDtypeStruct((_NW, _NP), jnp.float32),
    ],
    mesh=_sc_mesh,
    scratch_types=[
        pltpu.VMEM((_NGCH, _GCH), jnp.int32),
        pltpu.VMEM((_GCH, _EMB), jnp.float32),
        pltpu.VMEM((_EDW,), jnp.int32),
        pltpu.VMEM((_NP,), jnp.float32),
        pltpu.SemaphoreType.DMA,
    ],
    compiler_params=pltpu.CompilerParams(needs_layout_passes=False),
)
def _sc_gather_deg(emb_hbm, xp_hbm, dstw_hbm, h0_hbm, cnt_hbm,
                   xbuf, rowbuf, dstbuf, cntbuf, sem):
    cid = lax.axis_index("c")
    sid = lax.axis_index("s")
    wid = sid * _NC + cid

    pltpu.sync_copy(xp_hbm.at[wid], xbuf)
    for j in range(_NGCH):
        pltpu.async_copy(emb_hbm.at[xbuf.at[j]], rowbuf, sem).wait()
        pltpu.sync_copy(rowbuf, h0_hbm.at[pl.ds(wid * _RPW + j * _GCH, _GCH)])

    pltpu.sync_copy(dstw_hbm.at[wid], dstbuf)
    zero16 = jnp.zeros((16,), jnp.float32)

    def zbody(i, carry):
        cntbuf[pl.ds(i * 16, 16)] = zero16
        return carry

    lax.fori_loop(0, _NP // 16, zbody, 0)

    ones16 = jnp.full((16,), 1.0, jnp.float32)

    def cbody(i, carry):
        idxv = dstbuf[pl.ds(i * 16, 16)]
        plsc.addupdate_scatter(cntbuf, [idxv], ones16)
        return carry

    lax.fori_loop(0, _EDW // 16, cbody, 0)
    pltpu.sync_copy(cntbuf, cnt_hbm.at[wid])


@functools.partial(
    pl.kernel,
    out_type=jax.ShapeDtypeStruct((_NC, _NP, _HID), jnp.float32),
    mesh=_sc_mesh,
    scratch_types=[
        pltpu.VMEM((_STAGE, _ECH), jnp.int32),
        pltpu.VMEM((_STAGE, _ECH), jnp.int32),
        pltpu.VMEM((_ECH, _HID), jnp.float32),
        pltpu.VMEM((_ECH, _HID), jnp.float32),
        pltpu.VMEM_SHARED((_NP, _HID), jnp.float32),
        pltpu.SemaphoreType.DMA,
        pltpu.SemaphoreType.DMA,
    ],
)
def _sc_scatter(g_hbm, srcr_hbm, dstr_hbm, zeros_hbm, out_hbm,
                sbuf, dbuf, rb0, rb1, acc, g0, g1):
    cid = lax.axis_index("c")
    sid = lax.axis_index("s")
    wid = sid * _NC + cid

    pltpu.sync_copy(zeros_hbm, acc.at[pl.ds(sid * _SLAB, _SLAB)])
    plsc.subcore_barrier()

    for h, nch in ((0, _STAGE), (1, _NCHUNK - _STAGE)):
        npair = nch // 2
        pltpu.sync_copy(srcr_hbm.at[wid, pl.ds(h * _STAGE, nch)],
                        sbuf.at[pl.ds(0, nch)])
        pltpu.sync_copy(dstr_hbm.at[wid, pl.ds(h * _STAGE, nch)],
                        dbuf.at[pl.ds(0, nch)])
        pltpu.async_copy(g_hbm.at[sbuf.at[0]], rb0, g0)

        def body(p, carry):
            j = 2 * p
            pltpu.async_copy(g_hbm.at[sbuf.at[j + 1]], rb1, g1)
            pltpu.make_async_copy(g_hbm.at[sbuf.at[0]], rb0, g0).wait()
            pltpu.sync_copy(rb0, acc.at[dbuf.at[j]], add=True)

            @pl.when(p + 1 < npair)
            def _():
                pltpu.async_copy(g_hbm.at[sbuf.at[j + 2]], rb0, g0)

            pltpu.make_async_copy(g_hbm.at[sbuf.at[1]], rb1, g1).wait()
            pltpu.sync_copy(rb1, acc.at[dbuf.at[j + 1]], add=True)
            return carry

        lax.fori_loop(0, npair, body, 0)

        if nch % 2:
            pltpu.async_copy(g_hbm.at[sbuf.at[nch - 1]], rb0, g0)
            pltpu.make_async_copy(g_hbm.at[sbuf.at[0]], rb0, g0).wait()
            pltpu.sync_copy(rb0, acc.at[dbuf.at[nch - 1]], add=True)
    plsc.subcore_barrier()
    pltpu.sync_copy(acc.at[pl.ds(sid * _SLAB, _SLAB)],
                    out_hbm.at[cid, pl.ds(sid * _SLAB, _SLAB)])


def _tc_prep1_body(h0_ref, w_ref, cnt_ref, ones_ref, g_ref, dis_ref):
    deg = lax.dot_general(cnt_ref[...], ones_ref[...], (((0,), (0,)), ((), ())),
                          preferred_element_type=jnp.float32)
    dis = lax.rsqrt(deg + 1.0)
    g_ref[...] = dis * jnp.dot(h0_ref[...], w_ref[...],
                               preferred_element_type=jnp.float32)
    dis_ref[...] = dis


_tc_prep1 = pl.pallas_call(
    _tc_prep1_body,
    grid=(_NBLK,),
    in_specs=[
        pl.BlockSpec((_BR, _EMB), lambda i: (i, 0)),
        pl.BlockSpec((_EMB, _HID), lambda i: (0, 0)),
        pl.BlockSpec((_NW, _BR), lambda i: (0, i)),
        pl.BlockSpec((_NW, 1), lambda i: (0, 0)),
    ],
    out_specs=[
        pl.BlockSpec((_BR, _HID), lambda i: (i, 0)),
        pl.BlockSpec((_BR, 1), lambda i: (i, 0)),
    ],
    out_shape=[
        jax.ShapeDtypeStruct((_NP, _HID), jnp.float32),
        jax.ShapeDtypeStruct((_NP, 1), jnp.float32),
    ],
)


def _tc_mid_body(p0_ref, p1_ref, g_ref, dis_ref, b_ref, w_ref, g2_ref):
    dis = dis_ref[...]
    h = jnp.maximum(dis * (p0_ref[...] + p1_ref[...] + g_ref[...]) + b_ref[...],
                    0.0)
    g2_ref[...] = dis * jnp.dot(h, w_ref[...],
                                preferred_element_type=jnp.float32)


_tc_mid = pl.pallas_call(
    _tc_mid_body,
    grid=(_NBLK,),
    in_specs=[
        pl.BlockSpec((_BR, _HID), lambda i: (i, 0)),
        pl.BlockSpec((_BR, _HID), lambda i: (i, 0)),
        pl.BlockSpec((_BR, _HID), lambda i: (i, 0)),
        pl.BlockSpec((_BR, 1), lambda i: (i, 0)),
        pl.BlockSpec((1, _HID), lambda i: (0, 0)),
        pl.BlockSpec((_HID, _HID), lambda i: (0, 0)),
    ],
    out_specs=pl.BlockSpec((_BR, _HID), lambda i: (i, 0)),
    out_shape=jax.ShapeDtypeStruct((_NP, _HID), jnp.float32),
)


def _tc_final_body(p0_ref, p1_ref, g_ref, dis_ref, b_ref, batch_ref,
                   linw_ref, linb_ref, out_ref, pacc, cacc):
    i = pl.program_id(0)
    dis = dis_ref[...]
    h = jnp.maximum(dis * (p0_ref[...] + p1_ref[...] + g_ref[...]) + b_ref[...],
                    0.0)
    gids = lax.broadcasted_iota(jnp.int32, (1, _NGRAPH), 1)
    onehot = (batch_ref[...] == gids).astype(jnp.float32)
    ps = lax.dot_general(onehot, h, (((0,), (0,)), ((), ())),
                         preferred_element_type=jnp.float32)
    cs = lax.dot_general(onehot, jnp.ones((_BR, 1), jnp.float32),
                         (((0,), (0,)), ((), ())),
                         preferred_element_type=jnp.float32)

    @pl.when(i == 0)
    def _():
        pacc[...] = ps
        cacc[...] = cs

    @pl.when(i != 0)
    def _():
        pacc[...] += ps
        cacc[...] += cs

    @pl.when(i == _NBLK - 1)
    def _():
        pooled = pacc[...] / jnp.maximum(cacc[...], 1.0)
        out_ref[...] = (jnp.dot(pooled, linw_ref[...],
                                preferred_element_type=jnp.float32)
                        + linb_ref[...])


_tc_final = pl.pallas_call(
    _tc_final_body,
    grid=(_NBLK,),
    in_specs=[
        pl.BlockSpec((_BR, _HID), lambda i: (i, 0)),
        pl.BlockSpec((_BR, _HID), lambda i: (i, 0)),
        pl.BlockSpec((_BR, _HID), lambda i: (i, 0)),
        pl.BlockSpec((_BR, 1), lambda i: (i, 0)),
        pl.BlockSpec((1, _HID), lambda i: (0, 0)),
        pl.BlockSpec((_BR, 1), lambda i: (i, 0)),
        pl.BlockSpec((_HID, _NCLS), lambda i: (0, 0)),
        pl.BlockSpec((1, _NCLS), lambda i: (0, 0)),
    ],
    out_specs=pl.BlockSpec((_NGRAPH, _NCLS), lambda i: (0, 0)),
    out_shape=jax.ShapeDtypeStruct((_NGRAPH, _NCLS), jnp.float32),
    scratch_shapes=[
        pltpu.VMEM((_NGRAPH, _HID), jnp.float32),
        pltpu.VMEM((_NGRAPH, 1), jnp.float32),
    ],
)


def kernel(x, edge_index, batch, emb, W1, b1, W2, b2, linW, linb):
    x = x.astype(jnp.int32)
    src = edge_index[0].astype(jnp.int32)
    dst = edge_index[1].astype(jnp.int32)

    xp = jnp.concatenate([x, jnp.zeros((_NP - _N,), jnp.int32)])
    xp = xp.reshape(_NW, _NGCH, _GCH)
    dstw = dst.reshape(_NW, _EDW)
    srcr = jnp.concatenate([src, jnp.zeros((_EP - _E,), jnp.int32)])
    srcr = srcr.reshape(_NW, _NCHUNK, _ECH)
    pad_dst = _N + jnp.arange(_EP - _E, dtype=jnp.int32) % (_NP - _N)
    dstr = jnp.concatenate([dst, pad_dst])
    dstr = dstr.reshape(_NW, _NCHUNK, _ECH)
    batch2d = jnp.concatenate(
        [batch.astype(jnp.int32), jnp.full((_NP - _N,), _NGRAPH, jnp.int32)]
    ).reshape(_NP, 1)
    zeros_slab = jnp.zeros((_SLAB, _HID), jnp.float32)
    ones_nw = jnp.ones((_NW, 1), jnp.float32)

    h0, cnt = _sc_gather_deg(emb, xp, dstw)
    g1, dis = _tc_prep1(h0, W1, cnt, ones_nw)
    p1 = _sc_scatter(g1, srcr, dstr, zeros_slab)
    g2 = _tc_mid(p1[0], p1[1], g1, dis, b1.reshape(1, _HID), W2)
    p2 = _sc_scatter(g2, srcr, dstr, zeros_slab)
    out = _tc_final(p2[0], p2[1], g2, dis, b2.reshape(1, _HID), batch2d,
                    linW, linb.reshape(1, _NCLS))
    return out

# --- scband reference (transcript-rebuilt; emitter-appended) ---
"""Pipeline reference for scband-gnnclassifier-88648124990146 (READ-ONLY COPY).

The authoritative reference and input builder live on the scoring server;
editing this copy changes nothing except your own understanding.
"""

import jax, jax.numpy as jnp
import numpy as np

N = 10000
E = 320000
VOCAB = 100000
EMB = 128
HID = 128
NCLS = 10
NGRAPH = 64


def setup_inputs(seed: int = 0) -> dict:
    key = jax.random.key(seed)
    ks = jax.random.split(key, 10)
    x = jax.random.randint(ks[0], (N,), 0, VOCAB)
    edge_index = jax.random.randint(ks[1], (2, E), 0, N)
    batch = jnp.sort(jax.random.randint(ks[2], (N,), 0, NGRAPH))
    emb = jax.random.normal(ks[3], (VOCAB, EMB), dtype=jnp.float32) * 0.02
    W1 = jax.random.normal(ks[4], (EMB, HID), dtype=jnp.float32) * (1.0 / np.sqrt(EMB))
    b1 = jnp.zeros((HID,), dtype=jnp.float32)
    W2 = jax.random.normal(ks[5], (HID, HID), dtype=jnp.float32) * (1.0 / np.sqrt(HID))
    b2 = jnp.zeros((HID,), dtype=jnp.float32)
    linW = jax.random.normal(ks[6], (HID, NCLS), dtype=jnp.float32) * (1.0 / np.sqrt(HID))
    linb = jnp.zeros((NCLS,), dtype=jnp.float32)
    return {"x": x, "edge_index": edge_index, "batch": batch, "emb": emb,
            "W1": W1, "b1": b1, "W2": W2, "b2": b2, "linW": linW, "linb": linb}


def _gcn_conv(h, edge_index, W, b):
    # GCNConv: linear transform, add self-loops, symmetric deg^-1/2 normalization, scatter-add
    loop = jnp.arange(N)
    src = jnp.concatenate([edge_index[0], loop])
    dst = jnp.concatenate([edge_index[1], loop])
    deg = jnp.zeros((N,), dtype=h.dtype).at[dst].add(1.0)
    dis = jnp.where(deg > 0, 1.0 / jnp.sqrt(deg), 0.0)
    norm = dis[src] * dis[dst]
    hw = h @ W
    msg = hw[src] * norm[:, None]
    out = jax.ops.segment_sum(msg, dst, num_segments=N)
    return out + b


def reference(x, edge_index, batch, emb, W1, b1, W2, b2, linW, linb):
    h = jnp.take(emb, x, axis=0)
    h = jax.nn.relu(_gcn_conv(h, edge_index, W1, b1))
    h = jax.nn.relu(_gcn_conv(h, edge_index, W2, b2))
    # global_mean_pool over graph ids
    s = jax.ops.segment_sum(h, batch, num_segments=NGRAPH)
    cnt = jax.ops.segment_sum(jnp.ones((N, 1), dtype=h.dtype), batch, num_segments=NGRAPH)
    pooled = s / jnp.maximum(cnt, 1.0)
    return pooled @ linW + linb

if __name__ == "__main__":
    import jax
    _d = setup_inputs()
    print(jax.jit(kernel)(*tuple(_d.values())))

</pallas_src>

<mosaic_0001>
#map = affine_map<(d0, d1) -> (0, 0)>
#map1 = affine_map<(d0, d1) -> (0, 0, 0)>
module attributes {stable_mosaic.version = 14 : i64} {
  func.func @_sc_scatter(%arg0: i32, %arg1: i32, %arg2: memref<10240x128xf32, #tpu.memory_space<hbm>>, %arg3: memref<32x79x128xi32, #tpu.memory_space<hbm>>, %arg4: memref<32x79x128xi32, #tpu.memory_space<hbm>>, %arg5: memref<640x128xf32, #tpu.memory_space<hbm>>, %arg6: memref<2x10240x128xf32, #tpu.memory_space<hbm>>, %arg7: memref<40x128xi32, #tpu.memory_space<vmem>>, %arg8: memref<40x128xi32, #tpu.memory_space<vmem>>, %arg9: memref<128x128xf32, #tpu.memory_space<vmem>>, %arg10: memref<128x128xf32, #tpu.memory_space<vmem>>, %arg11: memref<10240x128xf32, #tpu.memory_space<vmem_shared>>, %arg12: memref<!tpu.dma_semaphore, #tpu.memory_space<semaphore_mem>>, %arg13: memref<!tpu.dma_semaphore, #tpu.memory_space<semaphore_mem>>) attributes {dimension_semantics = [#tpu.dimension_semantics<core_parallel>, #tpu.dimension_semantics<subcore_parallel>], iteration_bounds = array<i64: 2, 16>, scalar_prefetch = 0 : i64, scratch_operands = 7 : i64, tpu.core_type = #tpu.core_type<sc_vector_subcore>, window_params = [{transform_indices = #map}, {transform_indices = #map1}, {transform_indices = #map1}, {transform_indices = #map}, {transform_indices = #map1}]} {
    %mul3A = arith.constant 2 : i32
    %mul3A_0 = arith.muli %arg1, %mul3A : i32
    %add3A = arith.addi %mul3A_0, %arg0 : i32
    %mul3A_1 = arith.constant 640 : i32
    %mul3A_2 = arith.muli %arg1, %mul3A_1 : i32
    "tpu.region"() ({
      %run_scoped3A_45 = tpu.sem_alloc : memref<!tpu.dma_semaphore, #tpu.memory_space<semaphore_mem>>
      %dma_start3A_46 = arith.constant 0 : i32
      %dma_start3A_47 = tpu.memref_slice %arg11[%mul3A_2, %dma_start3A_46] : memref<10240x128xf32, #tpu.memory_space<vmem_shared>> -> memref<640x128xf32, #tpu.memory_space<vmem_shared>>
      tpu.enqueue_dma source(%arg5 : memref<640x128xf32, #tpu.memory_space<hbm>>) target(%dma_start3A_47 : memref<640x128xf32, #tpu.memory_space<vmem_shared>>) target_semaphore(%run_scoped3A_45 : memref<!tpu.dma_semaphore, #tpu.memory_space<semaphore_mem>>)
      %dma_wait3A_48 = arith.constant 0 : i32
      %dma_wait3A_49 = tpu.memref_slice %arg11[%mul3A_2, %dma_wait3A_48] : memref<10240x128xf32, #tpu.memory_space<vmem_shared>> -> memref<640x128xf32, #tpu.memory_space<vmem_shared>>
      tpu.wait_dma2 semaphore(%run_scoped3A_45 : memref<!tpu.dma_semaphore, #tpu.memory_space<semaphore_mem>>) src(%arg5 : memref<640x128xf32, #tpu.memory_space<hbm>>) dst(%dma_wait3A_49 : memref<640x128xf32, #tpu.memory_space<vmem_shared>>)
      tpu.yield
    }) : () -> ()
    %barrier3A = arith.constant 0 : index
    tpu.barrier barrier_id(%barrier3A)
    "tpu.region"() ({
      %run_scoped3A_45 = tpu.sem_alloc : memref<!tpu.dma_semaphore, #tpu.memory_space<semaphore_mem>>
      %dma_start3A_46 = arith.constant 0 : i32
      %dma_start3A_47 = arith.constant 0 : i32
      %dma_start3A_48 = tpu.memref_slice %arg7[%dma_start3A_46, %dma_start3A_47] : memref<40x128xi32, #tpu.memory_space<vmem>> -> memref<40x128xi32, #tpu.memory_space<vmem>>
      %dma_start3A_49 = arith.constant 0 : i32
      %dma_start3A_50 = arith.constant 0 : i32
      %dma_start3A_51 = tpu.memref_slice %arg3[%add3A, %dma_start3A_49, %dma_start3A_50] : memref<32x79x128xi32, #tpu.memory_space<hbm>> -> memref<1x40x128xi32, #tpu.memory_space<hbm>>
      %dma_start3A_52 = tpu.memref_squeeze %dma_start3A_51 : memref<1x40x128xi32, #tpu.memory_space<hbm>> -> memref<40x128xi32, #tpu.memory_space<hbm>>
      %dma_start3A_53 = arith.constant 0 : i32
      %dma_start3A_54 = arith.constant 0 : i32
      %dma_start3A_55 = tpu.memref_slice %arg7[%dma_start3A_53, %dma_start3A_54] : memref<40x128xi32, #tpu.memory_space<vmem>> -> memref<40x128xi32, #tpu.memory_space<vmem>>
      %dma_start3A_56 = arith.constant 0 : i32
      %dma_start3A_57 = arith.constant 0 : i32
      %dma_start3A_58 = tpu.memref_slice %arg3[%add3A, %dma_start3A_56, %dma_start3A_57] : memref<32x79x128xi32, #tpu.memory_space<hbm>> -> memref<1x40x128xi32, #tpu.memory_space<hbm>>
      %dma_start3A_59 = tpu.memref_squeeze %dma_start3A_58 : memref<1x40x128xi32, #tpu.memory_space<hbm>> -> memref<40x128xi32, #tpu.memory_space<hbm>>
      tpu.enqueue_dma source(%dma_start3A_59 : memref<40x128xi32, #tpu.memory_space<hbm>>) target(%dma_start3A_55 : memref<40x128xi32, #tpu.memory_space<vmem>>) target_semaphore(%run_scoped3A_45 : memref<!tpu.dma_semaphore, #tpu.memory_space<semaphore_mem>>)
      %dma_wait3A_60 = arith.constant 0 : i32
      %dma_wait3A_61 = arith.constant 0 : i32
      %dma_wait3A_62 = tpu.memref_slice %arg7[%dma_wait3A_60, %dma_wait3A_61] : memref<40x128xi32, #tpu.memory_space<vmem>> -> memref<40x128xi32, #tpu.memory_space<vmem>>
      %dma_wait3A_63 = arith.constant 0 : i32
      %dma_wait3A_64 = arith.constant 0 : i32
      %dma_wait3A_65 = tpu.memref_slice %arg3[%add3A, %dma_wait3A_63, %dma_wait3A_64] : memref<32x79x128xi32, #tpu.memory_space<hbm>> -> memref<1x40x128xi32, #tpu.memory_space<hbm>>
      %dma_wait3A_66 = tpu.memref_squeeze %dma_wait3A_65 : memref<1x40x128xi32, #tpu.memory_space<hbm>> -> memref<40x128xi32, #tpu.memory_space<hbm>>
      %dma_wait3A_67 = arith.constant 0 : i32
      %dma_wait3A_68 = arith.constant 0 : i32
      %dma_wait3A_69 = tpu.memref_slice %arg7[%dma_wait3A_67, %dma_wait3A_68] : memref<40x128xi32, #tpu.memory_space<vmem>> -> memref<40x128xi32, #tpu.memory_space<vmem>>
      %dma_wait3A_70 = arith.constant 0 : i32
      %dma_wait3A_71 = arith.constant 0 : i32
      %dma_wait3A_72 = tpu.memref_slice %arg3[%add3A, %dma_wait3A_70, %dma_wait3A_71] : memref<32x79x128xi32, #tpu.memory_space<hbm>> -> memref<1x40x128xi32, #tpu.memory_space<hbm>>
      %dma_wait3A_73 = tpu.memref_squeeze %dma_wait3A_72 : memref<1x40x128xi32, #tpu.memory_space<hbm>> -> memref<40x128xi32, #tpu.memory_space<hbm>>
      tpu.wait_dma2 semaphore(%run_scoped3A_45 : memref<!tpu.dma_semaphore, #tpu.memory_space<semaphore_mem>>) src(%dma_wait3A_73 : memref<40x128xi32, #tpu.memory_space<hbm>>) dst(%dma_wait3A_69 : memref<40x128xi32, #tpu.memory_space<vmem>>)
      tpu.yield
    }) : () -> ()
    "tpu.region"() ({
      %run_scoped3A_45 = tpu.sem_alloc : memref<!tpu.dma_semaphore, #tpu.memory_space<semaphore_mem>>
      %dma_start3A_46 = arith.constant 0 : i32
      %dma_start3A_47 = arith.constant 0 : i32
      %dma_start3A_48 = tpu.memref_slice %arg8[%dma_start3A_46, %dma_start3A_47] : memref<40x128xi32, #tpu.memory_space<vmem>> -> memref<40x128xi32, #tpu.memory_space<vmem>>
      %dma_start3A_49 = arith.constant 0 : i32
      %dma_start3A_50 = arith.constant 0 : i32
      %dma_start3A_51 = tpu.memref_slice %arg4[%add3A, %dma_start3A_49, %dma_start3A_50] : memref<32x79x128xi32, #tpu.memory_space<hbm>> -> memref<1x40x128xi32, #tpu.memory_space<hbm>>
      %dma_start3A_52 = tpu.memref_squeeze %dma_start3A_51 : memref<1x40x128xi32, #tpu.memory_space<hbm>> -> memref<40x128xi32, #tpu.memory_space<hbm>>
      %dma_start3A_53 = arith.constant 0 : i32
      %dma_start3A_54 = arith.constant 0 : i32
      %dma_start3A_55 = tpu.memref_slice %arg8[%dma_start3A_53, %dma_start3A_54] : memref<40x128xi32, #tpu.memory_space<vmem>> -> memref<40x128xi32, #tpu.memory_space<vmem>>
      %dma_start3A_56 = arith.constant 0 : i32
      %dma_start3A_57 = arith.constant 0 : i32
      %dma_start3A_58 = tpu.memref_slice %arg4[%add3A, %dma_start3A_56, %dma_start3A_57] : memref<32x79x128xi32, #tpu.memory_space<hbm>> -> memref<1x40x128xi32, #tpu.memory_space<hbm>>
      %dma_start3A_59 = tpu.memref_squeeze %dma_start3A_58 : memref<1x40x128xi32, #tpu.memory_space<hbm>> -> memref<40x128xi32, #tpu.memory_space<hbm>>
      tpu.enqueue_dma source(%dma_start3A_59 : memref<40x128xi32, #tpu.memory_space<hbm>>) target(%dma_start3A_55 : memref<40x128xi32, #tpu.memory_space<vmem>>) target_semaphore(%run_scoped3A_45 : memref<!tpu.dma_semaphore, #tpu.memory_space<semaphore_mem>>)
      %dma_wait3A_60 = arith.constant 0 : i32
      %dma_wait3A_61 = arith.constant 0 : i32
      %dma_wait3A_62 = tpu.memref_slice %arg8[%dma_wait3A_60, %dma_wait3A_61] : memref<40x128xi32, #tpu.memory_space<vmem>> -> memref<40x128xi32, #tpu.memory_space<vmem>>
      %dma_wait3A_63 = arith.constant 0 : i32
      %dma_wait3A_64 = arith.constant 0 : i32
      %dma_wait3A_65 = tpu.memref_slice %arg4[%add3A, %dma_wait3A_63, %dma_wait3A_64] : memref<32x79x128xi32, #tpu.memory_space<hbm>> -> memref<1x40x128xi32, #tpu.memory_space<hbm>>
      %dma_wait3A_66 = tpu.memref_squeeze %dma_wait3A_65 : memref<1x40x128xi32, #tpu.memory_space<hbm>> -> memref<40x128xi32, #tpu.memory_space<hbm>>
      %dma_wait3A_67 = arith.constant 0 : i32
      %dma_wait3A_68 = arith.constant 0 : i32
      %dma_wait3A_69 = tpu.memref_slice %arg8[%dma_wait3A_67, %dma_wait3A_68] : memref<40x128xi32, #tpu.memory_space<vmem>> -> memref<40x128xi32, #tpu.memory_space<vmem>>
      %dma_wait3A_70 = arith.constant 0 : i32
      %dma_wait3A_71 = arith.constant 0 : i32
      %dma_wait3A_72 = tpu.memref_slice %arg4[%add3A, %dma_wait3A_70, %dma_wait3A_71] : memref<32x79x128xi32, #tpu.memory_space<hbm>> -> memref<1x40x128xi32, #tpu.memory_space<hbm>>
      %dma_wait3A_73 = tpu.memref_squeeze %dma_wait3A_72 : memref<1x40x128xi32, #tpu.memory_space<hbm>> -> memref<40x128xi32, #tpu.memory_space<hbm>>
      tpu.wait_dma2 semaphore(%run_scoped3A_45 : memref<!tpu.dma_semaphore, #tpu.memory_space<semaphore_mem>>) src(%dma_wait3A_73 : memref<40x128xi32, #tpu.memory_space<hbm>>) dst(%dma_wait3A_69 : memref<40x128xi32, #tpu.memory_space<vmem>>)
      tpu.yield
    }) : () -> ()
    %dma_start3A = arith.constant 0 : i32
    %dma_start3A_3 = arith.constant 0 : i32
    %dma_start3A_4 = tpu.memref_slice %arg7[%dma_start3A, %dma_start3A_3] : memref<40x128xi32, #tpu.memory_space<vmem>> -> memref<1x128xi32, #tpu.memory_space<vmem>>
    %dma_start3A_5 = tpu.memref_squeeze %dma_start3A_4 : memref<1x128xi32, #tpu.memory_space<vmem>> -> memref<128xi32, #tpu.memory_space<vmem>>
    %dma_start3A_6 = arith.constant 0 : i32
    %dma_start3A_7 = arith.constant 0 : i32
    %dma_start3A_8 = tpu.memref_slice %arg2[%dma_start3A_6, %dma_start3A_7] : memref<10240x128xf32, #tpu.memory_space<hbm>> -> memref<10240x128xf32, #tpu.memory_space<hbm>>
    tpu.enqueue_indirect_dma source(%dma_start3A_8 : memref<10240x128xf32, #tpu.memory_space<hbm>>) target(%arg9 : memref<128x128xf32, #tpu.memory_space<vmem>>) offsets(%dma_start3A_5 : memref<128xi32, #tpu.memory_space<vmem>>) semaphore(%arg12 : memref<!tpu.dma_semaphore, #tpu.memory_space<semaphore_mem>>)
    %scan3A = arith.constant 0 : i32
    %scan3A_9 = arith.constant 0 : i32
    %scan3A_10 = arith.constant 20 : i32
    %scan3A_11 = arith.addi %scan3A_9, %scan3A_10 : i32
    %scan3A_12 = arith.constant 1 : i32
    scf.for %scan3A_45 = %scan3A_9 to %scan3A_11 step %scan3A_12  : i32 {
      %mul3A_46 = arith.constant 2 : i32
      %mul3A_47 = arith.muli %mul3A_46, %scan3A_45 : i32
      %add3A_48 = arith.constant 1 : i32
      %add3A_49 = arith.addi %mul3A_47, %add3A_48 : i32
      %dma_start3A_50 = arith.constant 0 : i32
      %dma_start3A_51 = tpu.memref_slice %arg7[%add3A_49, %dma_start3A_50] : memref<40x128xi32, #tpu.memory_space<vmem>> -> memref<1x128xi32, #tpu.memory_space<vmem>>
      %dma_start3A_52 = tpu.memref_squeeze %dma_start3A_51 : memref<1x128xi32, #tpu.memory_space<vmem>> -> memref<128xi32, #tpu.memory_space<vmem>>
      %dma_start3A_53 = arith.constant 0 : i32
      %dma_start3A_54 = arith.constant 0 : i32
      %dma_start3A_55 = tpu.memref_slice %arg2[%dma_start3A_53, %dma_start3A_54] : memref<10240x128xf32, #tpu.memory_space<hbm>> -> memref<10240x128xf32, #tpu.memory_space<hbm>>
      tpu.enqueue_indirect_dma source(%dma_start3A_55 : memref<10240x128xf32, #tpu.memory_space<hbm>>) target(%arg10 : memref<128x128xf32, #tpu.memory_space<vmem>>) offsets(%dma_start3A_52 : memref<128xi32, #tpu.memory_space<vmem>>) semaphore(%arg13 : memref<!tpu.dma_semaphore, #tpu.memory_space<semaphore_mem>>)
      %dma_wait3A_56 = arith.constant 0 : i32
      %dma_wait3A_57 = arith.constant 0 : i32
      %dma_wait3A_58 = tpu.memref_slice %arg7[%dma_wait3A_56, %dma_wait3A_57] : memref<40x128xi32, #tpu.memory_space<vmem>> -> memref<1x128xi32, #tpu.memory_space<vmem>>
      %dma_wait3A_59 = tpu.memref_squeeze %dma_wait3A_58 : memref<1x128xi32, #tpu.memory_space<vmem>> -> memref<128xi32, #tpu.memory_space<vmem>>
      %dma_wait3A_60 = arith.constant 0 : i32
      %dma_wait3A_61 = arith.constant 0 : i32
      %dma_wait3A_62 = tpu.memref_slice %arg2[%dma_wait3A_60, %dma_wait3A_61] : memref<10240x128xf32, #tpu.memory_space<hbm>> -> memref<10240x128xf32, #tpu.memory_space<hbm>>
      tpu.wait_indirect_dma semaphore(%arg12 : memref<!tpu.dma_semaphore, #tpu.memory_space<semaphore_mem>>) src(%dma_wait3A_62 : memref<10240x128xf32, #tpu.memory_space<hbm>>) dst(%arg9 : memref<128x128xf32, #tpu.memory_space<vmem>>)
      "tpu.region"() ({
        %run_scoped3A_76 = tpu.sem_alloc : memref<!tpu.dma_semaphore, #tpu.memory_space<semaphore_mem>>
        %dma_start3A_77 = arith.constant 0 : i32
        %dma_start3A_78 = tpu.memref_slice %arg8[%mul3A_47, %dma_start3A_77] : memref<40x128xi32, #tpu.memory_space<vmem>> -> memref<1x128xi32, #tpu.memory_space<vmem>>
        %dma_start3A_79 = tpu.memref_squeeze %dma_start3A_78 : memref<1x128xi32, #tpu.memory_space<vmem>> -> memref<128xi32, #tpu.memory_space<vmem>>
        %dma_start3A_80 = arith.constant 0 : i32
        %dma_start3A_81 = arith.constant 0 : i32
        %dma_start3A_82 = tpu.memref_slice %arg11[%dma_start3A_80, %dma_start3A_81] : memref<10240x128xf32, #tpu.memory_space<vmem_shared>> -> memref<10240x128xf32, #tpu.memory_space<vmem_shared>>
        tpu.enqueue_indirect_dma source(%arg9 : memref<128x128xf32, #tpu.memory_space<vmem>>) target(%dma_start3A_82 : memref<10240x128xf32, #tpu.memory_space<vmem_shared>>) offsets(%dma_start3A_79 : memref<128xi32, #tpu.memory_space<vmem>>) semaphore(%run_scoped3A_76 : memref<!tpu.dma_semaphore, #tpu.memory_space<semaphore_mem>>) {add = true}
        %dma_wait3A_83 = arith.constant 0 : i32
        %dma_wait3A_84 = tpu.memref_slice %arg8[%mul3A_47, %dma_wait3A_83] : memref<40x128xi32, #tpu.memory_space<vmem>> -> memref<1x128xi32, #tpu.memory_space<vmem>>
        %dma_wait3A_85 = tpu.memref_squeeze %dma_wait3A_84 : memref<1x128xi32, #tpu.memory_space<vmem>> -> memref<128xi32, #tpu.memory_space<vmem>>
        %dma_wait3A_86 = arith.constant 0 : i32
        %dma_wait3A_87 = arith.constant 0 : i32
        %dma_wait3A_88 = tpu.memref_slice %arg11[%dma_wait3A_86, %dma_wait3A_87] : memref<10240x128xf32, #tpu.memory_space<vmem_shared>> -> memref<10240x128xf32, #tpu.memory_space<vmem_shared>>
        tpu.wait_indirect_dma semaphore(%run_scoped3A_76 : memref<!tpu.dma_semaphore, #tpu.memory_space<semaphore_mem>>) src(%arg9 : memref<128x128xf32, #tpu.memory_space<vmem>>) dst(%dma_wait3A_88 : memref<10240x128xf32, #tpu.memory_space<vmem_shared>>)
        tpu.yield
      }) : () -> ()
      %add3A_63 = arith.constant 1 : i32
      %add3A_64 = arith.addi %scan3A_45, %add3A_63 : i32
      %lt3A = arith.constant 20 : i32
      %lt3A_65 = arith.cmpi slt, %add3A_64, %lt3A : i32
      %convert_element_type3A = arith.extui %lt3A_65 : i1 to i32
      %cond3A = arith.constant 0 : i32
      %cond3A_66 = arith.cmpi ne, %convert_element_type3A, %cond3A : i32
      scf.if %cond3A_66 {
        %add3A_76 = arith.constant 2 : i32
        %add3A_77 = arith.addi %mul3A_47, %add3A_76 : i32
        %dma_start3A_78 = arith.constant 0 : i32
        %dma_start3A_79 = tpu.memref_slice %arg7[%add3A_77, %dma_start3A_78] : memref<40x128xi32, #tpu.memory_space<vmem>> -> memref<1x128xi32, #tpu.memory_space<vmem>>
        %dma_start3A_80 = tpu.memref_squeeze %dma_start3A_79 : memref<1x128xi32, #tpu.memory_space<vmem>> -> memref<128xi32, #tpu.memory_space<vmem>>
        %dma_start3A_81 = arith.constant 0 : i32
        %dma_start3A_82 = arith.constant 0 : i32
        %dma_start3A_83 = tpu.memref_slice %arg2[%dma_start3A_81, %dma_start3A_82] : memref<10240x128xf32, #tpu.memory_space<hbm>> -> memref<10240x128xf32, #tpu.memory_space<hbm>>
        tpu.enqueue_indirect_dma source(%dma_start3A_83 : memref<10240x128xf32, #tpu.memory_space<hbm>>) target(%arg9 : memref<128x128xf32, #tpu.memory_space<vmem>>) offsets(%dma_start3A_80 : memref<128xi32, #tpu.memory_space<vmem>>) semaphore(%arg12 : memref<!tpu.dma_semaphore, #tpu.memory_space<semaphore_mem>>)
      } else {
      }
      %dma_wait3A_67 = arith.constant 1 : i32
      %dma_wait3A_68 = arith.constant 0 : i32
      %dma_wait3A_69 = tpu.memref_slice %arg7[%dma_wait3A_67, %dma_wait3A_68] : memref<40x128xi32, #tpu.memory_space<vmem>> -> memref<1x128xi32, #tpu.memory_space<vmem>>
      %dma_wait3A_70 = tpu.memref_squeeze %dma_wait3A_69 : memref<1x128xi32, #tpu.memory_space<vmem>> -> memref<128xi32, #tpu.memory_space<vmem>>
      %dma_wait3A_71 = arith.constant 0 : i32
      %dma_wait3A_72 = arith.constant 0 : i32
      %dma_wait3A_73 = tpu.memref_slice %arg2[%dma_wait3A_71, %dma_wait3A_72] : memref<10240x128xf32, #tpu.memory_space<hbm>> -> memref<10240x128xf32, #tpu.memory_space<hbm>>
      tpu.wait_indirect_dma semaphore(%arg13 : memref<!tpu.dma_semaphore, #tpu.memory_space<semaphore_mem>>) src(%dma_wait3A_73 : memref<10240x128xf32, #tpu.memory_space<hbm>>) dst(%arg10 : memref<128x128xf32, #tpu.memory_space<vmem>>)
      %add3A_74 = arith.constant 1 : i32
      %add3A_75 = arith.addi %mul3A_47, %add3A_74 : i32
      "tpu.region"() ({
        %run_scoped3A_76 = tpu.sem_alloc : memref<!tpu.dma_semaphore, #tpu.memory_space<semaphore_mem>>
        %dma_start3A_77 = arith.constant 0 : i32
        %dma_start3A_78 = tpu.memref_slice %arg8[%add3A_75, %dma_start3A_77] : memref<40x128xi32, #tpu.memory_space<vmem>> -> memref<1x128xi32, #tpu.memory_space<vmem>>
        %dma_start3A_79 = tpu.memref_squeeze %dma_start3A_78 : memref<1x128xi32, #tpu.memory_space<vmem>> -> memref<128xi32, #tpu.memory_space<vmem>>
        %dma_start3A_80 = arith.constant 0 : i32
        %dma_start3A_81 = arith.constant 0 : i32
        %dma_start3A_82 = tpu.memref_slice %arg11[%dma_start3A_80, %dma_start3A_81] : memref<10240x128xf32, #tpu.memory_space<vmem_shared>> -> memref<10240x128xf32, #tpu.memory_space<vmem_shared>>
        tpu.enqueue_indirect_dma source(%arg10 : memref<128x128xf32, #tpu.memory_space<vmem>>) target(%dma_start3A_82 : memref<10240x128xf32, #tpu.memory_space<vmem_shared>>) offsets(%dma_start3A_79 : memref<128xi32, #tpu.memory_space<vmem>>) semaphore(%run_scoped3A_76 : memref<!tpu.dma_semaphore, #tpu.memory_space<semaphore_mem>>) {add = true}
        %dma_wait3A_83 = arith.constant 0 : i32
        %dma_wait3A_84 = tpu.memref_slice %arg8[%add3A_75, %dma_wait3A_83] : memref<40x128xi32, #tpu.memory_space<vmem>> -> memref<1x128xi32, #tpu.memory_space<vmem>>
        %dma_wait3A_85 = tpu.memref_squeeze %dma_wait3A_84 : memref<1x128xi32, #tpu.memory_space<vmem>> -> memref<128xi32, #tpu.memory_space<vmem>>
        %dma_wait3A_86 = arith.constant 0 : i32
        %dma_wait3A_87 = arith.constant 0 : i32
        %dma_wait3A_88 = tpu.memref_slice %arg11[%dma_wait3A_86, %dma_wait3A_87] : memref<10240x128xf32, #tpu.memory_space<vmem_shared>> -> memref<10240x128xf32, #tpu.memory_space<vmem_shared>>
        tpu.wait_indirect_dma semaphore(%run_scoped3A_76 : memref<!tpu.dma_semaphore, #tpu.memory_space<semaphore_mem>>) src(%arg10 : memref<128x128xf32, #tpu.memory_space<vmem>>) dst(%dma_wait3A_88 : memref<10240x128xf32, #tpu.memory_space<vmem_shared>>)
        tpu.yield
      }) : () -> ()
    }
    %scan3A_13 = arith.constant 20 : i32
    "tpu.region"() ({
      %run_scoped3A_45 = tpu.sem_alloc : memref<!tpu.dma_semaphore, #tpu.memory_space<semaphore_mem>>
      %dma_start3A_46 = arith.constant 0 : i32
      %dma_start3A_47 = arith.constant 0 : i32
      %dma_start3A_48 = tpu.memref_slice %arg7[%dma_start3A_46, %dma_start3A_47] : memref<40x128xi32, #tpu.memory_space<vmem>> -> memref<39x128xi32, #tpu.memory_space<vmem>>
      %dma_start3A_49 = arith.constant 40 : i32
      %dma_start3A_50 = arith.constant 0 : i32
      %dma_start3A_51 = tpu.memref_slice %arg3[%add3A, %dma_start3A_49, %dma_start3A_50] : memref<32x79x128xi32, #tpu.memory_space<hbm>> -> memref<1x39x128xi32, #tpu.memory_space<hbm>>
      %dma_start3A_52 = tpu.memref_squeeze %dma_start3A_51 : memref<1x39x128xi32, #tpu.memory_space<hbm>> -> memref<39x128xi32, #tpu.memory_space<hbm>>
      %dma_start3A_53 = arith.constant 0 : i32
      %dma_start3A_54 = arith.constant 0 : i32
      %dma_start3A_55 = tpu.memref_slice %arg7[%dma_start3A_53, %dma_start3A_54] : memref<40x128xi32, #tpu.memory_space<vmem>> -> memref<39x128xi32, #tpu.memory_space<vmem>>
      %dma_start3A_56 = arith.constant 40 : i32
      %dma_start3A_57 = arith.constant 0 : i32
      %dma_start3A_58 = tpu.memref_slice %arg3[%add3A, %dma_start3A_56, %dma_start3A_57] : memref<32x79x128xi32, #tpu.memory_space<hbm>> -> memref<1x39x128xi32, #tpu.memory_space<hbm>>
      %dma_start3A_59 = tpu.memref_squeeze %dma_start3A_58 : memref<1x39x128xi32, #tpu.memory_space<hbm>> -> memref<39x128xi32, #tpu.memory_space<hbm>>
      tpu.enqueue_dma source(%dma_start3A_59 : memref<39x128xi32, #tpu.memory_space<hbm>>) target(%dma_start3A_55 : memref<39x128xi32, #tpu.memory_space<vmem>>) target_semaphore(%run_scoped3A_45 : memref<!tpu.dma_semaphore, #tpu.memory_space<semaphore_mem>>)
      %dma_wait3A_60 = arith.constant 0 : i32
      %dma_wait3A_61 = arith.constant 0 : i32
      %dma_wait3A_62 = tpu.memref_slice %arg7[%dma_wait3A_60, %dma_wait3A_61] : memref<40x128xi32, #tpu.memory_space<vmem>> -> memref<39x128xi32, #tpu.memory_space<vmem>>
      %dma_wait3A_63 = arith.constant 40 : i32
      %dma_wait3A_64 = arith.constant 0 : i32
      %dma_wait3A_65 = tpu.memref_slice %arg3[%add3A, %dma_wait3A_63, %dma_wait3A_64] : memref<32x79x128xi32, #tpu.memory_space<hbm>> -> memref<1x39x128xi32, #tpu.memory_space<hbm>>
      %dma_wait3A_66 = tpu.memref_squeeze %dma_wait3A_65 : memref<1x39x128xi32, #tpu.memory_space<hbm>> -> memref<39x128xi32, #tpu.memory_space<hbm>>
      %dma_wait3A_67 = arith.constant 0 : i32
      %dma_wait3A_68 = arith.constant 0 : i32
      %dma_wait3A_69 = tpu.memref_slice %arg7[%dma_wait3A_67, %dma_wait3A_68] : memref<40x128xi32, #tpu.memory_space<vmem>> -> memref<39x128xi32, #tpu.memory_space<vmem>>
      %dma_wait3A_70 = arith.constant 40 : i32
      %dma_wait3A_71 = arith.constant 0 : i32
      %dma_wait3A_72 = tpu.memref_slice %arg3[%add3A, %dma_wait3A_70, %dma_wait3A_71] : memref<32x79x128xi32, #tpu.memory_space<hbm>> -> memref<1x39x128xi32, #tpu.memory_space<hbm>>
      %dma_wait3A_73 = tpu.memref_squeeze %dma_wait3A_72 : memref<1x39x128xi32, #tpu.memory_space<hbm>> -> memref<39x128xi32, #tpu.memory_space<hbm>>
      tpu.wait_dma2 semaphore(%run_scoped3A_45 : memref<!tpu.dma_semaphore, #tpu.memory_space<semaphore_mem>>) src(%dma_wait3A_73 : memref<39x128xi32, #tpu.memory_space<hbm>>) dst(%dma_wait3A_69 : memref<39x128xi32, #tpu.memory_space<vmem>>)
      tpu.yield
    }) : () -> ()
    "tpu.region"() ({
      %run_scoped3A_45 = tpu.sem_alloc : memref<!tpu.dma_semaphore, #tpu.memory_space<semaphore_mem>>
      %dma_start3A_46 = arith.constant 0 : i32
      %dma_start3A_47 = arith.constant 0 : i32
      %dma_start3A_48 = tpu.memref_slice %arg8[%dma_start3A_46, %dma_start3A_47] : memref<40x128xi32, #tpu.memory_space<vmem>> -> memref<39x128xi32, #tpu.memory_space<vmem>>
      %dma_start3A_49 = arith.constant 40 : i32
      %dma_start3A_50 = arith.constant 0 : i32
      %dma_start3A_51 = tpu.memref_slice %arg4[%add3A, %dma_start3A_49, %dma_start3A_50] : memref<32x79x128xi32, #tpu.memory_space<hbm>> -> memref<1x39x128xi32, #tpu.memory_space<hbm>>
      %dma_start3A_52 = tpu.memref_squeeze %dma_start3A_51 : memref<1x39x128xi32, #tpu.memory_space<hbm>> -> memref<39x128xi32, #tpu.memory_space<hbm>>
      %dma_start3A_53 = arith.constant 0 : i32
      %dma_start3A_54 = arith.constant 0 : i32
      %dma_start3A_55 = tpu.memref_slice %arg8[%dma_start3A_53, %dma_start3A_54] : memref<40x128xi32, #tpu.memory_space<vmem>> -> memref<39x128xi32, #tpu.memory_space<vmem>>
      %dma_start3A_56 = arith.constant 40 : i32
      %dma_start3A_57 = arith.constant 0 : i32
      %dma_start3A_58 = tpu.memref_slice %arg4[%add3A, %dma_start3A_56, %dma_start3A_57] : memref<32x79x128xi32, #tpu.memory_space<hbm>> -> memref<1x39x128xi32, #tpu.memory_space<hbm>>
      %dma_start3A_59 = tpu.memref_squeeze %dma_start3A_58 : memref<1x39x128xi32, #tpu.memory_space<hbm>> -> memref<39x128xi32, #tpu.memory_space<hbm>>
      tpu.enqueue_dma source(%dma_start3A_59 : memref<39x128xi32, #tpu.memory_space<hbm>>) target(%dma_start3A_55 : memref<39x128xi32, #tpu.memory_space<vmem>>) target_semaphore(%run_scoped3A_45 : memref<!tpu.dma_semaphore, #tpu.memory_space<semaphore_mem>>)
      %dma_wait3A_60 = arith.constant 0 : i32
      %dma_wait3A_61 = arith.constant 0 : i32
      %dma_wait3A_62 = tpu.memref_slice %arg8[%dma_wait3A_60, %dma_wait3A_61] : memref<40x128xi32, #tpu.memory_space<vmem>> -> memref<39x128xi32, #tpu.memory_space<vmem>>
      %dma_wait3A_63 = arith.constant 40 : i32
      %dma_wait3A_64 = arith.constant 0 : i32
      %dma_wait3A_65 = tpu.memref_slice %arg4[%add3A, %dma_wait3A_63, %dma_wait3A_64] : memref<32x79x128xi32, #tpu.memory_space<hbm>> -> memref<1x39x128xi32, #tpu.memory_space<hbm>>
      %dma_wait3A_66 = tpu.memref_squeeze %dma_wait3A_65 : memref<1x39x128xi32, #tpu.memory_space<hbm>> -> memref<39x128xi32, #tpu.memory_space<hbm>>
      %dma_wait3A_67 = arith.constant 0 : i32
      %dma_wait3A_68 = arith.constant 0 : i32
      %dma_wait3A_69 = tpu.memref_slice %arg8[%dma_wait3A_67, %dma_wait3A_68] : memref<40x128xi32, #tpu.memory_space<vmem>> -> memref<39x128xi32, #tpu.memory_space<vmem>>
      %dma_wait3A_70 = arith.constant 40 : i32
      %dma_wait3A_71 = arith.constant 0 : i32
      %dma_wait3A_72 = tpu.memref_slice %arg4[%add3A, %dma_wait3A_70, %dma_wait3A_71] : memref<32x79x128xi32, #tpu.memory_space<hbm>> -> memref<1x39x128xi32, #tpu.memory_space<hbm>>
      %dma_wait3A_73 = tpu.memref_squeeze %dma_wait3A_72 : memref<1x39x128xi32, #tpu.memory_space<hbm>> -> memref<39x128xi32, #tpu.memory_space<hbm>>
      tpu.wait_dma2 semaphore(%run_scoped3A_45 : memref<!tpu.dma_semaphore, #tpu.memory_space<semaphore_mem>>) src(%dma_wait3A_73 : memref<39x128xi32, #tpu.memory_space<hbm>>) dst(%dma_wait3A_69 : memref<39x128xi32, #tpu.memory_space<vmem>>)
      tpu.yield
    }) : () -> ()
    %dma_start3A_14 = arith.constant 0 : i32
    %dma_start3A_15 = arith.constant 0 : i32
    %dma_start3A_16 = tpu.memref_slice %arg7[%dma_start3A_14, %dma_start3A_15] : memref<40x128xi32, #tpu.memory_space<vmem>> -> memref<1x128xi32, #tpu.memory_space<vmem>>
    %dma_start3A_17 = tpu.memref_squeeze %dma_start3A_16 : memref<1x128xi32, #tpu.memory_space<vmem>> -> memref<128xi32, #tpu.memory_space<vmem>>
    %dma_start3A_18 = arith.constant 0 : i32
    %dma_start3A_19 = arith.constant 0 : i32
    %dma_start3A_20 = tpu.memref_slice %arg2[%dma_start3A_18, %dma_start3A_19] : memref<10240x128xf32, #tpu.memory_space<hbm>> -> memref<10240x128xf32, #tpu.memory_space<hbm>>
    tpu.enqueue_indirect_dma source(%dma_start3A_20 : memref<10240x128xf32, #tpu.memory_space<hbm>>) target(%arg9 : memref<128x128xf32, #tpu.memory_space<vmem>>) offsets(%dma_start3A_17 : memref<128xi32, #tpu.memory_space<vmem>>) semaphore(%arg12 : memref<!tpu.dma_semaphore, #tpu.memory_space<semaphore_mem>>)
    %scan3A_21 = arith.constant 0 : i32
    %scan3A_22 = arith.constant 0 : i32
    %scan3A_23 = arith.constant 19 : i32
    %scan3A_24 = arith.addi %scan3A_22, %scan3A_23 : i32
    %scan3A_25 = arith.constant 1 : i32
    scf.for %scan3A_45 = %scan3A_22 to %scan3A_24 step %scan3A_25  : i32 {
      %mul3A_46 = arith.constant 2 : i32
      %mul3A_47 = arith.muli %mul3A_46, %scan3A_45 : i32
      %add3A_48 = arith.constant 1 : i32
      %add3A_49 = arith.addi %mul3A_47, %add3A_48 : i32
      %dma_start3A_50 = arith.constant 0 : i32
      %dma_start3A_51 = tpu.memref_slice %arg7[%add3A_49, %dma_start3A_50] : memref<40x128xi32, #tpu.memory_space<vmem>> -> memref<1x128xi32, #tpu.memory_space<vmem>>
      %dma_start3A_52 = tpu.memref_squeeze %dma_start3A_51 : memref<1x128xi32, #tpu.memory_space<vmem>> -> memref<128xi32, #tpu.memory_space<vmem>>
      %dma_start3A_53 = arith.constant 0 : i32
      %dma_start3A_54 = arith.constant 0 : i32
      %dma_start3A_55 = tpu.memref_slice %arg2[%dma_start3A_53, %dma_start3A_54] : memref<10240x128xf32, #tpu.memory_space<hbm>> -> memref<10240x128xf32, #tpu.memory_space<hbm>>
      tpu.enqueue_indirect_dma source(%dma_start3A_55 : memref<10240x128xf32, #tpu.memory_space<hbm>>) target(%arg10 : memref<128x128xf32, #tpu.memory_space<vmem>>) offsets(%dma_start3A_52 : memref<128xi32, #tpu.memory_space<vmem>>) semaphore(%arg13 : memref<!tpu.dma_semaphore, #tpu.memory_space<semaphore_mem>>)
      %dma_wait3A_56 = arith.constant 0 : i32
      %dma_wait3A_57 = arith.constant 0 : i32
      %dma_wait3A_58 = tpu.memref_slice %arg7[%dma_wait3A_56, %dma_wait3A_57] : memref<40x128xi32, #tpu.memory_space<vmem>> -> memref<1x128xi32, #tpu.memory_space<vmem>>
      %dma_wait3A_59 = tpu.memref_squeeze %dma_wait3A_58 : memref<1x128xi32, #tpu.memory_space<vmem>> -> memref<128xi32, #tpu.memory_space<vmem>>
      %dma_wait3A_60 = arith.constant 0 : i32
      %dma_wait3A_61 = arith.constant 0 : i32
      %dma_wait3A_62 = tpu.memref_slice %arg2[%dma_wait3A_60, %dma_wait3A_61] : memref<10240x128xf32, #tpu.memory_space<hbm>> -> memref<10240x128xf32, #tpu.memory_space<hbm>>
      tpu.wait_indirect_dma semaphore(%arg12 : memref<!tpu.dma_semaphore, #tpu.memory_space<semaphore_mem>>) src(%dma_wait3A_62 : memref<10240x128xf32, #tpu.memory_space<hbm>>) dst(%arg9 : memref<128x128xf32, #tpu.memory_space<vmem>>)
      "tpu.region"() ({
        %run_scoped3A_76 = tpu.sem_alloc : memref<!tpu.dma_semaphore, #tpu.memory_space<semaphore_mem>>
        %dma_start3A_77 = arith.constant 0 : i32
        %dma_start3A_78 = tpu.memref_slice %arg8[%mul3A_47, %dma_start3A_77] : memref<40x128xi32, #tpu.memory_space<vmem>> -> memref<1x128xi32, #tpu.memory_space<vmem>>
        %dma_start3A_79 = tpu.memref_squeeze %dma_start3A_78 : memref<1x128xi32, #tpu.memory_space<vmem>> -> memref<128xi32, #tpu.memory_space<vmem>>
        %dma_start3A_80 = arith.constant 0 : i32
        %dma_start3A_81 = arith.constant 0 : i32
        %dma_start3A_82 = tpu.memref_slice %arg11[%dma_start3A_80, %dma_start3A_81] : memref<10240x128xf32, #tpu.memory_space<vmem_shared>> -> memref<10240x128xf32, #tpu.memory_space<vmem_shared>>
        tpu.enqueue_indirect_dma source(%arg9 : memref<128x128xf32, #tpu.memory_space<vmem>>) target(%dma_start3A_82 : memref<10240x128xf32, #tpu.memory_space<vmem_shared>>) offsets(%dma_start3A_79 : memref<128xi32, #tpu.memory_space<vmem>>) semaphore(%run_scoped3A_76 : memref<!tpu.dma_semaphore, #tpu.memory_space<semaphore_mem>>) {add = true}
        %dma_wait3A_83 = arith.constant 0 : i32
        %dma_wait3A_84 = tpu.memref_slice %arg8[%mul3A_47, %dma_wait3A_83] : memref<40x128xi32, #tpu.memory_space<vmem>> -> memref<1x128xi32, #tpu.memory_space<vmem>>
        %dma_wait3A_85 = tpu.memref_squeeze %dma_wait3A_84 : memref<1x128xi32, #tpu.memory_space<vmem>> -> memref<128xi32, #tpu.memory_space<vmem>>
        %dma_wait3A_86 = arith.constant 0 : i32
        %dma_wait3A_87 = arith.constant 0 : i32
        %dma_wait3A_88 = tpu.memref_slice %arg11[%dma_wait3A_86, %dma_wait3A_87] : memref<10240x128xf32, #tpu.memory_space<vmem_shared>> -> memref<10240x128xf32, #tpu.memory_space<vmem_shared>>
        tpu.wait_indirect_dma semaphore(%run_scoped3A_76 : memref<!tpu.dma_semaphore, #tpu.memory_space<semaphore_mem>>) src(%arg9 : memref<128x128xf32, #tpu.memory_space<vmem>>) dst(%dma_wait3A_88 : memref<10240x128xf32, #tpu.memory_space<vmem_shared>>)
        tpu.yield
      }) : () -> ()
      %add3A_63 = arith.constant 1 : i32
      %add3A_64 = arith.addi %scan3A_45, %add3A_63 : i32
      %lt3A = arith.constant 19 : i32
      %lt3A_65 = arith.cmpi slt, %add3A_64, %lt3A : i32
      %convert_element_type3A = arith.extui %lt3A_65 : i1 to i32
      %cond3A = arith.constant 0 : i32
      %cond3A_66 = arith.cmpi ne, %convert_element_type3A, %cond3A : i32
      scf.if %cond3A_66 {
        %add3A_76 = arith.constant 2 : i32
        %add3A_77 = arith.addi %mul3A_47, %add3A_76 : i32
        %dma_start3A_78 = arith.constant 0 : i32
        %dma_start3A_79 = tpu.memref_slice %arg7[%add3A_77, %dma_start3A_78] : memref<40x128xi32, #tpu.memory_space<vmem>> -> memref<1x128xi32, #tpu.memory_space<vmem>>
        %dma_start3A_80 = tpu.memref_squeeze %dma_start3A_79 : memref<1x128xi32, #tpu.memory_space<vmem>> -> memref<128xi32, #tpu.memory_space<vmem>>
        %dma_start3A_81 = arith.constant 0 : i32
        %dma_start3A_82 = arith.constant 0 : i32
        %dma_start3A_83 = tpu.memref_slice %arg2[%dma_start3A_81, %dma_start3A_82] : memref<10240x128xf32, #tpu.memory_space<hbm>> -> memref<10240x128xf32, #tpu.memory_space<hbm>>
        tpu.enqueue_indirect_dma source(%dma_start3A_83 : memref<10240x128xf32, #tpu.memory_space<hbm>>) target(%arg9 : memref<128x128xf32, #tpu.memory_space<vmem>>) offsets(%dma_start3A_80 : memref<128xi32, #tpu.memory_space<vmem>>) semaphore(%arg12 : memref<!tpu.dma_semaphore, #tpu.memory_space<semaphore_mem>>)
      } else {
      }
      %dma_wait3A_67 = arith.constant 1 : i32
      %dma_wait3A_68 = arith.constant 0 : i32
      %dma_wait3A_69 = tpu.memref_slice %arg7[%dma_wait3A_67, %dma_wait3A_68] : memref<40x128xi32, #tpu.memory_space<vmem>> -> memref<1x128xi32, #tpu.memory_space<vmem>>
      %dma_wait3A_70 = tpu.memref_squeeze %dma_wait3A_69 : memref<1x128xi32, #tpu.memory_space<vmem>> -> memref<128xi32, #tpu.memory_space<vmem>>
      %dma_wait3A_71 = arith.constant 0 : i32
      %dma_wait3A_72 = arith.constant 0 : i32
      %dma_wait3A_73 = tpu.memref_slice %arg2[%dma_wait3A_71, %dma_wait3A_72] : memref<10240x128xf32, #tpu.memory_space<hbm>> -> memref<10240x128xf32, #tpu.memory_space<hbm>>
      tpu.wait_indirect_dma semaphore(%arg13 : memref<!tpu.dma_semaphore, #tpu.memory_space<semaphore_mem>>) src(%dma_wait3A_73 : memref<10240x128xf32, #tpu.memory_space<hbm>>) dst(%arg10 : memref<128x128xf32, #tpu.memory_space<vmem>>)
      %add3A_74 = arith.constant 1 : i32
      %add3A_75 = arith.addi %mul3A_47, %add3A_74 : i32
      "tpu.region"() ({
        %run_scoped3A_76 = tpu.sem_alloc : memref<!tpu.dma_semaphore, #tpu.memory_space<semaphore_mem>>
        %dma_start3A_77 = arith.constant 0 : i32
        %dma_start3A_78 = tpu.memref_slice %arg8[%add3A_75, %dma_start3A_77] : memref<40x128xi32, #tpu.memory_space<vmem>> -> memref<1x128xi32, #tpu.memory_space<vmem>>
        %dma_start3A_79 = tpu.memref_squeeze %dma_start3A_78 : memref<1x128xi32, #tpu.memory_space<vmem>> -> memref<128xi32, #tpu.memory_space<vmem>>
        %dma_start3A_80 = arith.constant 0 : i32
        %dma_start3A_81 = arith.constant 0 : i32
        %dma_start3A_82 = tpu.memref_slice %arg11[%dma_start3A_80, %dma_start3A_81] : memref<10240x128xf32, #tpu.memory_space<vmem_shared>> -> memref<10240x128xf32, #tpu.memory_space<vmem_shared>>
        tpu.enqueue_indirect_dma source(%arg10 : memref<128x128xf32, #tpu.memory_space<vmem>>) target(%dma_start3A_82 : memref<10240x128xf32, #tpu.memory_space<vmem_shared>>) offsets(%dma_start3A_79 : memref<128xi32, #tpu.memory_space<vmem>>) semaphore(%run_scoped3A_76 : memref<!tpu.dma_semaphore, #tpu.memory_space<semaphore_mem>>) {add = true}
        %dma_wait3A_83 = arith.constant 0 : i32
        %dma_wait3A_84 = tpu.memref_slice %arg8[%add3A_75, %dma_wait3A_83] : memref<40x128xi32, #tpu.memory_space<vmem>> -> memref<1x128xi32, #tpu.memory_space<vmem>>
        %dma_wait3A_85 = tpu.memref_squeeze %dma_wait3A_84 : memref<1x128xi32, #tpu.memory_space<vmem>> -> memref<128xi32, #tpu.memory_space<vmem>>
        %dma_wait3A_86 = arith.constant 0 : i32
        %dma_wait3A_87 = arith.constant 0 : i32
        %dma_wait3A_88 = tpu.memref_slice %arg11[%dma_wait3A_86, %dma_wait3A_87] : memref<10240x128xf32, #tpu.memory_space<vmem_shared>> -> memref<10240x128xf32, #tpu.memory_space<vmem_shared>>
        tpu.wait_indirect_dma semaphore(%run_scoped3A_76 : memref<!tpu.dma_semaphore, #tpu.memory_space<semaphore_mem>>) src(%arg10 : memref<128x128xf32, #tpu.memory_space<vmem>>) dst(%dma_wait3A_88 : memref<10240x128xf32, #tpu.memory_space<vmem_shared>>)
        tpu.yield
      }) : () -> ()
    }
    %scan3A_26 = arith.constant 19 : i32
    %dma_start3A_27 = arith.constant 38 : i32
    %dma_start3A_28 = arith.constant 0 : i32
    %dma_start3A_29 = tpu.memref_slice %arg7[%dma_start3A_27, %dma_start3A_28] : memref<40x128xi32, #tpu.memory_space<vmem>> -> memref<1x128xi32, #tpu.memory_space<vmem>>
    %dma_start3A_30 = tpu.memref_squeeze %dma_start3A_29 : memref<1x128xi32, #tpu.memory_space<vmem>> -> memref<128xi32, #tpu.memory_space<vmem>>
    %dma_start3A_31 = arith.constant 0 : i32
    %dma_start3A_32 = arith.constant 0 : i32
    %dma_start3A_33 = tpu.memref_slice %arg2[%dma_start3A_31, %dma_start3A_32] : memref<10240x128xf32, #tpu.memory_space<hbm>> -> memref<10240x128xf32, #tpu.memory_space<hbm>>
    tpu.enqueue_indirect_dma source(%dma_start3A_33 : memref<10240x128xf32, #tpu.memory_space<hbm>>) target(%arg9 : memref<128x128xf32, #tpu.memory_space<vmem>>) offsets(%dma_start3A_30 : memref<128xi32, #tpu.memory_space<vmem>>) semaphore(%arg12 : memref<!tpu.dma_semaphore, #tpu.memory_space<semaphore_mem>>)
    %dma_wait3A = arith.constant 0 : i32
    %dma_wait3A_34 = arith.constant 0 : i32
    %dma_wait3A_35 = tpu.memref_slice %arg7[%dma_wait3A, %dma_wait3A_34] : memref<40x128xi32, #tpu.memory_space<vmem>> -> memref<1x128xi32, #tpu.memory_space<vmem>>
    %dma_wait3A_36 = tpu.memref_squeeze %dma_wait3A_35 : memref<1x128xi32, #tpu.memory_space<vmem>> -> memref<128xi32, #tpu.memory_space<vmem>>
    %dma_wait3A_37 = arith.constant 0 : i32
    %dma_wait3A_38 = arith.constant 0 : i32
    %dma_wait3A_39 = tpu.memref_slice %arg2[%dma_wait3A_37, %dma_wait3A_38] : memref<10240x128xf32, #tpu.memory_space<hbm>> -> memref<10240x128xf32, #tpu.memory_space<hbm>>
    tpu.wait_indirect_dma semaphore(%arg12 : memref<!tpu.dma_semaphore, #tpu.memory_space<semaphore_mem>>) src(%dma_wait3A_39 : memref<10240x128xf32, #tpu.memory_space<hbm>>) dst(%arg9 : memref<128x128xf32, #tpu.memory_space<vmem>>)
    %run_scoped3A = arith.constant 38 : i32
    "tpu.region"() ({
      %run_scoped3A_45 = tpu.sem_alloc : memref<!tpu.dma_semaphore, #tpu.memory_space<semaphore_mem>>
      %dma_start3A_46 = arith.constant 0 : i32
      %dma_start3A_47 = tpu.memref_slice %arg8[%run_scoped3A, %dma_start3A_46] : memref<40x128xi32, #tpu.memory_space<vmem>> -> memref<1x128xi32, #tpu.memory_space<vmem>>
      %dma_start3A_48 = tpu.memref_squeeze %dma_start3A_47 : memref<1x128xi32, #tpu.memory_space<vmem>> -> memref<128xi32, #tpu.memory_space<vmem>>
      %dma_start3A_49 = arith.constant 0 : i32
      %dma_start3A_50 = arith.constant 0 : i32
      %dma_start3A_51 = tpu.memref_slice %arg11[%dma_start3A_49, %dma_start3A_50] : memref<10240x128xf32, #tpu.memory_space<vmem_shared>> -> memref<10240x128xf32, #tpu.memory_space<vmem_shared>>
      tpu.enqueue_indirect_dma source(%arg9 : memref<128x128xf32, #tpu.memory_space<vmem>>) target(%dma_start3A_51 : memref<10240x128xf32, #tpu.memory_space<vmem_shared>>) offsets(%dma_start3A_48 : memref<128xi32, #tpu.memory_space<vmem>>) semaphore(%run_scoped3A_45 : memref<!tpu.dma_semaphore, #tpu.memory_space<semaphore_mem>>) {add = true}
      %dma_wait3A_52 = arith.constant 0 : i32
      %dma_wait3A_53 = tpu.memref_slice %arg8[%run_scoped3A, %dma_wait3A_52] : memref<40x128xi32, #tpu.memory_space<vmem>> -> memref<1x128xi32, #tpu.memory_space<vmem>>
      %dma_wait3A_54 = tpu.memref_squeeze %dma_wait3A_53 : memref<1x128xi32, #tpu.memory_space<vmem>> -> memref<128xi32, #tpu.memory_space<vmem>>
      %dma_wait3A_55 = arith.constant 0 : i32
      %dma_wait3A_56 = arith.constant 0 : i32
      %dma_wait3A_57 = tpu.memref_slice %arg11[%dma_wait3A_55, %dma_wait3A_56] : memref<10240x128xf32, #tpu.memory_space<vmem_shared>> -> memref<10240x128xf32, #tpu.memory_space<vmem_shared>>
      tpu.wait_indirect_dma semaphore(%run_scoped3A_45 : memref<!tpu.dma_semaphore, #tpu.memory_space<semaphore_mem>>) src(%arg9 : memref<128x128xf32, #tpu.memory_space<vmem>>) dst(%dma_wait3A_57 : memref<10240x128xf32, #tpu.memory_space<vmem_shared>>)
      tpu.yield
    }) : () -> ()
    %barrier3A_40 = arith.constant 0 : index
    tpu.barrier barrier_id(%barrier3A_40)
    %mul3A_41 = arith.constant 640 : i32
    %mul3A_42 = arith.muli %arg1, %mul3A_41 : i32
    %mul3A_43 = arith.constant 640 : i32
    %mul3A_44 = arith.muli %arg1, %mul3A_43 : i32
    "tpu.region"() ({
      %run_scoped3A_45 = tpu.sem_alloc : memref<!tpu.dma_semaphore, #tpu.memory_space<semaphore_mem>>
      %dma_start3A_46 = arith.constant 0 : i32
      %dma_start3A_47 = tpu.memref_slice %arg6[%arg0, %mul3A_44, %dma_start3A_46] : memref<2x10240x128xf32, #tpu.memory_space<hbm>> -> memref<1x640x128xf32, #tpu.memory_space<hbm>>
      %dma_start3A_48 = tpu.memref_squeeze %dma_start3A_47 : memref<1x640x128xf32, #tpu.memory_space<hbm>> -> memref<640x128xf32, #tpu.memory_space<hbm>>
      %dma_start3A_49 = arith.constant 0 : i32
      %dma_start3A_50 = tpu.memref_slice %arg11[%mul3A_42, %dma_start3A_49] : memref<10240x128xf32, #tpu.memory_space<vmem_shared>> -> memref<640x128xf32, #tpu.memory_space<vmem_shared>>
      tpu.enqueue_dma source(%dma_start3A_50 : memref<640x128xf32, #tpu.memory_space<vmem_shared>>) target(%dma_start3A_48 : memref<640x128xf32, #tpu.memory_space<hbm>>) target_semaphore(%run_scoped3A_45 : memref<!tpu.dma_semaphore, #tpu.memory_space<semaphore_mem>>)
      %dma_wait3A_51 = arith.constant 0 : i32
      %dma_wait3A_52 = tpu.memref_slice %arg6[%arg0, %mul3A_44, %dma_wait3A_51] : memref<2x10240x128xf32, #tpu.memory_space<hbm>> -> memref<1x640x128xf32, #tpu.memory_space<hbm>>
      %dma_wait3A_53 = tpu.memref_squeeze %dma_wait3A_52 : memref<1x640x128xf32, #tpu.memory_space<hbm>> -> memref<640x128xf32, #tpu.memory_space<hbm>>
      %dma_wait3A_54 = arith.constant 0 : i32
      %dma_wait3A_55 = tpu.memref_slice %arg11[%mul3A_42, %dma_wait3A_54] : memref<10240x128xf32, #tpu.memory_space<vmem_shared>> -> memref<640x128xf32, #tpu.memory_space<vmem_shared>>
      tpu.wait_dma2 semaphore(%run_scoped3A_45 : memref<!tpu.dma_semaphore, #tpu.memory_space<semaphore_mem>>) src(%dma_wait3A_55 : memref<640x128xf32, #tpu.memory_space<vmem_shared>>) dst(%dma_wait3A_53 : memref<640x128xf32, #tpu.memory_space<hbm>>)
      tpu.yield
    }) : () -> ()
    return
  }
}

#map = affine_map<(d0, d1) -> (0, 0)>
#map1 = affine_map<(d0, d1) -> (0, 0, 0)>
module attributes {stable_mosaic.version = 14 : i64} {
  func.func @_sc_scatter(%arg0: i32, %arg1: i32, %arg2: memref<10240x128xf32, #tpu.memory_space<hbm>>, %arg3: memref<32x79x128xi32, #tpu.memory_space<hbm>>, %arg4: memref<32x79x128xi32, #tpu.memory_space<hbm>>, %arg5: memref<640x128xf32, #tpu.memory_space<hbm>>, %arg6: memref<2x10240x128xf32, #tpu.memory_space<hbm>>, %arg7: memref<40x128xi32, #tpu.memory_space<vmem>>, %arg8: memref<40x128xi32, #tpu.memory_space<vmem>>, %arg9: memref<128x128xf32, #tpu.memory_space<vmem>>, %arg10: memref<128x128xf32, #tpu.memory_space<vmem>>, %arg11: memref<10240x128xf32, #tpu.memory_space<vmem_shared>>, %arg12: memref<!tpu.dma_semaphore, #tpu.memory_space<semaphore_mem>>, %arg13: memref<!tpu.dma_semaphore, #tpu.memory_space<semaphore_mem>>) attributes {dimension_semantics = [#tpu.dimension_semantics<core_parallel>, #tpu.dimension_semantics<subcore_parallel>], iteration_bounds = array<i64: 2, 16>, scalar_prefetch = 0 : i64, scratch_operands = 7 : i64, tpu.core_type = #tpu.core_type<sc_vector_subcore>, window_params = [{transform_indices = #map}, {transform_indices = #map1}, {transform_indices = #map1}, {transform_indices = #map}, {transform_indices = #map1}]} {
    %mul3A = arith.constant 2 : i32
    %mul3A_0 = arith.muli %arg1, %mul3A : i32
    %add3A = arith.addi %mul3A_0, %arg0 : i32
    %mul3A_1 = arith.constant 640 : i32
    %mul3A_2 = arith.muli %arg1, %mul3A_1 : i32
    "tpu.region"() ({
      %run_scoped3A_45 = tpu.sem_alloc : memref<!tpu.dma_semaphore, #tpu.memory_space<semaphore_mem>>
      %dma_start3A_46 = arith.constant 0 : i32
      %dma_start3A_47 = tpu.memref_slice %arg11[%mul3A_2, %dma_start3A_46] : memref<10240x128xf32, #tpu.memory_space<vmem_shared>> -> memref<640x128xf32, #tpu.memory_space<vmem_shared>>
      tpu.enqueue_dma source(%arg5 : memref<640x128xf32, #tpu.memory_space<hbm>>) target(%dma_start3A_47 : memref<640x128xf32, #tpu.memory_space<vmem_shared>>) target_semaphore(%run_scoped3A_45 : memref<!tpu.dma_semaphore, #tpu.memory_space<semaphore_mem>>)
      %dma_wait3A_48 = arith.constant 0 : i32
      %dma_wait3A_49 = tpu.memref_slice %arg11[%mul3A_2, %dma_wait3A_48] : memref<10240x128xf32, #tpu.memory_space<vmem_shared>> -> memref<640x128xf32, #tpu.memory_space<vmem_shared>>
      tpu.wait_dma2 semaphore(%run_scoped3A_45 : memref<!tpu.dma_semaphore, #tpu.memory_space<semaphore_mem>>) src(%arg5 : memref<640x128xf32, #tpu.memory_space<hbm>>) dst(%dma_wait3A_49 : memref<640x128xf32, #tpu.memory_space<vmem_shared>>)
      tpu.yield
    }) : () -> ()
    %barrier3A = arith.constant 0 : index
    tpu.barrier barrier_id(%barrier3A)
    "tpu.region"() ({
      %run_scoped3A_45 = tpu.sem_alloc : memref<!tpu.dma_semaphore, #tpu.memory_space<semaphore_mem>>
      %dma_start3A_46 = arith.constant 0 : i32
      %dma_start3A_47 = arith.constant 0 : i32
      %dma_start3A_48 = tpu.memref_slice %arg7[%dma_start3A_46, %dma_start3A_47] : memref<40x128xi32, #tpu.memory_space<vmem>> -> memref<40x128xi32, #tpu.memory_space<vmem>>
      %dma_start3A_49 = arith.constant 0 : i32
      %dma_start3A_50 = arith.constant 0 : i32
      %dma_start3A_51 = tpu.memref_slice %arg3[%add3A, %dma_start3A_49, %dma_start3A_50] : memref<32x79x128xi32, #tpu.memory_space<hbm>> -> memref<1x40x128xi32, #tpu.memory_space<hbm>>
      %dma_start3A_52 = tpu.memref_squeeze %dma_start3A_51 : memref<1x40x128xi32, #tpu.memory_space<hbm>> -> memref<40x128xi32, #tpu.memory_space<hbm>>
      %dma_start3A_53 = arith.constant 0 : i32
      %dma_start3A_54 = arith.constant 0 : i32
      %dma_start3A_55 = tpu.memref_slice %arg7[%dma_start3A_53, %dma_start3A_54] : memref<40x128xi32, #tpu.memory_space<vmem>> -> memref<40x128xi32, #tpu.memory_space<vmem>>
      %dma_start3A_56 = arith.constant 0 : i32
      %dma_start3A_57 = arith.constant 0 : i32
      %dma_start3A_58 = tpu.memref_slice %arg3[%add3A, %dma_start3A_56, %dma_start3A_57] : memref<32x79x128xi32, #tpu.memory_space<hbm>> -> memref<1x40x128xi32, #tpu.memory_space<hbm>>
      %dma_start3A_59 = tpu.memref_squeeze %dma_start3A_58 : memref<1x40x128xi32, #tpu.memory_space<hbm>> -> memref<40x128xi32, #tpu.memory_space<hbm>>
      tpu.enqueue_dma source(%dma_start3A_59 : memref<40x128xi32, #tpu.memory_space<hbm>>) target(%dma_start3A_55 : memref<40x128xi32, #tpu.memory_space<vmem>>) target_semaphore(%run_scoped3A_45 : memref<!tpu.dma_semaphore, #tpu.memory_space<semaphore_mem>>)
      %dma_wait3A_60 = arith.constant 0 : i32
      %dma_wait3A_61 = arith.constant 0 : i32
      %dma_wait3A_62 = tpu.memref_slice %arg7[%dma_wait3A_60, %dma_wait3A_61] : memref<40x128xi32, #tpu.memory_space<vmem>> -> memref<40x128xi32, #tpu.memory_space<vmem>>
      %dma_wait3A_63 = arith.constant 0 : i32
      %dma_wait3A_64 = arith.constant 0 : i32
      %dma_wait3A_65 = tpu.memref_slice %arg3[%add3A, %dma_wait3A_63, %dma_wait3A_64] : memref<32x79x128xi32, #tpu.memory_space<hbm>> -> memref<1x40x128xi32, #tpu.memory_space<hbm>>
      %dma_wait3A_66 = tpu.memref_squeeze %dma_wait3A_65 : memref<1x40x128xi32, #tpu.memory_space<hbm>> -> memref<40x128xi32, #tpu.memory_space<hbm>>
      %dma_wait3A_67 = arith.constant 0 : i32
      %dma_wait3A_68 = arith.constant 0 : i32
      %dma_wait3A_69 = tpu.memref_slice %arg7[%dma_wait3A_67, %dma_wait3A_68] : memref<40x128xi32, #tpu.memory_space<vmem>> -> memref<40x128xi32, #tpu.memory_space<vmem>>
      %dma_wait3A_70 = arith.constant 0 : i32
      %dma_wait3A_71 = arith.constant 0 : i32
      %dma_wait3A_72 = tpu.memref_slice %arg3[%add3A, %dma_wait3A_70, %dma_wait3A_71] : memref<32x79x128xi32, #tpu.memory_space<hbm>> -> memref<1x40x128xi32, #tpu.memory_space<hbm>>
      %dma_wait3A_73 = tpu.memref_squeeze %dma_wait3A_72 : memref<1x40x128xi32, #tpu.memory_space<hbm>> -> memref<40x128xi32, #tpu.memory_space<hbm>>
      tpu.wait_dma2 semaphore(%run_scoped3A_45 : memref<!tpu.dma_semaphore, #tpu.memory_space<semaphore_mem>>) src(%dma_wait3A_73 : memref<40x128xi32, #tpu.memory_space<hbm>>) dst(%dma_wait3A_69 : memref<40x128xi32, #tpu.memory_space<vmem>>)
      tpu.yield
    }) : () -> ()
    "tpu.region"() ({
      %run_scoped3A_45 = tpu.sem_alloc : memref<!tpu.dma_semaphore, #tpu.memory_space<semaphore_mem>>
      %dma_start3A_46 = arith.constant 0 : i32
      %dma_start3A_47 = arith.constant 0 : i32
      %dma_start3A_48 = tpu.memref_slice %arg8[%dma_start3A_46, %dma_start3A_47] : memref<40x128xi32, #tpu.memory_space<vmem>> -> memref<40x128xi32, #tpu.memory_space<vmem>>
      %dma_start3A_49 = arith.constant 0 : i32
      %dma_start3A_50 = arith.constant 0 : i32
      %dma_start3A_51 = tpu.memref_slice %arg4[%add3A, %dma_start3A_49, %dma_start3A_50] : memref<32x79x128xi32, #tpu.memory_space<hbm>> -> memref<1x40x128xi32, #tpu.memory_space<hbm>>
      %dma_start3A_52 = tpu.memref_squeeze %dma_start3A_51 : memref<1x40x128xi32, #tpu.memory_space<hbm>> -> memref<40x128xi32, #tpu.memory_space<hbm>>
      %dma_start3A_53 = arith.constant 0 : i32
      %dma_start3A_54 = arith.constant 0 : i32
      %dma_start3A_55 = tpu.memref_slice %arg8[%dma_start3A_53, %dma_start3A_54] : memref<40x128xi32, #tpu.memory_space<vmem>> -> memref<40x128xi32, #tpu.memory_space<vmem>>
      %dma_start3A_56 = arith.constant 0 : i32
      %dma_start3A_57 = arith.constant 0 : i32
      %dma_start3A_58 = tpu.memref_slice %arg4[%add3A, %dma_start3A_56, %dma_start3A_57] : memref<32x79x128xi32, #tpu.memory_space<hbm>> -> memref<1x40x128xi32, #tpu.memory_space<hbm>>
      %dma_start3A_59 = tpu.memref_squeeze %dma_start3A_58 : memref<1x40x128xi32, #tpu.memory_space<hbm>> -> memref<40x128xi32, #tpu.memory_space<hbm>>
      tpu.enqueue_dma source(%dma_start3A_59 : memref<40x128xi32, #tpu.memory_space<hbm>>) target(%dma_start3A_55 : memref<40x128xi32, #tpu.memory_space<vmem>>) target_semaphore(%run_scoped3A_45 : memref<!tpu.dma_semaphore, #tpu.memory_space<semaphore_mem>>)
      %dma_wait3A_60 = arith.constant 0 : i32
      %dma_wait3A_61 = arith.constant 0 : i32
      %dma_wait3A_62 = tpu.memref_slice %arg8[%dma_wait3A_60, %dma_wait3A_61] : memref<40x128xi32, #tpu.memory_space<vmem>> -> memref<40x128xi32, #tpu.memory_space<vmem>>
      %dma_wait3A_63 = arith.constant 0 : i32
      %dma_wait3A_64 = arith.constant 0 : i32
      %dma_wait3A_65 = tpu.memref_slice %arg4[%add3A, %dma_wait3A_63, %dma_wait3A_64] : memref<32x79x128xi32, #tpu.memory_space<hbm>> -> memref<1x40x128xi32, #tpu.memory_space<hbm>>
      %dma_wait3A_66 = tpu.memref_squeeze %dma_wait3A_65 : memref<1x40x128xi32, #tpu.memory_space<hbm>> -> memref<40x128xi32, #tpu.memory_space<hbm>>
      %dma_wait3A_67 = arith.constant 0 : i32
      %dma_wait3A_68 = arith.constant 0 : i32
      %dma_wait3A_69 = tpu.memref_slice %arg8[%dma_wait3A_67, %dma_wait3A_68] : memref<40x128xi32, #tpu.memory_space<vmem>> -> memref<40x128xi32, #tpu.memory_space<vmem>>
      %dma_wait3A_70 = arith.constant 0 : i32
      %dma_wait3A_71 = arith.constant 0 : i32
      %dma_wait3A_72 = tpu.memref_slice %arg4[%add3A, %dma_wait3A_70, %dma_wait3A_71] : memref<32x79x128xi32, #tpu.memory_space<hbm>> -> memref<1x40x128xi32, #tpu.memory_space<hbm>>
      %dma_wait3A_73 = tpu.memref_squeeze %dma_wait3A_72 : memref<1x40x128xi32, #tpu.memory_space<hbm>> -> memref<40x128xi32, #tpu.memory_space<hbm>>
      tpu.wait_dma2 semaphore(%run_scoped3A_45 : memref<!tpu.dma_semaphore, #tpu.memory_space<semaphore_mem>>) src(%dma_wait3A_73 : memref<40x128xi32, #tpu.memory_space<hbm>>) dst(%dma_wait3A_69 : memref<40x128xi32, #tpu.memory_space<vmem>>)
      tpu.yield
    }) : () -> ()
    %dma_start3A = arith.constant 0 : i32
    %dma_start3A_3 = arith.constant 0 : i32
    %dma_start3A_4 = tpu.memref_slice %arg7[%dma_start3A, %dma_start3A_3] : memref<40x128xi32, #tpu.memory_space<vmem>> -> memref<1x128xi32, #tpu.memory_space<vmem>>
    %dma_start3A_5 = tpu.memref_squeeze %dma_start3A_4 : memref<1x128xi32, #tpu.memory_space<vmem>> -> memref<128xi32, #tpu.memory_space<vmem>>
    %dma_start3A_6 = arith.constant 0 : i32
    %dma_start3A_7 = arith.constant 0 : i32
    %dma_start3A_8 = tpu.memref_slice %arg2[%dma_start3A_6, %dma_start3A_7] : memref<10240x128xf32, #tpu.memory_space<hbm>> -> memref<10240x128xf32, #tpu.memory_space<hbm>>
    tpu.enqueue_indirect_dma source(%dma_start3A_8 : memref<10240x128xf32, #tpu.memory_space<hbm>>) target(%arg9 : memref<128x128xf32, #tpu.memory_space<vmem>>) offsets(%dma_start3A_5 : memref<128xi32, #tpu.memory_space<vmem>>) semaphore(%arg12 : memref<!tpu.dma_semaphore, #tpu.memory_space<semaphore_mem>>)
    %scan3A = arith.constant 0 : i32
    %scan3A_9 = arith.constant 0 : i32
    %scan3A_10 = arith.constant 20 : i32
    %scan3A_11 = arith.addi %scan3A_9, %scan3A_10 : i32
    %scan3A_12 = arith.constant 1 : i32
    scf.for %scan3A_45 = %scan3A_9 to %scan3A_11 step %scan3A_12  : i32 {
      %mul3A_46 = arith.constant 2 : i32
      %mul3A_47 = arith.muli %mul3A_46, %scan3A_45 : i32
      %add3A_48 = arith.constant 1 : i32
      %add3A_49 = arith.addi %mul3A_47, %add3A_48 : i32
      %dma_start3A_50 = arith.constant 0 : i32
      %dma_start3A_51 = tpu.memref_slice %arg7[%add3A_49, %dma_start3A_50] : memref<40x128xi32, #tpu.memory_space<vmem>> -> memref<1x128xi32, #tpu.memory_space<vmem>>
      %dma_start3A_52 = tpu.memref_squeeze %dma_start3A_51 : memref<1x128xi32, #tpu.memory_space<vmem>> -> memref<128xi32, #tpu.memory_space<vmem>>
      %dma_start3A_53 = arith.constant 0 : i32
      %dma_start3A_54 = arith.constant 0 : i32
      %dma_start3A_55 = tpu.memref_slice %arg2[%dma_start3A_53, %dma_start3A_54] : memref<10240x128xf32, #tpu.memory_space<hbm>> -> memref<10240x128xf32, #tpu.memory_space<hbm>>
      tpu.enqueue_indirect_dma source(%dma_start3A_55 : memref<10240x128xf32, #tpu.memory_space<hbm>>) target(%arg10 : memref<128x128xf32, #tpu.memory_space<vmem>>) offsets(%dma_start3A_52 : memref<128xi32, #tpu.memory_space<vmem>>) semaphore(%arg13 : memref<!tpu.dma_semaphore, #tpu.memory_space<semaphore_mem>>)
      %dma_wait3A_56 = arith.constant 0 : i32
      %dma_wait3A_57 = arith.constant 0 : i32
      %dma_wait3A_58 = tpu.memref_slice %arg7[%dma_wait3A_56, %dma_wait3A_57] : memref<40x128xi32, #tpu.memory_space<vmem>> -> memref<1x128xi32, #tpu.memory_space<vmem>>
      %dma_wait3A_59 = tpu.memref_squeeze %dma_wait3A_58 : memref<1x128xi32, #tpu.memory_space<vmem>> -> memref<128xi32, #tpu.memory_space<vmem>>
      %dma_wait3A_60 = arith.constant 0 : i32
      %dma_wait3A_61 = arith.constant 0 : i32
      %dma_wait3A_62 = tpu.memref_slice %arg2[%dma_wait3A_60, %dma_wait3A_61] : memref<10240x128xf32, #tpu.memory_space<hbm>> -> memref<10240x128xf32, #tpu.memory_space<hbm>>
      tpu.wait_indirect_dma semaphore(%arg12 : memref<!tpu.dma_semaphore, #tpu.memory_space<semaphore_mem>>) src(%dma_wait3A_62 : memref<10240x128xf32, #tpu.memory_space<hbm>>) dst(%arg9 : memref<128x128xf32, #tpu.memory_space<vmem>>)
      "tpu.region"() ({
        %run_scoped3A_76 = tpu.sem_alloc : memref<!tpu.dma_semaphore, #tpu.memory_space<semaphore_mem>>
        %dma_start3A_77 = arith.constant 0 : i32
        %dma_start3A_78 = tpu.memref_slice %arg8[%mul3A_47, %dma_start3A_77] : memref<40x128xi32, #tpu.memory_space<vmem>> -> memref<1x128xi32, #tpu.memory_space<vmem>>
        %dma_start3A_79 = tpu.memref_squeeze %dma_start3A_78 : memref<1x128xi32, #tpu.memory_space<vmem>> -> memref<128xi32, #tpu.memory_space<vmem>>
        %dma_start3A_80 = arith.constant 0 : i32
        %dma_start3A_81 = arith.constant 0 : i32
        %dma_start3A_82 = tpu.memref_slice %arg11[%dma_start3A_80, %dma_start3A_81] : memref<10240x128xf32, #tpu.memory_space<vmem_shared>> -> memref<10240x128xf32, #tpu.memory_space<vmem_shared>>
        tpu.enqueue_indirect_dma source(%arg9 : memref<128x128xf32, #tpu.memory_space<vmem>>) target(%dma_start3A_82 : memref<10240x128xf32, #tpu.memory_space<vmem_shared>>) offsets(%dma_start3A_79 : memref<128xi32, #tpu.memory_space<vmem>>) semaphore(%run_scoped3A_76 : memref<!tpu.dma_semaphore, #tpu.memory_space<semaphore_mem>>) {add = true}
        %dma_wait3A_83 = arith.constant 0 : i32
        %dma_wait3A_84 = tpu.memref_slice %arg8[%mul3A_47, %dma_wait3A_83] : memref<40x128xi32, #tpu.memory_space<vmem>> -> memref<1x128xi32, #tpu.memory_space<vmem>>
        %dma_wait3A_85 = tpu.memref_squeeze %dma_wait3A_84 : memref<1x128xi32, #tpu.memory_space<vmem>> -> memref<128xi32, #tpu.memory_space<vmem>>
        %dma_wait3A_86 = arith.constant 0 : i32
        %dma_wait3A_87 = arith.constant 0 : i32
        %dma_wait3A_88 = tpu.memref_slice %arg11[%dma_wait3A_86, %dma_wait3A_87] : memref<10240x128xf32, #tpu.memory_space<vmem_shared>> -> memref<10240x128xf32, #tpu.memory_space<vmem_shared>>
        tpu.wait_indirect_dma semaphore(%run_scoped3A_76 : memref<!tpu.dma_semaphore, #tpu.memory_space<semaphore_mem>>) src(%arg9 : memref<128x128xf32, #tpu.memory_space<vmem>>) dst(%dma_wait3A_88 : memref<10240x128xf32, #tpu.memory_space<vmem_shared>>)
        tpu.yield
      }) : () -> ()
      %add3A_63 = arith.constant 1 : i32
      %add3A_64 = arith.addi %scan3A_45, %add3A_63 : i32
      %lt3A = arith.constant 20 : i32
      %lt3A_65 = arith.cmpi slt, %add3A_64, %lt3A : i32
      %convert_element_type3A = arith.extui %lt3A_65 : i1 to i32
      %cond3A = arith.constant 0 : i32
      %cond3A_66 = arith.cmpi ne, %convert_element_type3A, %cond3A : i32
      scf.if %cond3A_66 {
        %add3A_76 = arith.constant 2 : i32
        %add3A_77 = arith.addi %mul3A_47, %add3A_76 : i32
        %dma_start3A_78 = arith.constant 0 : i32
        %dma_start3A_79 = tpu.memref_slice %arg7[%add3A_77, %dma_start3A_78] : memref<40x128xi32, #tpu.memory_space<vmem>> -> memref<1x128xi32, #tpu.memory_space<vmem>>
        %dma_start3A_80 = tpu.memref_squeeze %dma_start3A_79 : memref<1x128xi32, #tpu.memory_space<vmem>> -> memref<128xi32, #tpu.memory_space<vmem>>
        %dma_start3A_81 = arith.constant 0 : i32
        %dma_start3A_82 = arith.constant 0 : i32
        %dma_start3A_83 = tpu.memref_slice %arg2[%dma_start3A_81, %dma_start3A_82] : memref<10240x128xf32, #tpu.memory_space<hbm>> -> memref<10240x128xf32, #tpu.memory_space<hbm>>
        tpu.enqueue_indirect_dma source(%dma_start3A_83 : memref<10240x128xf32, #tpu.memory_space<hbm>>) target(%arg9 : memref<128x128xf32, #tpu.memory_space<vmem>>) offsets(%dma_start3A_80 : memref<128xi32, #tpu.memory_space<vmem>>) semaphore(%arg12 : memref<!tpu.dma_semaphore, #tpu.memory_space<semaphore_mem>>)
      } else {
      }
      %dma_wait3A_67 = arith.constant 1 : i32
      %dma_wait3A_68 = arith.constant 0 : i32
      %dma_wait3A_69 = tpu.memref_slice %arg7[%dma_wait3A_67, %dma_wait3A_68] : memref<40x128xi32, #tpu.memory_space<vmem>> -> memref<1x128xi32, #tpu.memory_space<vmem>>
      %dma_wait3A_70 = tpu.memref_squeeze %dma_wait3A_69 : memref<1x128xi32, #tpu.memory_space<vmem>> -> memref<128xi32, #tpu.memory_space<vmem>>
      %dma_wait3A_71 = arith.constant 0 : i32
      %dma_wait3A_72 = arith.constant 0 : i32
      %dma_wait3A_73 = tpu.memref_slice %arg2[%dma_wait3A_71, %dma_wait3A_72] : memref<10240x128xf32, #tpu.memory_space<hbm>> -> memref<10240x128xf32, #tpu.memory_space<hbm>>
      tpu.wait_indirect_dma semaphore(%arg13 : memref<!tpu.dma_semaphore, #tpu.memory_space<semaphore_mem>>) src(%dma_wait3A_73 : memref<10240x128xf32, #tpu.memory_space<hbm>>) dst(%arg10 : memref<128x128xf32, #tpu.memory_space<vmem>>)
      %add3A_74 = arith.constant 1 : i32
      %add3A_75 = arith.addi %mul3A_47, %add3A_74 : i32
      "tpu.region"() ({
        %run_scoped3A_76 = tpu.sem_alloc : memref<!tpu.dma_semaphore, #tpu.memory_space<semaphore_mem>>
        %dma_start3A_77 = arith.constant 0 : i32
        %dma_start3A_78 = tpu.memref_slice %arg8[%add3A_75, %dma_start3A_77] : memref<40x128xi32, #tpu.memory_space<vmem>> -> memref<1x128xi32, #tpu.memory_space<vmem>>
        %dma_start3A_79 = tpu.memref_squeeze %dma_start3A_78 : memref<1x128xi32, #tpu.memory_space<vmem>> -> memref<128xi32, #tpu.memory_space<vmem>>
        %dma_start3A_80 = arith.constant 0 : i32
        %dma_start3A_81 = arith.constant 0 : i32
        %dma_start3A_82 = tpu.memref_slice %arg11[%dma_start3A_80, %dma_start3A_81] : memref<10240x128xf32, #tpu.memory_space<vmem_shared>> -> memref<10240x128xf32, #tpu.memory_space<vmem_shared>>
        tpu.enqueue_indirect_dma source(%arg10 : memref<128x128xf32, #tpu.memory_space<vmem>>) target(%dma_start3A_82 : memref<10240x128xf32, #tpu.memory_space<vmem_shared>>) offsets(%dma_start3A_79 : memref<128xi32, #tpu.memory_space<vmem>>) semaphore(%run_scoped3A_76 : memref<!tpu.dma_semaphore, #tpu.memory_space<semaphore_mem>>) {add = true}
        %dma_wait3A_83 = arith.constant 0 : i32
        %dma_wait3A_84 = tpu.memref_slice %arg8[%add3A_75, %dma_wait3A_83] : memref<40x128xi32, #tpu.memory_space<vmem>> -> memref<1x128xi32, #tpu.memory_space<vmem>>
        %dma_wait3A_85 = tpu.memref_squeeze %dma_wait3A_84 : memref<1x128xi32, #tpu.memory_space<vmem>> -> memref<128xi32, #tpu.memory_space<vmem>>
        %dma_wait3A_86 = arith.constant 0 : i32
        %dma_wait3A_87 = arith.constant 0 : i32
        %dma_wait3A_88 = tpu.memref_slice %arg11[%dma_wait3A_86, %dma_wait3A_87] : memref<10240x128xf32, #tpu.memory_space<vmem_shared>> -> memref<10240x128xf32, #tpu.memory_space<vmem_shared>>
        tpu.wait_indirect_dma semaphore(%run_scoped3A_76 : memref<!tpu.dma_semaphore, #tpu.memory_space<semaphore_mem>>) src(%arg10 : memref<128x128xf32, #tpu.memory_space<vmem>>) dst(%dma_wait3A_88 : memref<10240x128xf32, #tpu.memory_space<vmem_shared>>)
        tpu.yield
      }) : () -> ()
    }
    %scan3A_13 = arith.constant 20 : i32
    "tpu.region"() ({
      %run_scoped3A_45 = tpu.sem_alloc : memref<!tpu.dma_semaphore, #tpu.memory_space<semaphore_mem>>
      %dma_start3A_46 = arith.constant 0 : i32
      %dma_start3A_47 = arith.constant 0 : i32
      %dma_start3A_48 = tpu.memref_slice %arg7[%dma_start3A_46, %dma_start3A_47] : memref<40x128xi32, #tpu.memory_space<vmem>> -> memref<39x128xi32, #tpu.memory_space<vmem>>
      %dma_start3A_49 = arith.constant 40 : i32
      %dma_start3A_50 = arith.constant 0 : i32
      %dma_start3A_51 = tpu.memref_slice %arg3[%add3A, %dma_start3A_49, %dma_start3A_50] : memref<32x79x128xi32, #tpu.memory_space<hbm>> -> memref<1x39x128xi32, #tpu.memory_space<hbm>>
      %dma_start3A_52 = tpu.memref_squeeze %dma_start3A_51 : memref<1x39x128xi32, #tpu.memory_space<hbm>> -> memref<39x128xi32, #tpu.memory_space<hbm>>
      %dma_start3A_53 = arith.constant 0 : i32
      %dma_start3A_54 = arith.constant 0 : i32
      %dma_start3A_55 = tpu.memref_slice %arg7[%dma_start3A_53, %dma_start3A_54] : memref<40x128xi32, #tpu.memory_space<vmem>> -> memref<39x128xi32, #tpu.memory_space<vmem>>
      %dma_start3A_56 = arith.constant 40 : i32
      %dma_start3A_57 = arith.constant 0 : i32
      %dma_start3A_58 = tpu.memref_slice %arg3[%add3A, %dma_start3A_56, %dma_start3A_57] : memref<32x79x128xi32, #tpu.memory_space<hbm>> -> memref<1x39x128xi32, #tpu.memory_space<hbm>>
      %dma_start3A_59 = tpu.memref_squeeze %dma_start3A_58 : memref<1x39x128xi32, #tpu.memory_space<hbm>> -> memref<39x128xi32, #tpu.memory_space<hbm>>
      tpu.enqueue_dma source(%dma_start3A_59 : memref<39x128xi32, #tpu.memory_space<hbm>>) target(%dma_start3A_55 : memref<39x128xi32, #tpu.memory_space<vmem>>) target_semaphore(%run_scoped3A_45 : memref<!tpu.dma_semaphore, #tpu.memory_space<semaphore_mem>>)
      %dma_wait3A_60 = arith.constant 0 : i32
      %dma_wait3A_61 = arith.constant 0 : i32
      %dma_wait3A_62 = tpu.memref_slice %arg7[%dma_wait3A_60, %dma_wait3A_61] : memref<40x128xi32, #tpu.memory_space<vmem>> -> memref<39x128xi32, #tpu.memory_space<vmem>>
      %dma_wait3A_63 = arith.constant 40 : i32
      %dma_wait3A_64 = arith.constant 0 : i32
      %dma_wait3A_65 = tpu.memref_slice %arg3[%add3A, %dma_wait3A_63, %dma_wait3A_64] : memref<32x79x128xi32, #tpu.memory_space<hbm>> -> memref<1x39x128xi32, #tpu.memory_space<hbm>>
      %dma_wait3A_66 = tpu.memref_squeeze %dma_wait3A_65 : memref<1x39x128xi32, #tpu.memory_space<hbm>> -> memref<39x128xi32, #tpu.memory_space<hbm>>
      %dma_wait3A_67 = arith.constant 0 : i32
      %dma_wait3A_68 = arith.constant 0 : i32
      %dma_wait3A_69 = tpu.memref_slice %arg7[%dma_wait3A_67, %dma_wait3A_68] : memref<40x128xi32, #tpu.memory_space<vmem>> -> memref<39x128xi32, #tpu.memory_space<vmem>>
      %dma_wait3A_70 = arith.constant 40 : i32
      %dma_wait3A_71 = arith.constant 0 : i32
      %dma_wait3A_72 = tpu.memref_slice %arg3[%add3A, %dma_wait3A_70, %dma_wait3A_71] : memref<32x79x128xi32, #tpu.memory_space<hbm>> -> memref<1x39x128xi32, #tpu.memory_space<hbm>>
      %dma_wait3A_73 = tpu.memref_squeeze %dma_wait3A_72 : memref<1x39x128xi32, #tpu.memory_space<hbm>> -> memref<39x128xi32, #tpu.memory_space<hbm>>
      tpu.wait_dma2 semaphore(%run_scoped3A_45 : memref<!tpu.dma_semaphore, #tpu.memory_space<semaphore_mem>>) src(%dma_wait3A_73 : memref<39x128xi32, #tpu.memory_space<hbm>>) dst(%dma_wait3A_69 : memref<39x128xi32, #tpu.memory_space<vmem>>)
      tpu.yield
    }) : () -> ()
    "tpu.region"() ({
      %run_scoped3A_45 = tpu.sem_alloc : memref<!tpu.dma_semaphore, #tpu.memory_space<semaphore_mem>>
      %dma_start3A_46 = arith.constant 0 : i32
      %dma_start3A_47 = arith.constant 0 : i32
      %dma_start3A_48 = tpu.memref_slice %arg8[%dma_start3A_46, %dma_start3A_47] : memref<40x128xi32, #tpu.memory_space<vmem>> -> memref<39x128xi32, #tpu.memory_space<vmem>>
      %dma_start3A_49 = arith.constant 40 : i32
      %dma_start3A_50 = arith.constant 0 : i32
      %dma_start3A_51 = tpu.memref_slice %arg4[%add3A, %dma_start3A_49, %dma_start3A_50] : memref<32x79x128xi32, #tpu.memory_space<hbm>> -> memref<1x39x128xi32, #tpu.memory_space<hbm>>
      %dma_start3A_52 = tpu.memref_squeeze %dma_start3A_51 : memref<1x39x128xi32, #tpu.memory_space<hbm>> -> memref<39x128xi32, #tpu.memory_space<hbm>>
      %dma_start3A_53 = arith.constant 0 : i32
      %dma_start3A_54 = arith.constant 0 : i32
      %dma_start3A_55 = tpu.memref_slice %arg8[%dma_start3A_53, %dma_start3A_54] : memref<40x128xi32, #tpu.memory_space<vmem>> -> memref<39x128xi32, #tpu.memory_space<vmem>>
      %dma_start3A_56 = arith.constant 40 : i32
      %dma_start3A_57 = arith.constant 0 : i32
      %dma_start3A_58 = tpu.memref_slice %arg4[%add3A, %dma_start3A_56, %dma_start3A_57] : memref<32x79x128xi32, #tpu.memory_space<hbm>> -> memref<1x39x128xi32, #tpu.memory_space<hbm>>
      %dma_start3A_59 = tpu.memref_squeeze %dma_start3A_58 : memref<1x39x128xi32, #tpu.memory_space<hbm>> -> memref<39x128xi32, #tpu.memory_space<hbm>>
      tpu.enqueue_dma source(%dma_start3A_59 : memref<39x128xi32, #tpu.memory_space<hbm>>) target(%dma_start3A_55 : memref<39x128xi32, #tpu.memory_space<vmem>>) target_semaphore(%run_scoped3A_45 : memref<!tpu.dma_semaphore, #tpu.memory_space<semaphore_mem>>)
      %dma_wait3A_60 = arith.constant 0 : i32
      %dma_wait3A_61 = arith.constant 0 : i32
      %dma_wait3A_62 = tpu.memref_slice %arg8[%dma_wait3A_60, %dma_wait3A_61] : memref<40x128xi32, #tpu.memory_space<vmem>> -> memref<39x128xi32, #tpu.memory_space<vmem>>
      %dma_wait3A_63 = arith.constant 40 : i32
      %dma_wait3A_64 = arith.constant 0 : i32
      %dma_wait3A_65 = tpu.memref_slice %arg4[%add3A, %dma_wait3A_63, %dma_wait3A_64] : memref<32x79x128xi32, #tpu.memory_space<hbm>> -> memref<1x39x128xi32, #tpu.memory_space<hbm>>
      %dma_wait3A_66 = tpu.memref_squeeze %dma_wait3A_65 : memref<1x39x128xi32, #tpu.memory_space<hbm>> -> memref<39x128xi32, #tpu.memory_space<hbm>>
      %dma_wait3A_67 = arith.constant 0 : i32
      %dma_wait3A_68 = arith.constant 0 : i32
      %dma_wait3A_69 = tpu.memref_slice %arg8[%dma_wait3A_67, %dma_wait3A_68] : memref<40x128xi32, #tpu.memory_space<vmem>> -> memref<39x128xi32, #tpu.memory_space<vmem>>
      %dma_wait3A_70 = arith.constant 40 : i32
      %dma_wait3A_71 = arith.constant 0 : i32
      %dma_wait3A_72 = tpu.memref_slice %arg4[%add3A, %dma_wait3A_70, %dma_wait3A_71] : memref<32x79x128xi32, #tpu.memory_space<hbm>> -> memref<1x39x128xi32, #tpu.memory_space<hbm>>
      %dma_wait3A_73 = tpu.memref_squeeze %dma_wait3A_72 : memref<1x39x128xi32, #tpu.memory_space<hbm>> -> memref<39x128xi32, #tpu.memory_space<hbm>>
      tpu.wait_dma2 semaphore(%run_scoped3A_45 : memref<!tpu.dma_semaphore, #tpu.memory_space<semaphore_mem>>) src(%dma_wait3A_73 : memref<39x128xi32, #tpu.memory_space<hbm>>) dst(%dma_wait3A_69 : memref<39x128xi32, #tpu.memory_space<vmem>>)
      tpu.yield
    }) : () -> ()
    %dma_start3A_14 = arith.constant 0 : i32
    %dma_start3A_15 = arith.constant 0 : i32
    %dma_start3A_16 = tpu.memref_slice %arg7[%dma_start3A_14, %dma_start3A_15] : memref<40x128xi32, #tpu.memory_space<vmem>> -> memref<1x128xi32, #tpu.memory_space<vmem>>
    %dma_start3A_17 = tpu.memref_squeeze %dma_start3A_16 : memref<1x128xi32, #tpu.memory_space<vmem>> -> memref<128xi32, #tpu.memory_space<vmem>>
    %dma_start3A_18 = arith.constant 0 : i32
    %dma_start3A_19 = arith.constant 0 : i32
    %dma_start3A_20 = tpu.memref_slice %arg2[%dma_start3A_18, %dma_start3A_19] : memref<10240x128xf32, #tpu.memory_space<hbm>> -> memref<10240x128xf32, #tpu.memory_space<hbm>>
    tpu.enqueue_indirect_dma source(%dma_start3A_20 : memref<10240x128xf32, #tpu.memory_space<hbm>>) target(%arg9 : memref<128x128xf32, #tpu.memory_space<vmem>>) offsets(%dma_start3A_17 : memref<128xi32, #tpu.memory_space<vmem>>) semaphore(%arg12 : memref<!tpu.dma_semaphore, #tpu.memory_space<semaphore_mem>>)
    %scan3A_21 = arith.constant 0 : i32
    %scan3A_22 = arith.constant 0 : i32
    %scan3A_23 = arith.constant 19 : i32
    %scan3A_24 = arith.addi %scan3A_22, %scan3A_23 : i32
    %scan3A_25 = arith.constant 1 : i32
    scf.for %scan3A_45 = %scan3A_22 to %scan3A_24 step %scan3A_25  : i32 {
      %mul3A_46 = arith.constant 2 : i32
      %mul3A_47 = arith.muli %mul3A_46, %scan3A_45 : i32
      %add3A_48 = arith.constant 1 : i32
      %add3A_49 = arith.addi %mul3A_47, %add3A_48 : i32
      %dma_start3A_50 = arith.constant 0 : i32
      %dma_start3A_51 = tpu.memref_slice %arg7[%add3A_49, %dma_start3A_50] : memref<40x128xi32, #tpu.memory_space<vmem>> -> memref<1x128xi32, #tpu.memory_space<vmem>>
      %dma_start3A_52 = tpu.memref_squeeze %dma_start3A_51 : memref<1x128xi32, #tpu.memory_space<vmem>> -> memref<128xi32, #tpu.memory_space<vmem>>
      %dma_start3A_53 = arith.constant 0 : i32
      %dma_start3A_54 = arith.constant 0 : i32
      %dma_start3A_55 = tpu.memref_slice %arg2[%dma_start3A_53, %dma_start3A_54] : memref<10240x128xf32, #tpu.memory_space<hbm>> -> memref<10240x128xf32, #tpu.memory_space<hbm>>
      tpu.enqueue_indirect_dma source(%dma_start3A_55 : memref<10240x128xf32, #tpu.memory_space<hbm>>) target(%arg10 : memref<128x128xf32, #tpu.memory_space<vmem>>) offsets(%dma_start3A_52 : memref<128xi32, #tpu.memory_space<vmem>>) semaphore(%arg13 : memref<!tpu.dma_semaphore, #tpu.memory_space<semaphore_mem>>)
      %dma_wait3A_56 = arith.constant 0 : i32
      %dma_wait3A_57 = arith.constant 0 : i32
      %dma_wait3A_58 = tpu.memref_slice %arg7[%dma_wait3A_56, %dma_wait3A_57] : memref<40x128xi32, #tpu.memory_space<vmem>> -> memref<1x128xi32, #tpu.memory_space<vmem>>
      %dma_wait3A_59 = tpu.memref_squeeze %dma_wait3A_58 : memref<1x128xi32, #tpu.memory_space<vmem>> -> memref<128xi32, #tpu.memory_space<vmem>>
      %dma_wait3A_60 = arith.constant 0 : i32
      %dma_wait3A_61 = arith.constant 0 : i32
      %dma_wait3A_62 = tpu.memref_slice %arg2[%dma_wait3A_60, %dma_wait3A_61] : memref<10240x128xf32, #tpu.memory_space<hbm>> -> memref<10240x128xf32, #tpu.memory_space<hbm>>
      tpu.wait_indirect_dma semaphore(%arg12 : memref<!tpu.dma_semaphore, #tpu.memory_space<semaphore_mem>>) src(%dma_wait3A_62 : memref<10240x128xf32, #tpu.memory_space<hbm>>) dst(%arg9 : memref<128x128xf32, #tpu.memory_space<vmem>>)
      "tpu.region"() ({
        %run_scoped3A_76 = tpu.sem_alloc : memref<!tpu.dma_semaphore, #tpu.memory_space<semaphore_mem>>
        %dma_start3A_77 = arith.constant 0 : i32
        %dma_start3A_78 = tpu.memref_slice %arg8[%mul3A_47, %dma_start3A_77] : memref<40x128xi32, #tpu.memory_space<vmem>> -> memref<1x128xi32, #tpu.memory_space<vmem>>
        %dma_start3A_79 = tpu.memref_squeeze %dma_start3A_78 : memref<1x128xi32, #tpu.memory_space<vmem>> -> memref<128xi32, #tpu.memory_space<vmem>>
        %dma_start3A_80 = arith.constant 0 : i32
        %dma_start3A_81 = arith.constant 0 : i32
        %dma_start3A_82 = tpu.memref_slice %arg11[%dma_start3A_80, %dma_start3A_81] : memref<10240x128xf32, #tpu.memory_space<vmem_shared>> -> memref<10240x128xf32, #tpu.memory_space<vmem_shared>>
        tpu.enqueue_indirect_dma source(%arg9 : memref<128x128xf32, #tpu.memory_space<vmem>>) target(%dma_start3A_82 : memref<10240x128xf32, #tpu.memory_space<vmem_shared>>) offsets(%dma_start3A_79 : memref<128xi32, #tpu.memory_space<vmem>>) semaphore(%run_scoped3A_76 : memref<!tpu.dma_semaphore, #tpu.memory_space<semaphore_mem>>) {add = true}
        %dma_wait3A_83 = arith.constant 0 : i32
        %dma_wait3A_84 = tpu.memref_slice %arg8[%mul3A_47, %dma_wait3A_83] : memref<40x128xi32, #tpu.memory_space<vmem>> -> memref<1x128xi32, #tpu.memory_space<vmem>>
        %dma_wait3A_85 = tpu.memref_squeeze %dma_wait3A_84 : memref<1x128xi32, #tpu.memory_space<vmem>> -> memref<128xi32, #tpu.memory_space<vmem>>
        %dma_wait3A_86 = arith.constant 0 : i32
        %dma_wait3A_87 = arith.constant 0 : i32
        %dma_wait3A_88 = tpu.memref_slice %arg11[%dma_wait3A_86, %dma_wait3A_87] : memref<10240x128xf32, #tpu.memory_space<vmem_shared>> -> memref<10240x128xf32, #tpu.memory_space<vmem_shared>>
        tpu.wait_indirect_dma semaphore(%run_scoped3A_76 : memref<!tpu.dma_semaphore, #tpu.memory_space<semaphore_mem>>) src(%arg9 : memref<128x128xf32, #tpu.memory_space<vmem>>) dst(%dma_wait3A_88 : memref<10240x128xf32, #tpu.memory_space<vmem_shared>>)
        tpu.yield
      }) : () -> ()
      %add3A_63 = arith.constant 1 : i32
      %add3A_64 = arith.addi %scan3A_45, %add3A_63 : i32
      %lt3A = arith.constant 19 : i32
      %lt3A_65 = arith.cmpi slt, %add3A_64, %lt3A : i32
      %convert_element_type3A = arith.extui %lt3A_65 : i1 to i32
      %cond3A = arith.constant 0 : i32
      %cond3A_66 = arith.cmpi ne, %convert_element_type3A, %cond3A : i32
      scf.if %cond3A_66 {
        %add3A_76 = arith.constant 2 : i32
        %add3A_77 = arith.addi %mul3A_47, %add3A_76 : i32
        %dma_start3A_78 = arith.constant 0 : i32
        %dma_start3A_79 = tpu.memref_slice %arg7[%add3A_77, %dma_start3A_78] : memref<40x128xi32, #tpu.memory_space<vmem>> -> memref<1x128xi32, #tpu.memory_space<vmem>>
        %dma_start3A_80 = tpu.memref_squeeze %dma_start3A_79 : memref<1x128xi32, #tpu.memory_space<vmem>> -> memref<128xi32, #tpu.memory_space<vmem>>
        %dma_start3A_81 = arith.constant 0 : i32
        %dma_start3A_82 = arith.constant 0 : i32
        %dma_start3A_83 = tpu.memref_slice %arg2[%dma_start3A_81, %dma_start3A_82] : memref<10240x128xf32, #tpu.memory_space<hbm>> -> memref<10240x128xf32, #tpu.memory_space<hbm>>
        tpu.enqueue_indirect_dma source(%dma_start3A_83 : memref<10240x128xf32, #tpu.memory_space<hbm>>) target(%arg9 : memref<128x128xf32, #tpu.memory_space<vmem>>) offsets(%dma_start3A_80 : memref<128xi32, #tpu.memory_space<vmem>>) semaphore(%arg12 : memref<!tpu.dma_semaphore, #tpu.memory_space<semaphore_mem>>)
      } else {
      }
      %dma_wait3A_67 = arith.constant 1 : i32
      %dma_wait3A_68 = arith.constant 0 : i32
      %dma_wait3A_69 = tpu.memref_slice %arg7[%dma_wait3A_67, %dma_wait3A_68] : memref<40x128xi32, #tpu.memory_space<vmem>> -> memref<1x128xi32, #tpu.memory_space<vmem>>
      %dma_wait3A_70 = tpu.memref_squeeze %dma_wait3A_69 : memref<1x128xi32, #tpu.memory_space<vmem>> -> memref<128xi32, #tpu.memory_space<vmem>>
      %dma_wait3A_71 = arith.constant 0 : i32
      %dma_wait3A_72 = arith.constant 0 : i32
      %dma_wait3A_73 = tpu.memref_slice %arg2[%dma_wait3A_71, %dma_wait3A_72] : memref<10240x128xf32, #tpu.memory_space<hbm>> -> memref<10240x128xf32, #tpu.memory_space<hbm>>
      tpu.wait_indirect_dma semaphore(%arg13 : memref<!tpu.dma_semaphore, #tpu.memory_space<semaphore_mem>>) src(%dma_wait3A_73 : memref<10240x128xf32, #tpu.memory_space<hbm>>) dst(%arg10 : memref<128x128xf32, #tpu.memory_space<vmem>>)
      %add3A_74 = arith.constant 1 : i32
      %add3A_75 = arith.addi %mul3A_47, %add3A_74 : i32
      "tpu.region"() ({
        %run_scoped3A_76 = tpu.sem_alloc : memref<!tpu.dma_semaphore, #tpu.memory_space<semaphore_mem>>
        %dma_start3A_77 = arith.constant 0 : i32
        %dma_start3A_78 = tpu.memref_slice %arg8[%add3A_75, %dma_start3A_77] : memref<40x128xi32, #tpu.memory_space<vmem>> -> memref<1x128xi32, #tpu.memory_space<vmem>>
        %dma_start3A_79 = tpu.memref_squeeze %dma_start3A_78 : memref<1x128xi32, #tpu.memory_space<vmem>> -> memref<128xi32, #tpu.memory_space<vmem>>
        %dma_start3A_80 = arith.constant 0 : i32
        %dma_start3A_81 = arith.constant 0 : i32
        %dma_start3A_82 = tpu.memref_slice %arg11[%dma_start3A_80, %dma_start3A_81] : memref<10240x128xf32, #tpu.memory_space<vmem_shared>> -> memref<10240x128xf32, #tpu.memory_space<vmem_shared>>
        tpu.enqueue_indirect_dma source(%arg10 : memref<128x128xf32, #tpu.memory_space<vmem>>) target(%dma_start3A_82 : memref<10240x128xf32, #tpu.memory_space<vmem_shared>>) offsets(%dma_start3A_79 : memref<128xi32, #tpu.memory_space<vmem>>) semaphore(%run_scoped3A_76 : memref<!tpu.dma_semaphore, #tpu.memory_space<semaphore_mem>>) {add = true}
        %dma_wait3A_83 = arith.constant 0 : i32
        %dma_wait3A_84 = tpu.memref_slice %arg8[%add3A_75, %dma_wait3A_83] : memref<40x128xi32, #tpu.memory_space<vmem>> -> memref<1x128xi32, #tpu.memory_space<vmem>>
        %dma_wait3A_85 = tpu.memref_squeeze %dma_wait3A_84 : memref<1x128xi32, #tpu.memory_space<vmem>> -> memref<128xi32, #tpu.memory_space<vmem>>
        %dma_wait3A_86 = arith.constant 0 : i32
        %dma_wait3A_87 = arith.constant 0 : i32
        %dma_wait3A_88 = tpu.memref_slice %arg11[%dma_wait3A_86, %dma_wait3A_87] : memref<10240x128xf32, #tpu.memory_space<vmem_shared>> -> memref<10240x128xf32, #tpu.memory_space<vmem_shared>>
        tpu.wait_indirect_dma semaphore(%run_scoped3A_76 : memref<!tpu.dma_semaphore, #tpu.memory_space<semaphore_mem>>) src(%arg10 : memref<128x128xf32, #tpu.memory_space<vmem>>) dst(%dma_wait3A_88 : memref<10240x128xf32, #tpu.memory_space<vmem_shared>>)
        tpu.yield
      }) : () -> ()
    }
    %scan3A_26 = arith.constant 19 : i32
    %dma_start3A_27 = arith.constant 38 : i32
    %dma_start3A_28 = arith.constant 0 : i32
    %dma_start3A_29 = tpu.memref_slice %arg7[%dma_start3A_27, %dma_start3A_28] : memref<40x128xi32, #tpu.memory_space<vmem>> -> memref<1x128xi32, #tpu.memory_space<vmem>>
    %dma_start3A_30 = tpu.memref_squeeze %dma_start3A_29 : memref<1x128xi32, #tpu.memory_space<vmem>> -> memref<128xi32, #tpu.memory_space<vmem>>
    %dma_start3A_31 = arith.constant 0 : i32
    %dma_start3A_32 = arith.constant 0 : i32
    %dma_start3A_33 = tpu.memref_slice %arg2[%dma_start3A_31, %dma_start3A_32] : memref<10240x128xf32, #tpu.memory_space<hbm>> -> memref<10240x128xf32, #tpu.memory_space<hbm>>
    tpu.enqueue_indirect_dma source(%dma_start3A_33 : memref<10240x128xf32, #tpu.memory_space<hbm>>) target(%arg9 : memref<128x128xf32, #tpu.memory_space<vmem>>) offsets(%dma_start3A_30 : memref<128xi32, #tpu.memory_space<vmem>>) semaphore(%arg12 : memref<!tpu.dma_semaphore, #tpu.memory_space<semaphore_mem>>)
    %dma_wait3A = arith.constant 0 : i32
    %dma_wait3A_34 = arith.constant 0 : i32
    %dma_wait3A_35 = tpu.memref_slice %arg7[%dma_wait3A, %dma_wait3A_34] : memref<40x128xi32, #tpu.memory_space<vmem>> -> memref<1x128xi32, #tpu.memory_space<vmem>>
    %dma_wait3A_36 = tpu.memref_squeeze %dma_wait3A_35 : memref<1x128xi32, #tpu.memory_space<vmem>> -> memref<128xi32, #tpu.memory_space<vmem>>
    %dma_wait3A_37 = arith.constant 0 : i32
    %dma_wait3A_38 = arith.constant 0 : i32
    %dma_wait3A_39 = tpu.memref_slice %arg2[%dma_wait3A_37, %dma_wait3A_38] : memref<10240x128xf32, #tpu.memory_space<hbm>> -> memref<10240x128xf32, #tpu.memory_space<hbm>>
    tpu.wait_indirect_dma semaphore(%arg12 : memref<!tpu.dma_semaphore, #tpu.memory_space<semaphore_mem>>) src(%dma_wait3A_39 : memref<10240x128xf32, #tpu.memory_space<hbm>>) dst(%arg9 : memref<128x128xf32, #tpu.memory_space<vmem>>)
    %run_scoped3A = arith.constant 38 : i32
    "tpu.region"() ({
      %run_scoped3A_45 = tpu.sem_alloc : memref<!tpu.dma_semaphore, #tpu.memory_space<semaphore_mem>>
      %dma_start3A_46 = arith.constant 0 : i32
      %dma_start3A_47 = tpu.memref_slice %arg8[%run_scoped3A, %dma_start3A_46] : memref<40x128xi32, #tpu.memory_space<vmem>> -> memref<1x128xi32, #tpu.memory_space<vmem>>
      %dma_start3A_48 = tpu.memref_squeeze %dma_start3A_47 : memref<1x128xi32, #tpu.memory_space<vmem>> -> memref<128xi32, #tpu.memory_space<vmem>>
      %dma_start3A_49 = arith.constant 0 : i32
      %dma_start3A_50 = arith.constant 0 : i32
      %dma_start3A_51 = tpu.memref_slice %arg11[%dma_start3A_49, %dma_start3A_50] : memref<10240x128xf32, #tpu.memory_space<vmem_shared>> -> memref<10240x128xf32, #tpu.memory_space<vmem_shared>>
      tpu.enqueue_indirect_dma source(%arg9 : memref<128x128xf32, #tpu.memory_space<vmem>>) target(%dma_start3A_51 : memref<10240x128xf32, #tpu.memory_space<vmem_shared>>) offsets(%dma_start3A_48 : memref<128xi32, #tpu.memory_space<vmem>>) semaphore(%run_scoped3A_45 : memref<!tpu.dma_semaphore, #tpu.memory_space<semaphore_mem>>) {add = true}
      %dma_wait3A_52 = arith.constant 0 : i32
      %dma_wait3A_53 = tpu.memref_slice %arg8[%run_scoped3A, %dma_wait3A_52] : memref<40x128xi32, #tpu.memory_space<vmem>> -> memref<1x128xi32, #tpu.memory_space<vmem>>
      %dma_wait3A_54 = tpu.memref_squeeze %dma_wait3A_53 : memref<1x128xi32, #tpu.memory_space<vmem>> -> memref<128xi32, #tpu.memory_space<vmem>>
      %dma_wait3A_55 = arith.constant 0 : i32
      %dma_wait3A_56 = arith.constant 0 : i32
      %dma_wait3A_57 = tpu.memref_slice %arg11[%dma_wait3A_55, %dma_wait3A_56] : memref<10240x128xf32, #tpu.memory_space<vmem_shared>> -> memref<10240x128xf32, #tpu.memory_space<vmem_shared>>
      tpu.wait_indirect_dma semaphore(%run_scoped3A_45 : memref<!tpu.dma_semaphore, #tpu.memory_space<semaphore_mem>>) src(%arg9 : memref<128x128xf32, #tpu.memory_space<vmem>>) dst(%dma_wait3A_57 : memref<10240x128xf32, #tpu.memory_space<vmem_shared>>)
      tpu.yield
    }) : () -> ()
    %barrier3A_40 = arith.constant 0 : index
    tpu.barrier barrier_id(%barrier3A_40)
    %mul3A_41 = arith.constant 640 : i32
    %mul3A_42 = arith.muli %arg1, %mul3A_41 : i32
    %mul3A_43 = arith.constant 640 : i32
    %mul3A_44 = arith.muli %arg1, %mul3A_43 : i32
    "tpu.region"() ({
      %run_scoped3A_45 = tpu.sem_alloc : memref<!tpu.dma_semaphore, #tpu.memory_space<semaphore_mem>>
      %dma_start3A_46 = arith.constant 0 : i32
      %dma_start3A_47 = tpu.memref_slice %arg6[%arg0, %mul3A_44, %dma_start3A_46] : memref<2x10240x128xf32, #tpu.memory_space<hbm>> -> memref<1x640x128xf32, #tpu.memory_space<hbm>>
      %dma_start3A_48 = tpu.memref_squeeze %dma_start3A_47 : memref<1x640x128xf32, #tpu.memory_space<hbm>> -> memref<640x128xf32, #tpu.memory_space<hbm>>
      %dma_start3A_49 = arith.constant 0 : i32
      %dma_start3A_50 = tpu.memref_slice %arg11[%mul3A_42, %dma_start3A_49] : memref<10240x128xf32, #tpu.memory_space<vmem_shared>> -> memref<640x128xf32, #tpu.memory_space<vmem_shared>>
      tpu.enqueue_dma source(%dma_start3A_50 : memref<640x128xf32, #tpu.memory_space<vmem_shared>>) target(%dma_start3A_48 : memref<640x128xf32, #tpu.memory_space<hbm>>) target_semaphore(%run_scoped3A_45 : memref<!tpu.dma_semaphore, #tpu.memory_space<semaphore_mem>>)
      %dma_wait3A_51 = arith.constant 0 : i32
      %dma_wait3A_52 = tpu.memref_slice %arg6[%arg0, %mul3A_44, %dma_wait3A_51] : memref<2x10240x128xf32, #tpu.memory_space<hbm>> -> memref<1x640x128xf32, #tpu.memory_space<hbm>>
      %dma_wait3A_53 = tpu.memref_squeeze %dma_wait3A_52 : memref<1x640x128xf32, #tpu.memory_space<hbm>> -> memref<640x128xf32, #tpu.memory_space<hbm>>
      %dma_wait3A_54 = arith.constant 0 : i32
      %dma_wait3A_55 = tpu.memref_slice %arg11[%mul3A_42, %dma_wait3A_54] : memref<10240x128xf32, #tpu.memory_space<vmem_shared>> -> memref<640x128xf32, #tpu.memory_space<vmem_shared>>
      tpu.wait_dma2 semaphore(%run_scoped3A_45 : memref<!tpu.dma_semaphore, #tpu.memory_space<semaphore_mem>>) src(%dma_wait3A_55 : memref<640x128xf32, #tpu.memory_space<vmem_shared>>) dst(%dma_wait3A_53 : memref<640x128xf32, #tpu.memory_space<hbm>>)
      tpu.yield
    }) : () -> ()
    return
  }
}

#map = affine_map<(d0, d1) -> (0, 0)>
#map1 = affine_map<(d0, d1) -> (0, 0, 0)>
module attributes {stable_mosaic.version = 14 : i64} {
  func.func @_sc_gather_deg(%arg0: i32, %arg1: i32, %arg2: memref<100000x128xf32, #tpu.memory_space<hbm>>, %arg3: memref<32x4x80xi32, #tpu.memory_space<hbm>>, %arg4: memref<32x10000xi32, #tpu.memory_space<hbm>>, %arg5: memref<10240x128xf32, #tpu.memory_space<hbm>>, %arg6: memref<32x10240xf32, #tpu.memory_space<hbm>>, %arg7: memref<4x80xi32, #tpu.memory_space<vmem>>, %arg8: memref<80x128xf32, #tpu.memory_space<vmem>>, %arg9: memref<10000xi32, #tpu.memory_space<vmem>>, %arg10: memref<10240xf32, #tpu.memory_space<vmem>>, %arg11: memref<!tpu.dma_semaphore, #tpu.memory_space<semaphore_mem>>) attributes {dimension_semantics = [#tpu.dimension_semantics<core_parallel>, #tpu.dimension_semantics<subcore_parallel>], iteration_bounds = array<i64: 2, 16>, scalar_prefetch = 0 : i64, scratch_operands = 5 : i64, tpu.core_type = #tpu.core_type<sc_vector_subcore>, window_params = [{transform_indices = #map}, {transform_indices = #map1}, {transform_indices = #map}, {transform_indices = #map}, {transform_indices = #map}]} {
    %mul3A = arith.constant 2 : i32
    %mul3A_0 = arith.muli %arg1, %mul3A : i32
    %add3A = arith.addi %mul3A_0, %arg0 : i32
    "tpu.region"() ({
      %run_scoped3A = tpu.sem_alloc : memref<!tpu.dma_semaphore, #tpu.memory_space<semaphore_mem>>
      %dma_start3A_85 = arith.constant 0 : i32
      %dma_start3A_86 = arith.constant 0 : i32
      %dma_start3A_87 = tpu.memref_slice %arg3[%add3A, %dma_start3A_85, %dma_start3A_86] : memref<32x4x80xi32, #tpu.memory_space<hbm>> -> memref<1x4x80xi32, #tpu.memory_space<hbm>>
      %dma_start3A_88 = tpu.memref_squeeze %dma_start3A_87 : memref<1x4x80xi32, #tpu.memory_space<hbm>> -> memref<4x80xi32, #tpu.memory_space<hbm>>
      %dma_start3A_89 = arith.constant 0 : i32
      %dma_start3A_90 = arith.constant 0 : i32
      %dma_start3A_91 = tpu.memref_slice %arg3[%add3A, %dma_start3A_89, %dma_start3A_90] : memref<32x4x80xi32, #tpu.memory_space<hbm>> -> memref<1x4x80xi32, #tpu.memory_space<hbm>>
      %dma_start3A_92 = tpu.memref_squeeze %dma_start3A_91 : memref<1x4x80xi32, #tpu.memory_space<hbm>> -> memref<4x80xi32, #tpu.memory_space<hbm>>
      tpu.enqueue_dma source(%dma_start3A_92 : memref<4x80xi32, #tpu.memory_space<hbm>>) target(%arg7 : memref<4x80xi32, #tpu.memory_space<vmem>>) target_semaphore(%run_scoped3A : memref<!tpu.dma_semaphore, #tpu.memory_space<semaphore_mem>>)
      %dma_wait3A_93 = arith.constant 0 : i32
      %dma_wait3A_94 = arith.constant 0 : i32
      %dma_wait3A_95 = tpu.memref_slice %arg3[%add3A, %dma_wait3A_93, %dma_wait3A_94] : memref<32x4x80xi32, #tpu.memory_space<hbm>> -> memref<1x4x80xi32, #tpu.memory_space<hbm>>
      %dma_wait3A_96 = tpu.memref_squeeze %dma_wait3A_95 : memref<1x4x80xi32, #tpu.memory_space<hbm>> -> memref<4x80xi32, #tpu.memory_space<hbm>>
      %dma_wait3A_97 = arith.constant 0 : i32
      %dma_wait3A_98 = arith.constant 0 : i32
      %dma_wait3A_99 = tpu.memref_slice %arg3[%add3A, %dma_wait3A_97, %dma_wait3A_98] : memref<32x4x80xi32, #tpu.memory_space<hbm>> -> memref<1x4x80xi32, #tpu.memory_space<hbm>>
      %dma_wait3A_100 = tpu.memref_squeeze %dma_wait3A_99 : memref<1x4x80xi32, #tpu.memory_space<hbm>> -> memref<4x80xi32, #tpu.memory_space<hbm>>
      tpu.wait_dma2 semaphore(%run_scoped3A : memref<!tpu.dma_semaphore, #tpu.memory_space<semaphore_mem>>) src(%dma_wait3A_100 : memref<4x80xi32, #tpu.memory_space<hbm>>) dst(%arg7 : memref<4x80xi32, #tpu.memory_space<vmem>>)
      tpu.yield
    }) : () -> ()
    %dma_start3A = arith.constant 0 : i32
    %dma_start3A_1 = arith.constant 0 : i32
    %dma_start3A_2 = tpu.memref_slice %arg7[%dma_start3A, %dma_start3A_1] : memref<4x80xi32, #tpu.memory_space<vmem>> -> memref<1x80xi32, #tpu.memory_space<vmem>>
    %dma_start3A_3 = tpu.memref_squeeze %dma_start3A_2 : memref<1x80xi32, #tpu.memory_space<vmem>> -> memref<80xi32, #tpu.memory_space<vmem>>
    %dma_start3A_4 = arith.constant 0 : i32
    %dma_start3A_5 = arith.constant 0 : i32
    %dma_start3A_6 = tpu.memref_slice %arg2[%dma_start3A_4, %dma_start3A_5] : memref<100000x128xf32, #tpu.memory_space<hbm>> -> memref<100000x128xf32, #tpu.memory_space<hbm>>
    tpu.enqueue_indirect_dma source(%dma_start3A_6 : memref<100000x128xf32, #tpu.memory_space<hbm>>) target(%arg8 : memref<80x128xf32, #tpu.memory_space<vmem>>) offsets(%dma_start3A_3 : memref<80xi32, #tpu.memory_space<vmem>>) semaphore(%arg11 : memref<!tpu.dma_semaphore, #tpu.memory_space<semaphore_mem>>)
    %dma_wait3A = arith.constant 0 : i32
    %dma_wait3A_7 = arith.constant 0 : i32
    %dma_wait3A_8 = tpu.memref_slice %arg7[%dma_wait3A, %dma_wait3A_7] : memref<4x80xi32, #tpu.memory_space<vmem>> -> memref<1x80xi32, #tpu.memory_space<vmem>>
    %dma_wait3A_9 = tpu.memref_squeeze %dma_wait3A_8 : memref<1x80xi32, #tpu.memory_space<vmem>> -> memref<80xi32, #tpu.memory_space<vmem>>
    %dma_wait3A_10 = arith.constant 0 : i32
    %dma_wait3A_11 = arith.constant 0 : i32
    %dma_wait3A_12 = tpu.memref_slice %arg2[%dma_wait3A_10, %dma_wait3A_11] : memref<100000x128xf32, #tpu.memory_space<hbm>> -> memref<100000x128xf32, #tpu.memory_space<hbm>>
    tpu.wait_indirect_dma semaphore(%arg11 : memref<!tpu.dma_semaphore, #tpu.memory_space<semaphore_mem>>) src(%dma_wait3A_12 : memref<100000x128xf32, #tpu.memory_space<hbm>>) dst(%arg8 : memref<80x128xf32, #tpu.memory_space<vmem>>)
    %mul3A_13 = arith.constant 320 : i32
    %mul3A_14 = arith.muli %add3A, %mul3A_13 : i32
    %add3A_15 = arith.constant 0 : i32
    %add3A_16 = arith.addi %mul3A_14, %add3A_15 : i32
    "tpu.region"() ({
      %run_scoped3A = tpu.sem_alloc : memref<!tpu.dma_semaphore, #tpu.memory_space<semaphore_mem>>
      %dma_start3A_85 = arith.constant 0 : i32
      %dma_start3A_86 = tpu.memref_slice %arg5[%add3A_16, %dma_start3A_85] : memref<10240x128xf32, #tpu.memory_space<hbm>> -> memref<80x128xf32, #tpu.memory_space<hbm>>
      %dma_start3A_87 = arith.constant 0 : i32
      %dma_start3A_88 = tpu.memref_slice %arg5[%add3A_16, %dma_start3A_87] : memref<10240x128xf32, #tpu.memory_space<hbm>> -> memref<80x128xf32, #tpu.memory_space<hbm>>
      tpu.enqueue_dma source(%arg8 : memref<80x128xf32, #tpu.memory_space<vmem>>) target(%dma_start3A_88 : memref<80x128xf32, #tpu.memory_space<hbm>>) target_semaphore(%run_scoped3A : memref<!tpu.dma_semaphore, #tpu.memory_space<semaphore_mem>>)
      %dma_wait3A_89 = arith.constant 0 : i32
      %dma_wait3A_90 = tpu.memref_slice %arg5[%add3A_16, %dma_wait3A_89] : memref<10240x128xf32, #tpu.memory_space<hbm>> -> memref<80x128xf32, #tpu.memory_space<hbm>>
      %dma_wait3A_91 = arith.constant 0 : i32
      %dma_wait3A_92 = tpu.memref_slice %arg5[%add3A_16, %dma_wait3A_91] : memref<10240x128xf32, #tpu.memory_space<hbm>> -> memref<80x128xf32, #tpu.memory_space<hbm>>
      tpu.wait_dma2 semaphore(%run_scoped3A : memref<!tpu.dma_semaphore, #tpu.memory_space<semaphore_mem>>) src(%arg8 : memref<80x128xf32, #tpu.memory_space<vmem>>) dst(%dma_wait3A_92 : memref<80x128xf32, #tpu.memory_space<hbm>>)
      tpu.yield
    }) : () -> ()
    %dma_start3A_17 = arith.constant 1 : i32
    %dma_start3A_18 = arith.constant 0 : i32
    %dma_start3A_19 = tpu.memref_slice %arg7[%dma_start3A_17, %dma_start3A_18] : memref<4x80xi32, #tpu.memory_space<vmem>> -> memref<1x80xi32, #tpu.memory_space<vmem>>
    %dma_start3A_20 = tpu.memref_squeeze %dma_start3A_19 : memref<1x80xi32, #tpu.memory_space<vmem>> -> memref<80xi32, #tpu.memory_space<vmem>>
    %dma_start3A_21 = arith.constant 0 : i32
    %dma_start3A_22 = arith.constant 0 : i32
    %dma_start3A_23 = tpu.memref_slice %arg2[%dma_start3A_21, %dma_start3A_22] : memref<100000x128xf32, #tpu.memory_space<hbm>> -> memref<100000x128xf32, #tpu.memory_space<hbm>>
    tpu.enqueue_indirect_dma source(%dma_start3A_23 : memref<100000x128xf32, #tpu.memory_space<hbm>>) target(%arg8 : memref<80x128xf32, #tpu.memory_space<vmem>>) offsets(%dma_start3A_20 : memref<80xi32, #tpu.memory_space<vmem>>) semaphore(%arg11 : memref<!tpu.dma_semaphore, #tpu.memory_space<semaphore_mem>>)
    %dma_wait3A_24 = arith.constant 1 : i32
    %dma_wait3A_25 = arith.constant 0 : i32
    %dma_wait3A_26 = tpu.memref_slice %arg7[%dma_wait3A_24, %dma_wait3A_25] : memref<4x80xi32, #tpu.memory_space<vmem>> -> memref<1x80xi32, #tpu.memory_space<vmem>>
    %dma_wait3A_27 = tpu.memref_squeeze %dma_wait3A_26 : memref<1x80xi32, #tpu.memory_space<vmem>> -> memref<80xi32, #tpu.memory_space<vmem>>
    %dma_wait3A_28 = arith.constant 0 : i32
    %dma_wait3A_29 = arith.constant 0 : i32
    %dma_wait3A_30 = tpu.memref_slice %arg2[%dma_wait3A_28, %dma_wait3A_29] : memref<100000x128xf32, #tpu.memory_space<hbm>> -> memref<100000x128xf32, #tpu.memory_space<hbm>>
    tpu.wait_indirect_dma semaphore(%arg11 : memref<!tpu.dma_semaphore, #tpu.memory_space<semaphore_mem>>) src(%dma_wait3A_30 : memref<100000x128xf32, #tpu.memory_space<hbm>>) dst(%arg8 : memref<80x128xf32, #tpu.memory_space<vmem>>)
    %mul3A_31 = arith.constant 320 : i32
    %mul3A_32 = arith.muli %add3A, %mul3A_31 : i32
    %add3A_33 = arith.constant 80 : i32
    %add3A_34 = arith.addi %mul3A_32, %add3A_33 : i32
    "tpu.region"() ({
      %run_scoped3A = tpu.sem_alloc : memref<!tpu.dma_semaphore, #tpu.memory_space<semaphore_mem>>
      %dma_start3A_85 = arith.constant 0 : i32
      %dma_start3A_86 = tpu.memref_slice %arg5[%add3A_34, %dma_start3A_85] : memref<10240x128xf32, #tpu.memory_space<hbm>> -> memref<80x128xf32, #tpu.memory_space<hbm>>
      %dma_start3A_87 = arith.constant 0 : i32
      %dma_start3A_88 = tpu.memref_slice %arg5[%add3A_34, %dma_start3A_87] : memref<10240x128xf32, #tpu.memory_space<hbm>> -> memref<80x128xf32, #tpu.memory_space<hbm>>
      tpu.enqueue_dma source(%arg8 : memref<80x128xf32, #tpu.memory_space<vmem>>) target(%dma_start3A_88 : memref<80x128xf32, #tpu.memory_space<hbm>>) target_semaphore(%run_scoped3A : memref<!tpu.dma_semaphore, #tpu.memory_space<semaphore_mem>>)
      %dma_wait3A_89 = arith.constant 0 : i32
      %dma_wait3A_90 = tpu.memref_slice %arg5[%add3A_34, %dma_wait3A_89] : memref<10240x128xf32, #tpu.memory_space<hbm>> -> memref<80x128xf32, #tpu.memory_space<hbm>>
      %dma_wait3A_91 = arith.constant 0 : i32
      %dma_wait3A_92 = tpu.memref_slice %arg5[%add3A_34, %dma_wait3A_91] : memref<10240x128xf32, #tpu.memory_space<hbm>> -> memref<80x128xf32, #tpu.memory_space<hbm>>
      tpu.wait_dma2 semaphore(%run_scoped3A : memref<!tpu.dma_semaphore, #tpu.memory_space<semaphore_mem>>) src(%arg8 : memref<80x128xf32, #tpu.memory_space<vmem>>) dst(%dma_wait3A_92 : memref<80x128xf32, #tpu.memory_space<hbm>>)
      tpu.yield
    }) : () -> ()
    %dma_start3A_35 = arith.constant 2 : i32
    %dma_start3A_36 = arith.constant 0 : i32
    %dma_start3A_37 = tpu.memref_slice %arg7[%dma_start3A_35, %dma_start3A_36] : memref<4x80xi32, #tpu.memory_space<vmem>> -> memref<1x80xi32, #tpu.memory_space<vmem>>
    %dma_start3A_38 = tpu.memref_squeeze %dma_start3A_37 : memref<1x80xi32, #tpu.memory_space<vmem>> -> memref<80xi32, #tpu.memory_space<vmem>>
    %dma_start3A_39 = arith.constant 0 : i32
    %dma_start3A_40 = arith.constant 0 : i32
    %dma_start3A_41 = tpu.memref_slice %arg2[%dma_start3A_39, %dma_start3A_40] : memref<100000x128xf32, #tpu.memory_space<hbm>> -> memref<100000x128xf32, #tpu.memory_space<hbm>>
    tpu.enqueue_indirect_dma source(%dma_start3A_41 : memref<100000x128xf32, #tpu.memory_space<hbm>>) target(%arg8 : memref<80x128xf32, #tpu.memory_space<vmem>>) offsets(%dma_start3A_38 : memref<80xi32, #tpu.memory_space<vmem>>) semaphore(%arg11 : memref<!tpu.dma_semaphore, #tpu.memory_space<semaphore_mem>>)
    %dma_wait3A_42 = arith.constant 2 : i32
    %dma_wait3A_43 = arith.constant 0 : i32
    %dma_wait3A_44 = tpu.memref_slice %arg7[%dma_wait3A_42, %dma_wait3A_43] : memref<4x80xi32, #tpu.memory_space<vmem>> -> memref<1x80xi32, #tpu.memory_space<vmem>>
    %dma_wait3A_45 = tpu.memref_squeeze %dma_wait3A_44 : memref<1x80xi32, #tpu.memory_space<vmem>> -> memref<80xi32, #tpu.memory_space<vmem>>
    %dma_wait3A_46 = arith.constant 0 : i32
    %dma_wait3A_47 = arith.constant 0 : i32
    %dma_wait3A_48 = tpu.memref_slice %arg2[%dma_wait3A_46, %dma_wait3A_47] : memref<100000x128xf32, #tpu.memory_space<hbm>> -> memref<100000x128xf32, #tpu.memory_space<hbm>>
    tpu.wait_indirect_dma semaphore(%arg11 : memref<!tpu.dma_semaphore, #tpu.memory_space<semaphore_mem>>) src(%dma_wait3A_48 : memref<100000x128xf32, #tpu.memory_space<hbm>>) dst(%arg8 : memref<80x128xf32, #tpu.memory_space<vmem>>)
    %mul3A_49 = arith.constant 320 : i32
    %mul3A_50 = arith.muli %add3A, %mul3A_49 : i32
    %add3A_51 = arith.constant 160 : i32
    %add3A_52 = arith.addi %mul3A_50, %add3A_51 : i32
    "tpu.region"() ({
      %run_scoped3A = tpu.sem_alloc : memref<!tpu.dma_semaphore, #tpu.memory_space<semaphore_mem>>
      %dma_start3A_85 = arith.constant 0 : i32
      %dma_start3A_86 = tpu.memref_slice %arg5[%add3A_52, %dma_start3A_85] : memref<10240x128xf32, #tpu.memory_space<hbm>> -> memref<80x128xf32, #tpu.memory_space<hbm>>
      %dma_start3A_87 = arith.constant 0 : i32
      %dma_start3A_88 = tpu.memref_slice %arg5[%add3A_52, %dma_start3A_87] : memref<10240x128xf32, #tpu.memory_space<hbm>> -> memref<80x128xf32, #tpu.memory_space<hbm>>
      tpu.enqueue_dma source(%arg8 : memref<80x128xf32, #tpu.memory_space<vmem>>) target(%dma_start3A_88 : memref<80x128xf32, #tpu.memory_space<hbm>>) target_semaphore(%run_scoped3A : memref<!tpu.dma_semaphore, #tpu.memory_space<semaphore_mem>>)
      %dma_wait3A_89 = arith.constant 0 : i32
      %dma_wait3A_90 = tpu.memref_slice %arg5[%add3A_52, %dma_wait3A_89] : memref<10240x128xf32, #tpu.memory_space<hbm>> -> memref<80x128xf32, #tpu.memory_space<hbm>>
      %dma_wait3A_91 = arith.constant 0 : i32
      %dma_wait3A_92 = tpu.memref_slice %arg5[%add3A_52, %dma_wait3A_91] : memref<10240x128xf32, #tpu.memory_space<hbm>> -> memref<80x128xf32, #tpu.memory_space<hbm>>
      tpu.wait_dma2 semaphore(%run_scoped3A : memref<!tpu.dma_semaphore, #tpu.memory_space<semaphore_mem>>) src(%arg8 : memref<80x128xf32, #tpu.memory_space<vmem>>) dst(%dma_wait3A_92 : memref<80x128xf32, #tpu.memory_space<hbm>>)
      tpu.yield
    }) : () -> ()
    %dma_start3A_53 = arith.constant 3 : i32
    %dma_start3A_54 = arith.constant 0 : i32
    %dma_start3A_55 = tpu.memref_slice %arg7[%dma_start3A_53, %dma_start3A_54] : memref<4x80xi32, #tpu.memory_space<vmem>> -> memref<1x80xi32, #tpu.memory_space<vmem>>
    %dma_start3A_56 = tpu.memref_squeeze %dma_start3A_55 : memref<1x80xi32, #tpu.memory_space<vmem>> -> memref<80xi32, #tpu.memory_space<vmem>>
    %dma_start3A_57 = arith.constant 0 : i32
    %dma_start3A_58 = arith.constant 0 : i32
    %dma_start3A_59 = tpu.memref_slice %arg2[%dma_start3A_57, %dma_start3A_58] : memref<100000x128xf32, #tpu.memory_space<hbm>> -> memref<100000x128xf32, #tpu.memory_space<hbm>>
    tpu.enqueue_indirect_dma source(%dma_start3A_59 : memref<100000x128xf32, #tpu.memory_space<hbm>>) target(%arg8 : memref<80x128xf32, #tpu.memory_space<vmem>>) offsets(%dma_start3A_56 : memref<80xi32, #tpu.memory_space<vmem>>) semaphore(%arg11 : memref<!tpu.dma_semaphore, #tpu.memory_space<semaphore_mem>>)
    %dma_wait3A_60 = arith.constant 3 : i32
    %dma_wait3A_61 = arith.constant 0 : i32
    %dma_wait3A_62 = tpu.memref_slice %arg7[%dma_wait3A_60, %dma_wait3A_61] : memref<4x80xi32, #tpu.memory_space<vmem>> -> memref<1x80xi32, #tpu.memory_space<vmem>>
    %dma_wait3A_63 = tpu.memref_squeeze %dma_wait3A_62 : memref<1x80xi32, #tpu.memory_space<vmem>> -> memref<80xi32, #tpu.memory_space<vmem>>
    %dma_wait3A_64 = arith.constant 0 : i32
    %dma_wait3A_65 = arith.constant 0 : i32
    %dma_wait3A_66 = tpu.memref_slice %arg2[%dma_wait3A_64, %dma_wait3A_65] : memref<100000x128xf32, #tpu.memory_space<hbm>> -> memref<100000x128xf32, #tpu.memory_space<hbm>>
    tpu.wait_indirect_dma semaphore(%arg11 : memref<!tpu.dma_semaphore, #tpu.memory_space<semaphore_mem>>) src(%dma_wait3A_66 : memref<100000x128xf32, #tpu.memory_space<hbm>>) dst(%arg8 : memref<80x128xf32, #tpu.memory_space<vmem>>)
    %mul3A_67 = arith.constant 320 : i32
    %mul3A_68 = arith.muli %add3A, %mul3A_67 : i32
    %add3A_69 = arith.constant 240 : i32
    %add3A_70 = arith.addi %mul3A_68, %add3A_69 : i32
    "tpu.region"() ({
      %run_scoped3A = tpu.sem_alloc : memref<!tpu.dma_semaphore, #tpu.memory_space<semaphore_mem>>
      %dma_start3A_85 = arith.constant 0 : i32
      %dma_start3A_86 = tpu.memref_slice %arg5[%add3A_70, %dma_start3A_85] : memref<10240x128xf32, #tpu.memory_space<hbm>> -> memref<80x128xf32, #tpu.memory_space<hbm>>
      %dma_start3A_87 = arith.constant 0 : i32
      %dma_start3A_88 = tpu.memref_slice %arg5[%add3A_70, %dma_start3A_87] : memref<10240x128xf32, #tpu.memory_space<hbm>> -> memref<80x128xf32, #tpu.memory_space<hbm>>
      tpu.enqueue_dma source(%arg8 : memref<80x128xf32, #tpu.memory_space<vmem>>) target(%dma_start3A_88 : memref<80x128xf32, #tpu.memory_space<hbm>>) target_semaphore(%run_scoped3A : memref<!tpu.dma_semaphore, #tpu.memory_space<semaphore_mem>>)
      %dma_wait3A_89 = arith.constant 0 : i32
      %dma_wait3A_90 = tpu.memref_slice %arg5[%add3A_70, %dma_wait3A_89] : memref<10240x128xf32, #tpu.memory_space<hbm>> -> memref<80x128xf32, #tpu.memory_space<hbm>>
      %dma_wait3A_91 = arith.constant 0 : i32
      %dma_wait3A_92 = tpu.memref_slice %arg5[%add3A_70, %dma_wait3A_91] : memref<10240x128xf32, #tpu.memory_space<hbm>> -> memref<80x128xf32, #tpu.memory_space<hbm>>
      tpu.wait_dma2 semaphore(%run_scoped3A : memref<!tpu.dma_semaphore, #tpu.memory_space<semaphore_mem>>) src(%arg8 : memref<80x128xf32, #tpu.memory_space<vmem>>) dst(%dma_wait3A_92 : memref<80x128xf32, #tpu.memory_space<hbm>>)
      tpu.yield
    }) : () -> ()
    "tpu.region"() ({
      %run_scoped3A = tpu.sem_alloc : memref<!tpu.dma_semaphore, #tpu.memory_space<semaphore_mem>>
      %dma_start3A_85 = arith.constant 0 : i32
      %dma_start3A_86 = tpu.memref_slice %arg4[%add3A, %dma_start3A_85] : memref<32x10000xi32, #tpu.memory_space<hbm>> -> memref<1x10000xi32, #tpu.memory_space<hbm>>
      %dma_start3A_87 = tpu.memref_squeeze %dma_start3A_86 : memref<1x10000xi32, #tpu.memory_space<hbm>> -> memref<10000xi32, #tpu.memory_space<hbm>>
      %dma_start3A_88 = arith.constant 0 : i32
      %dma_start3A_89 = tpu.memref_slice %arg4[%add3A, %dma_start3A_88] : memref<32x10000xi32, #tpu.memory_space<hbm>> -> memref<1x10000xi32, #tpu.memory_space<hbm>>
      %dma_start3A_90 = tpu.memref_squeeze %dma_start3A_89 : memref<1x10000xi32, #tpu.memory_space<hbm>> -> memref<10000xi32, #tpu.memory_space<hbm>>
      tpu.enqueue_dma source(%dma_start3A_90 : memref<10000xi32, #tpu.memory_space<hbm>>) target(%arg9 : memref<10000xi32, #tpu.memory_space<vmem>>) target_semaphore(%run_scoped3A : memref<!tpu.dma_semaphore, #tpu.memory_space<semaphore_mem>>)
      %dma_wait3A_91 = arith.constant 0 : i32
      %dma_wait3A_92 = tpu.memref_slice %arg4[%add3A, %dma_wait3A_91] : memref<32x10000xi32, #tpu.memory_space<hbm>> -> memref<1x10000xi32, #tpu.memory_space<hbm>>
      %dma_wait3A_93 = tpu.memref_squeeze %dma_wait3A_92 : memref<1x10000xi32, #tpu.memory_space<hbm>> -> memref<10000xi32, #tpu.memory_space<hbm>>
      %dma_wait3A_94 = arith.constant 0 : i32
      %dma_wait3A_95 = tpu.memref_slice %arg4[%add3A, %dma_wait3A_94] : memref<32x10000xi32, #tpu.memory_space<hbm>> -> memref<1x10000xi32, #tpu.memory_space<hbm>>
      %dma_wait3A_96 = tpu.memref_squeeze %dma_wait3A_95 : memref<1x10000xi32, #tpu.memory_space<hbm>> -> memref<10000xi32, #tpu.memory_space<hbm>>
      tpu.wait_dma2 semaphore(%run_scoped3A : memref<!tpu.dma_semaphore, #tpu.memory_space<semaphore_mem>>) src(%dma_wait3A_96 : memref<10000xi32, #tpu.memory_space<hbm>>) dst(%arg9 : memref<10000xi32, #tpu.memory_space<vmem>>)
      tpu.yield
    }) : () -> ()
    %broadcast_in_dim3A = arith.constant 0.000000e+00 : f32
    %broadcast_in_dim3A_71 = vector.broadcast %broadcast_in_dim3A : f32 to vector<16xf32>
    %scan3A = arith.constant 0 : i32
    %scan3A_72 = arith.constant 0 : i32
    %scan3A_73 = arith.constant 640 : i32
    %scan3A_74 = arith.addi %scan3A_72, %scan3A_73 : i32
    %scan3A_75 = arith.constant 1 : i32
    scf.for %scan3A_85 = %scan3A_72 to %scan3A_74 step %scan3A_75  : i32 {
      %mul3A_86 = arith.constant 16 : i32
      %mul3A_87 = arith.muli %scan3A_85, %mul3A_86 : i32
      %swap3A = arith.index_cast %mul3A_87 : i32 to index
      %swap3A_88 = tpu.vector_load %arg10[%swap3A] {strides = array<i32>} : memref<10240xf32, #tpu.memory_space<vmem>>, vector<16xf32>,
      tpu.vector_store %arg10[%swap3A], %broadcast_in_dim3A_71 {strides = array<i32>} : memref<10240xf32, #tpu.memory_space<vmem>>, vector<16xf32>,
    }
    %scan3A_76 = arith.constant 640 : i32
    %broadcast_in_dim3A_77 = arith.constant 1.000000e+00 : f32
    %broadcast_in_dim3A_78 = vector.broadcast %broadcast_in_dim3A_77 : f32 to vector<16xf32>
    %scan3A_79 = arith.constant 0 : i32
    %scan3A_80 = arith.constant 0 : i32
    %scan3A_81 = arith.constant 625 : i32
    %scan3A_82 = arith.addi %scan3A_80, %scan3A_81 : i32
    %scan3A_83 = arith.constant 1 : i32
    scf.for %scan3A_85 = %scan3A_80 to %scan3A_82 step %scan3A_83  : i32 {
      %mul3A_86 = arith.constant 16 : i32
      %mul3A_87 = arith.muli %scan3A_85, %mul3A_86 : i32
      %get3A = arith.index_cast %mul3A_87 : i32 to index
      %get3A_88 = tpu.vector_load %arg9[%get3A] {strides = array<i32>} : memref<10000xi32, #tpu.memory_space<vmem>>, vector<16xi32>,
      tpu.vector_store_idx %arg10[%get3A_88], %broadcast_in_dim3A_78 {add = true} : memref<10240xf32, #tpu.memory_space<vmem>>[vector<16xi32>], vector<16xf32>,
    }
    %scan3A_84 = arith.constant 625 : i32
    "tpu.region"() ({
      %run_scoped3A = tpu.sem_alloc : memref<!tpu.dma_semaphore, #tpu.memory_space<semaphore_mem>>
      %dma_start3A_85 = arith.constant 0 : i32
      %dma_start3A_86 = tpu.memref_slice %arg6[%add3A, %dma_start3A_85] : memref<32x10240xf32, #tpu.memory_space<hbm>> -> memref<1x10240xf32, #tpu.memory_space<hbm>>
      %dma_start3A_87 = tpu.memref_squeeze %dma_start3A_86 : memref<1x10240xf32, #tpu.memory_space<hbm>> -> memref<10240xf32, #tpu.memory_space<hbm>>
      %dma_start3A_88 = arith.constant 0 : i32
      %dma_start3A_89 = tpu.memref_slice %arg6[%add3A, %dma_start3A_88] : memref<32x10240xf32, #tpu.memory_space<hbm>> -> memref<1x10240xf32, #tpu.memory_space<hbm>>
      %dma_start3A_90 = tpu.memref_squeeze %dma_start3A_89 : memref<1x10240xf32, #tpu.memory_space<hbm>> -> memref<10240xf32, #tpu.memory_space<hbm>>
      tpu.enqueue_dma source(%arg10 : memref<10240xf32, #tpu.memory_space<vmem>>) target(%dma_start3A_90 : memref<10240xf32, #tpu.memory_space<hbm>>) target_semaphore(%run_scoped3A : memref<!tpu.dma_semaphore, #tpu.memory_space<semaphore_mem>>)
      %dma_wait3A_91 = arith.constant 0 : i32
      %dma_wait3A_92 = tpu.memref_slice %arg6[%add3A, %dma_wait3A_91] : memref<32x10240xf32, #tpu.memory_space<hbm>> -> memref<1x10240xf32, #tpu.memory_space<hbm>>
      %dma_wait3A_93 = tpu.memref_squeeze %dma_wait3A_92 : memref<1x10240xf32, #tpu.memory_space<hbm>> -> memref<10240xf32, #tpu.memory_space<hbm>>
      %dma_wait3A_94 = arith.constant 0 : i32
      %dma_wait3A_95 = tpu.memref_slice %arg6[%add3A, %dma_wait3A_94] : memref<32x10240xf32, #tpu.memory_space<hbm>> -> memref<1x10240xf32, #tpu.memory_space<hbm>>
      %dma_wait3A_96 = tpu.memref_squeeze %dma_wait3A_95 : memref<1x10240xf32, #tpu.memory_space<hbm>> -> memref<10240xf32, #tpu.memory_space<hbm>>
      tpu.wait_dma2 semaphore(%run_scoped3A : memref<!tpu.dma_semaphore, #tpu.memory_space<semaphore_mem>>) src(%arg10 : memref<10240xf32, #tpu.memory_space<vmem>>) dst(%dma_wait3A_96 : memref<10240xf32, #tpu.memory_space<hbm>>)
      tpu.yield
    }) : () -> ()
    return
  }
}

module attributes {stable_mosaic.version = 14 : i64} {
  func.func @_tc_prep1_body(%arg0: i32, %arg1: memref<1024x128xf32, #tpu.memory_space<vmem>>, %arg2: memref<128x128xf32, #tpu.memory_space<vmem>>, %arg3: memref<32x1024xf32, #tpu.memory_space<vmem>>, %arg4: memref<32x1xf32, #tpu.memory_space<vmem>>, %arg5: memref<1024x128xf32, #tpu.memory_space<vmem>>, %arg6: memref<1024x1xf32, #tpu.memory_space<vmem>>) attributes {dimension_semantics = [#tpu.dimension_semantics<arbitrary>], iteration_bounds = array<i64: 10>, scalar_prefetch = 0 : i64, scratch_operands = 0 : i64, tpu.core_type = #tpu.core_type<tc>, window_params = [{transform_indices = @transform_0, window_bounds = array<i64: 1024, 128>}, {pipeline_mode = #tpu.pipeline_mode<synchronous>, transform_indices = @transform_1, window_bounds = array<i64: 128, 128>}, {transform_indices = @transform_2, window_bounds = array<i64: 32, 1024>}, {pipeline_mode = #tpu.pipeline_mode<synchronous>, transform_indices = @transform_3, window_bounds = array<i64: 32, 1>}, {transform_indices = @transform_4, window_bounds = array<i64: 1024, 128>}, {transform_indices = @transform_5, window_bounds = array<i64: 1024, 1>}]} {
    %get3A = arith.constant 0 : index
    %get3A_0 = arith.constant 0 : index
    %get3A_1 = vector.load %arg3[%get3A, %get3A_0] : memref<32x1024xf32, #tpu.memory_space<vmem>>, vector<32x1024xf32>
    %get3A_2 = arith.constant 0 : index
    %get3A_3 = arith.constant 0 : index
    %get3A_4 = vector.load %arg4[%get3A_2, %get3A_3] : memref<32x1xf32, #tpu.memory_space<vmem>>, vector<32x1xf32>
    %dot_general3A = arith.constant dense<0.000000e+00> : vector<1024x1xf32>
    %dot_general3A_5 = tpu.matmul %get3A_1, %get3A_4, %dot_general3A {dimension_numbers = #tpu.dot_dimension_numbers<[0], [0], [1], [1], [0, 1, 1, 1], [], []>, transpose_lhs_hint = false} : vector<32x1024xf32>, vector<32x1xf32>, vector<1024x1xf32> -> vector<1024x1xf32>
    %add3A = arith.constant 1.000000e+00 : f32
    %add3A_6 = vector.broadcast %add3A : f32 to vector<1024x1xf32>
    %add3A_7 = arith.addf %dot_general3A_5, %add3A_6 : vector<1024x1xf32>
    %rsqrt3A = math.rsqrt %add3A_7 : vector<1024x1xf32>
    %get3A_8 = arith.constant 0 : index
    %get3A_9 = arith.constant 0 : index
    %get3A_10 = vector.load %arg1[%get3A_8, %get3A_9] : memref<1024x128xf32, #tpu.memory_space<vmem>>, vector<1024x128xf32>
    %get3A_11 = arith.constant 0 : index
    %get3A_12 = arith.constant 0 : index
    %get3A_13 = vector.load %arg2[%get3A_11, %get3A_12] : memref<128x128xf32, #tpu.memory_space<vmem>>, vector<128x128xf32>
    %dot_general3A_14 = arith.constant dense<0.000000e+00> : vector<1024x128xf32>
    %dot_general3A_15 = tpu.matmul %get3A_10, %get3A_13, %dot_general3A_14 {dimension_numbers = #tpu.dot_dimension_numbers<[1], [0], [0], [1], [0, 0, 1, 1], [], []>, transpose_lhs_hint = false} : vector<1024x128xf32>, vector<128x128xf32>, vector<1024x128xf32> -> vector<1024x128xf32>
    %mul3A = vector.broadcast %rsqrt3A : vector<1024x1xf32> to vector<1024x128xf32>
    %mul3A_16 = arith.mulf %mul3A, %dot_general3A_15 : vector<1024x128xf32>
    %swap3A = arith.constant 0 : index
    %swap3A_17 = arith.constant 0 : index
    %swap3A_18 = vector.load %arg5[%swap3A, %swap3A_17] : memref<1024x128xf32, #tpu.memory_space<vmem>>, vector<1024x128xf32>
    tpu.vector_store %arg5[%swap3A, %swap3A_17], %mul3A_16 {strides = array<i32>} : memref<1024x128xf32, #tpu.memory_space<vmem>>, vector<1024x128xf32>,
    %swap3A_19 = arith.constant 0 : index
    %swap3A_20 = arith.constant 0 : index
    %swap3A_21 = vector.load %arg6[%swap3A_19, %swap3A_20] : memref<1024x1xf32, #tpu.memory_space<vmem>>, vector<1024x1xf32>
    tpu.vector_store %arg6[%swap3A_19, %swap3A_20], %rsqrt3A {strides = array<i32>} : memref<1024x1xf32, #tpu.memory_space<vmem>>, vector<1024x1xf32>,
    return
  }
  func.func @transform_0(%arg0: i32) -> (i32, i32) {
    %c0_i32 = arith.constant 0 : i32
    %c0_i32_0 = arith.constant 0 : i32
    return %arg0, %c0_i32 : i32, i32
  }
  func.func @transform_1(%arg0: i32) -> (i32, i32) {
    %c0_i32 = arith.constant 0 : i32
    %c0_i32_0 = arith.constant 0 : i32
    %c0_i32_1 = arith.constant 0 : i32
    return %c0_i32, %c0_i32_0 : i32, i32
  }
  func.func @transform_2(%arg0: i32) -> (i32, i32) {
    %c0_i32 = arith.constant 0 : i32
    %c0_i32_0 = arith.constant 0 : i32
    return %c0_i32, %arg0 : i32, i32
  }
  func.func @transform_3(%arg0: i32) -> (i32, i32) {
    %c0_i32 = arith.constant 0 : i32
    %c0_i32_0 = arith.constant 0 : i32
    %c0_i32_1 = arith.constant 0 : i32
    return %c0_i32, %c0_i32_0 : i32, i32
  }
  func.func @transform_4(%arg0: i32) -> (i32, i32) {
    %c0_i32 = arith.constant 0 : i32
    %c0_i32_0 = arith.constant 0 : i32
    return %arg0, %c0_i32 : i32, i32
  }
  func.func @transform_5(%arg0: i32) -> (i32, i32) {
    %c0_i32 = arith.constant 0 : i32
    %c0_i32_0 = arith.constant 0 : i32
    return %arg0, %c0_i32 : i32, i32
  }
}

module attributes {stable_mosaic.version = 14 : i64} {
  func.func @_tc_mid_body(%arg0: i32, %arg1: memref<1024x128xf32, #tpu.memory_space<vmem>>, %arg2: memref<1024x128xf32, #tpu.memory_space<vmem>>, %arg3: memref<1024x128xf32, #tpu.memory_space<vmem>>, %arg4: memref<1024x1xf32, #tpu.memory_space<vmem>>, %arg5: memref<1x128xf32, #tpu.memory_space<vmem>>, %arg6: memref<128x128xf32, #tpu.memory_space<vmem>>, %arg7: memref<1024x128xf32, #tpu.memory_space<vmem>>) attributes {dimension_semantics = [#tpu.dimension_semantics<arbitrary>], iteration_bounds = array<i64: 10>, scalar_prefetch = 0 : i64, scratch_operands = 0 : i64, tpu.core_type = #tpu.core_type<tc>, window_params = [{transform_indices = @transform_0, window_bounds = array<i64: 1024, 128>}, {transform_indices = @transform_1, window_bounds = array<i64: 1024, 128>}, {transform_indices = @transform_2, window_bounds = array<i64: 1024, 128>}, {transform_indices = @transform_3, window_bounds = array<i64: 1024, 1>}, {pipeline_mode = #tpu.pipeline_mode<synchronous>, transform_indices = @transform_4, window_bounds = array<i64: 1, 128>}, {pipeline_mode = #tpu.pipeline_mode<synchronous>, transform_indices = @transform_5, window_bounds = array<i64: 128, 128>}, {transform_indices = @transform_6, window_bounds = array<i64: 1024, 128>}]} {
    %get3A = arith.constant 0 : index
    %get3A_0 = arith.constant 0 : index
    %get3A_1 = vector.load %arg4[%get3A, %get3A_0] : memref<1024x1xf32, #tpu.memory_space<vmem>>, vector<1024x1xf32>
    %get3A_2 = arith.constant 0 : index
    %get3A_3 = arith.constant 0 : index
    %get3A_4 = vector.load %arg1[%get3A_2, %get3A_3] : memref<1024x128xf32, #tpu.memory_space<vmem>>, vector<1024x128xf32>
    %get3A_5 = arith.constant 0 : index
    %get3A_6 = arith.constant 0 : index
    %get3A_7 = vector.load %arg2[%get3A_5, %get3A_6] : memref<1024x128xf32, #tpu.memory_space<vmem>>, vector<1024x128xf32>
    %add3A = arith.addf %get3A_4, %get3A_7 : vector<1024x128xf32>
    %get3A_8 = arith.constant 0 : index
    %get3A_9 = arith.constant 0 : index
    %get3A_10 = vector.load %arg3[%get3A_8, %get3A_9] : memref<1024x128xf32, #tpu.memory_space<vmem>>, vector<1024x128xf32>
    %add3A_11 = arith.addf %add3A, %get3A_10 : vector<1024x128xf32>
    %mul3A = vector.broadcast %get3A_1 : vector<1024x1xf32> to vector<1024x128xf32>
    %mul3A_12 = arith.mulf %mul3A, %add3A_11 : vector<1024x128xf32>
    %get3A_13 = arith.constant 0 : index
    %get3A_14 = arith.constant 0 : index
    %get3A_15 = vector.load %arg5[%get3A_13, %get3A_14] : memref<1x128xf32, #tpu.memory_space<vmem>>, vector<1x128xf32>
    %add3A_16 = vector.broadcast %get3A_15 : vector<1x128xf32> to vector<1024x128xf32>
    %add3A_17 = arith.addf %mul3A_12, %add3A_16 : vector<1024x128xf32>
    %max3A = arith.constant 0.000000e+00 : f32
    %max3A_18 = vector.broadcast %max3A : f32 to vector<1024x128xf32>
    %max3A_19 = arith.maximumf %add3A_17, %max3A_18 : vector<1024x128xf32>
    %get3A_20 = arith.constant 0 : index
    %get3A_21 = arith.constant 0 : index
    %get3A_22 = vector.load %arg6[%get3A_20, %get3A_21] : memref<128x128xf32, #tpu.memory_space<vmem>>, vector<128x128xf32>
    %dot_general3A = arith.constant dense<0.000000e+00> : vector<1024x128xf32>
    %dot_general3A_23 = tpu.matmul %max3A_19, %get3A_22, %dot_general3A {dimension_numbers = #tpu.dot_dimension_numbers<[1], [0], [0], [1], [0, 0, 1, 1], [], []>, transpose_lhs_hint = false} : vector<1024x128xf32>, vector<128x128xf32>, vector<1024x128xf32> -> vector<1024x128xf32>
    %mul3A_24 = vector.broadcast %get3A_1 : vector<1024x1xf32> to vector<1024x128xf32>
    %mul3A_25 = arith.mulf %mul3A_24, %dot_general3A_23 : vector<1024x128xf32>
    %swap3A = arith.constant 0 : index
    %swap3A_26 = arith.constant 0 : index
    %swap3A_27 = vector.load %arg7[%swap3A, %swap3A_26] : memref<1024x128xf32, #tpu.memory_space<vmem>>, vector<1024x128xf32>
    tpu.vector_store %arg7[%swap3A, %swap3A_26], %mul3A_25 {strides = array<i32>} : memref<1024x128xf32, #tpu.memory_space<vmem>>, vector<1024x128xf32>,
    return
  }
  func.func @transform_0(%arg0: i32) -> (i32, i32) {
    %c0_i32 = arith.constant 0 : i32
    %c0_i32_0 = arith.constant 0 : i32
    return %arg0, %c0_i32 : i32, i32
  }
  func.func @transform_1(%arg0: i32) -> (i32, i32) {
    %c0_i32 = arith.constant 0 : i32
    %c0_i32_0 = arith.constant 0 : i32
    return %arg0, %c0_i32 : i32, i32
  }
  func.func @transform_2(%arg0: i32) -> (i32, i32) {
    %c0_i32 = arith.constant 0 : i32
    %c0_i32_0 = arith.constant 0 : i32
    return %arg0, %c0_i32 : i32, i32
  }
  func.func @transform_3(%arg0: i32) -> (i32, i32) {
    %c0_i32 = arith.constant 0 : i32
    %c0_i32_0 = arith.constant 0 : i32
    return %arg0, %c0_i32 : i32, i32
  }
  func.func @transform_4(%arg0: i32) -> (i32, i32) {
    %c0_i32 = arith.constant 0 : i32
    %c0_i32_0 = arith.constant 0 : i32
    %c0_i32_1 = arith.constant 0 : i32
    return %c0_i32, %c0_i32_0 : i32, i32
  }
  func.func @transform_5(%arg0: i32) -> (i32, i32) {
    %c0_i32 = arith.constant 0 : i32
    %c0_i32_0 = arith.constant 0 : i32
    %c0_i32_1 = arith.constant 0 : i32
    return %c0_i32, %c0_i32_0 : i32, i32
  }
  func.func @transform_6(%arg0: i32) -> (i32, i32) {
    %c0_i32 = arith.constant 0 : i32
    %c0_i32_0 = arith.constant 0 : i32
    return %arg0, %c0_i32 : i32, i32
  }
}

module attributes {stable_mosaic.version = 14 : i64} {
  func.func @_tc_final_body(%arg0: i32, %arg1: memref<1024x128xf32, #tpu.memory_space<vmem>>, %arg2: memref<1024x128xf32, #tpu.memory_space<vmem>>, %arg3: memref<1024x128xf32, #tpu.memory_space<vmem>>, %arg4: memref<1024x1xf32, #tpu.memory_space<vmem>>, %arg5: memref<1x128xf32, #tpu.memory_space<vmem>>, %arg6: memref<1024x1xi32, #tpu.memory_space<vmem>>, %arg7: memref<128x10xf32, #tpu.memory_space<vmem>>, %arg8: memref<1x10xf32, #tpu.memory_space<vmem>>, %arg9: memref<64x10xf32, #tpu.memory_space<vmem>>, %arg10: memref<64x128xf32, #tpu.memory_space<vmem>>, %arg11: memref<64x1xf32, #tpu.memory_space<vmem>>) attributes {dimension_semantics = [#tpu.dimension_semantics<arbitrary>], iteration_bounds = array<i64: 10>, scalar_prefetch = 0 : i64, scratch_operands = 2 : i64, tpu.core_type = #tpu.core_type<tc>, window_params = [{transform_indices = @transform_0, window_bounds = array<i64: 1024, 128>}, {transform_indices = @transform_1, window_bounds = array<i64: 1024, 128>}, {transform_indices = @transform_2, window_bounds = array<i64: 1024, 128>}, {transform_indices = @transform_3, window_bounds = array<i64: 1024, 1>}, {pipeline_mode = #tpu.pipeline_mode<synchronous>, transform_indices = @transform_4, window_bounds = array<i64: 1, 128>}, {transform_indices = @transform_5, window_bounds = array<i64: 1024, 1>}, {pipeline_mode = #tpu.pipeline_mode<synchronous>, transform_indices = @transform_6, window_bounds = array<i64: 128, 10>}, {pipeline_mode = #tpu.pipeline_mode<synchronous>, transform_indices = @transform_7, window_bounds = array<i64: 1, 10>}, {pipeline_mode = #tpu.pipeline_mode<synchronous>, transform_indices = @transform_8, window_bounds = array<i64: 64, 10>}]} {
    %get3A = arith.constant 0 : index
    %get3A_0 = arith.constant 0 : index
    %get3A_1 = vector.load %arg4[%get3A, %get3A_0] : memref<1024x1xf32, #tpu.memory_space<vmem>>, vector<1024x1xf32>
    %get3A_2 = arith.constant 0 : index
    %get3A_3 = arith.constant 0 : index
    %get3A_4 = vector.load %arg1[%get3A_2, %get3A_3] : memref<1024x128xf32, #tpu.memory_space<vmem>>, vector<1024x128xf32>
    %get3A_5 = arith.constant 0 : index
    %get3A_6 = arith.constant 0 : index
    %get3A_7 = vector.load %arg2[%get3A_5, %get3A_6] : memref<1024x128xf32, #tpu.memory_space<vmem>>, vector<1024x128xf32>
    %add3A = arith.addf %get3A_4, %get3A_7 : vector<1024x128xf32>
    %get3A_8 = arith.constant 0 : index
    %get3A_9 = arith.constant 0 : index
    %get3A_10 = vector.load %arg3[%get3A_8, %get3A_9] : memref<1024x128xf32, #tpu.memory_space<vmem>>, vector<1024x128xf32>
    %add3A_11 = arith.addf %add3A, %get3A_10 : vector<1024x128xf32>
    %mul3A = vector.broadcast %get3A_1 : vector<1024x1xf32> to vector<1024x128xf32>
    %mul3A_12 = arith.mulf %mul3A, %add3A_11 : vector<1024x128xf32>
    %get3A_13 = arith.constant 0 : index
    %get3A_14 = arith.constant 0 : index
    %get3A_15 = vector.load %arg5[%get3A_13, %get3A_14] : memref<1x128xf32, #tpu.memory_space<vmem>>, vector<1x128xf32>
    %add3A_16 = vector.broadcast %get3A_15 : vector<1x128xf32> to vector<1024x128xf32>
    %add3A_17 = arith.addf %mul3A_12, %add3A_16 : vector<1024x128xf32>
    %max3A = arith.constant 0.000000e+00 : f32
    %max3A_18 = vector.broadcast %max3A : f32 to vector<1024x128xf32>
    %max3A_19 = arith.maximumf %add3A_17, %max3A_18 : vector<1024x128xf32>
    %iota3A = tpu.iota {dimensions = array<i32: 1>} : vector<1x64xi32>
    %get3A_20 = arith.constant 0 : index
    %get3A_21 = arith.constant 0 : index
    %get3A_22 = vector.load %arg6[%get3A_20, %get3A_21] : memref<1024x1xi32, #tpu.memory_space<vmem>>, vector<1024x1xi32>
    %eq3A = vector.broadcast %get3A_22 : vector<1024x1xi32> to vector<1024x64xi32>
    %eq3A_23 = vector.broadcast %iota3A : vector<1x64xi32> to vector<1024x64xi32>
    %eq3A_24 = arith.cmpi eq, %eq3A, %eq3A_23 : vector<1024x64xi32>
    %convert_element_type3A = arith.extui %eq3A_24 : vector<1024x64xi1> to vector<1024x64xi32>
    %convert_element_type3A_25 = arith.sitofp %convert_element_type3A : vector<1024x64xi32> to vector<1024x64xf32>
    %dot_general3A = arith.constant dense<0.000000e+00> : vector<64x128xf32>
    %dot_general3A_26 = tpu.matmul %convert_element_type3A_25, %max3A_19, %dot_general3A {dimension_numbers = #tpu.dot_dimension_numbers<[0], [0], [1], [1], [0, 1, 1, 1], [], []>, transpose_lhs_hint = false} : vector<1024x64xf32>, vector<1024x128xf32>, vector<64x128xf32> -> vector<64x128xf32>
    %broadcast_in_dim3A = arith.constant 1.000000e+00 : f32
    %broadcast_in_dim3A_27 = vector.broadcast %broadcast_in_dim3A : f32 to vector<1024x1xf32>
    %dot_general3A_28 = arith.constant dense<0.000000e+00> : vector<64x1xf32>
    %dot_general3A_29 = tpu.matmul %convert_element_type3A_25, %broadcast_in_dim3A_27, %dot_general3A_28 {dimension_numbers = #tpu.dot_dimension_numbers<[0], [0], [1], [1], [0, 1, 1, 1], [], []>, transpose_lhs_hint = false} : vector<1024x64xf32>, vector<1024x1xf32>, vector<64x1xf32> -> vector<64x1xf32>
    %eq3A_30 = arith.constant 0 : i32
    %eq3A_31 = arith.cmpi eq, %arg0, %eq3A_30 : i32
    %convert_element_type3A_32 = arith.extui %eq3A_31 : i1 to i32
    %cond3A = arith.constant 0 : i32
    %cond3A_33 = arith.cmpi ne, %convert_element_type3A_32, %cond3A : i32
    scf.if %cond3A_33 {
      %swap3A = arith.constant 0 : index
      %swap3A_43 = arith.constant 0 : index
      %swap3A_44 = vector.load %arg10[%swap3A, %swap3A_43] : memref<64x128xf32, #tpu.memory_space<vmem>>, vector<64x128xf32>
      tpu.vector_store %arg10[%swap3A, %swap3A_43], %dot_general3A_26 {strides = array<i32>} : memref<64x128xf32, #tpu.memory_space<vmem>>, vector<64x128xf32>,
      %swap3A_45 = arith.constant 0 : index
      %swap3A_46 = arith.constant 0 : index
      %swap3A_47 = vector.load %arg11[%swap3A_45, %swap3A_46] : memref<64x1xf32, #tpu.memory_space<vmem>>, vector<64x1xf32>
      tpu.vector_store %arg11[%swap3A_45, %swap3A_46], %dot_general3A_29 {strides = array<i32>} : memref<64x1xf32, #tpu.memory_space<vmem>>, vector<64x1xf32>,
    } else {
    }
    %ne3A = arith.constant 0 : i32
    %ne3A_34 = arith.cmpi ne, %arg0, %ne3A : i32
    %convert_element_type3A_35 = arith.extui %ne3A_34 : i1 to i32
    %cond3A_36 = arith.constant 0 : i32
    %cond3A_37 = arith.cmpi ne, %convert_element_type3A_35, %cond3A_36 : i32
    scf.if %cond3A_37 {
      %get3A_43 = arith.constant 0 : index
      %get3A_44 = arith.constant 0 : index
      %get3A_45 = vector.load %arg10[%get3A_43, %get3A_44] : memref<64x128xf32, #tpu.memory_space<vmem>>, vector<64x128xf32>
      %add3A_46 = arith.addf %get3A_45, %dot_general3A_26 : vector<64x128xf32>
      %swap3A = arith.constant 0 : index
      %swap3A_47 = arith.constant 0 : index
      %swap3A_48 = vector.load %arg10[%swap3A, %swap3A_47] : memref<64x128xf32, #tpu.memory_space<vmem>>, vector<64x128xf32>
      tpu.vector_store %arg10[%swap3A, %swap3A_47], %add3A_46 {strides = array<i32>} : memref<64x128xf32, #tpu.memory_space<vmem>>, vector<64x128xf32>,
      %get3A_49 = arith.constant 0 : index
      %get3A_50 = arith.constant 0 : index
      %get3A_51 = vector.load %arg11[%get3A_49, %get3A_50] : memref<64x1xf32, #tpu.memory_space<vmem>>, vector<64x1xf32>
      %add3A_52 = arith.addf %get3A_51, %dot_general3A_29 : vector<64x1xf32>
      %swap3A_53 = arith.constant 0 : index
      %swap3A_54 = arith.constant 0 : index
      %swap3A_55 = vector.load %arg11[%swap3A_53, %swap3A_54] : memref<64x1xf32, #tpu.memory_space<vmem>>, vector<64x1xf32>
      tpu.vector_store %arg11[%swap3A_53, %swap3A_54], %add3A_52 {strides = array<i32>} : memref<64x1xf32, #tpu.memory_space<vmem>>, vector<64x1xf32>,
    } else {
    }
    %eq3A_38 = arith.constant 9 : i32
    %eq3A_39 = arith.cmpi eq, %arg0, %eq3A_38 : i32
    %convert_element_type3A_40 = arith.extui %eq3A_39 : i1 to i32
    %cond3A_41 = arith.constant 0 : i32
    %cond3A_42 = arith.cmpi ne, %convert_element_type3A_40, %cond3A_41 : i32
    scf.if %cond3A_42 {
      %get3A_43 = arith.constant 0 : index
      %get3A_44 = arith.constant 0 : index
      %get3A_45 = vector.load %arg10[%get3A_43, %get3A_44] : memref<64x128xf32, #tpu.memory_space<vmem>>, vector<64x128xf32>
      %get3A_46 = arith.constant 0 : index
      %get3A_47 = arith.constant 0 : index
      %get3A_48 = vector.load %arg11[%get3A_46, %get3A_47] : memref<64x1xf32, #tpu.memory_space<vmem>>, vector<64x1xf32>
      %max3A_49 = arith.constant 1.000000e+00 : f32
      %max3A_50 = vector.broadcast %max3A_49 : f32 to vector<64x1xf32>
      %max3A_51 = arith.maximumf %get3A_48, %max3A_50 : vector<64x1xf32>
      %div3A = vector.broadcast %max3A_51 : vector<64x1xf32> to vector<64x128xf32>
      %div3A_52 = arith.divf %get3A_45, %div3A : vector<64x128xf32>
      %get3A_53 = arith.constant 0 : index
      %get3A_54 = arith.constant 0 : index
      %get3A_55 = vector.load %arg7[%get3A_53, %get3A_54] : memref<128x10xf32, #tpu.memory_space<vmem>>, vector<128x10xf32>
      %dot_general3A_56 = arith.constant dense<0.000000e+00> : vector<64x10xf32>
      %dot_general3A_57 = tpu.matmul %div3A_52, %get3A_55, %dot_general3A_56 {dimension_numbers = #tpu.dot_dimension_numbers<[1], [0], [0], [1], [0, 0, 1, 1], [], []>, transpose_lhs_hint = false} : vector<64x128xf32>, vector<128x10xf32>, vector<64x10xf32> -> vector<64x10xf32>
      %get3A_58 = arith.constant 0 : index
      %get3A_59 = arith.constant 0 : index
      %get3A_60 = vector.load %arg8[%get3A_58, %get3A_59] : memref<1x10xf32, #tpu.memory_space<vmem>>, vector<1x10xf32>
      %add3A_61 = vector.broadcast %get3A_60 : vector<1x10xf32> to vector<64x10xf32>
      %add3A_62 = arith.addf %dot_general3A_57, %add3A_61 : vector<64x10xf32>
      %swap3A = arith.constant 0 : index
      %swap3A_63 = arith.constant 0 : index
      %swap3A_64 = vector.load %arg9[%swap3A, %swap3A_63] : memref<64x10xf32, #tpu.memory_space<vmem>>, vector<64x10xf32>
      tpu.vector_store %arg9[%swap3A, %swap3A_63], %add3A_62 {strides = array<i32>} : memref<64x10xf32, #tpu.memory_space<vmem>>, vector<64x10xf32>,
    } else {
    }
    return
  }
  func.func @transform_0(%arg0: i32) -> (i32, i32) {
    %c0_i32 = arith.constant 0 : i32
    %c0_i32_0 = arith.constant 0 : i32
    return %arg0, %c0_i32 : i32, i32
  }
  func.func @transform_1(%arg0: i32) -> (i32, i32) {
    %c0_i32 = arith.constant 0 : i32
    %c0_i32_0 = arith.constant 0 : i32
    return %arg0, %c0_i32 : i32, i32
  }
  func.func @transform_2(%arg0: i32) -> (i32, i32) {
    %c0_i32 = arith.constant 0 : i32
    %c0_i32_0 = arith.constant 0 : i32
    return %arg0, %c0_i32 : i32, i32
  }
  func.func @transform_3(%arg0: i32) -> (i32, i32) {
    %c0_i32 = arith.constant 0 : i32
    %c0_i32_0 = arith.constant 0 : i32
    return %arg0, %c0_i32 : i32, i32
  }
  func.func @transform_4(%arg0: i32) -> (i32, i32) {
    %c0_i32 = arith.constant 0 : i32
    %c0_i32_0 = arith.constant 0 : i32
    %c0_i32_1 = arith.constant 0 : i32
    return %c0_i32, %c0_i32_0 : i32, i32
  }
  func.func @transform_5(%arg0: i32) -> (i32, i32) {
    %c0_i32 = arith.constant 0 : i32
    %c0_i32_0 = arith.constant 0 : i32
    return %arg0, %c0_i32 : i32, i32
  }
  func.func @transform_6(%arg0: i32) -> (i32, i32) {
    %c0_i32 = arith.constant 0 : i32
    %c0_i32_0 = arith.constant 0 : i32
    %c0_i32_1 = arith.constant 0 : i32
    return %c0_i32, %c0_i32_0 : i32, i32
  }
  func.func @transform_7(%arg0: i32) -> (i32, i32) {
    %c0_i32 = arith.constant 0 : i32
    %c0_i32_0 = arith.constant 0 : i32
    %c0_i32_1 = arith.constant 0 : i32
    return %c0_i32, %c0_i32_0 : i32, i32
  }
  func.func @transform_8(%arg0: i32) -> (i32, i32) {
    %c0_i32 = arith.constant 0 : i32
    %c0_i32_0 = arith.constant 0 : i32
    %c0_i32_1 = arith.constant 0 : i32
    return %c0_i32, %c0_i32_0 : i32, i32
  }
}

</mosaic_0001>

<sc_bundles>
// kernel: kernel.11.cloned.1.call-start
scs
__scs_entry_jumppad:
0x0: {  	(pc) =	sbr.rel $0x88, $3  }
0x1: {  	(tag) =	ssettag $0x0;
	lr =	simm.s32 $0x1  }
0x2: {  	[smem:$0x3F97] =	sst lr;
	_ =	strace $0xD0000000  }
0x3: {  	_ = 	snop  }
0x4: {  	_ = 	snop  }
0x5: {  	_ = 	snop  }
0x6: {  	_ = 	snop  }
0x7: {  	_ = 	snop  }
__scs_overlays_trampoline_lowered:
0x8: {  	[smem:$0x3FA6] =	sst s0  }
0x9: {  	[smem:$0x3FA7] =	sst s1  }
0xa: {  	[smem:$0x3FA8] =	sst s2  }
0xb: {  	[smem:$0x3FA9] =	sst s3  }
0xc: {  	[smem:$0x3FAA] =	sst s4  }
0xd: {  	[smem:$0x3FAB] =	sst s5  }
0xe: {  	[smem:$0x3FAC] =	sst s6  }
0xf: {  	[smem:$0x3FAD] =	sst s7  }
0x10: {  	[smem:$0x3FAE] =	sst s8  }
0x11: {  	[smem:$0x3FAF] =	sst s9;
	s0 =	simm.s32 @!p0 $0x0  }
0x12: {  	s1 =	sld [smem:$0x3F95];
	s0 =	simm.s32 @p0 $0x1  }
0x13: {  	[smem:$0x3FB0] =	sst s0;
	s0 =	simm.s32 @!p1 $0x0  }
0x14: {  	s2 =	sld [smem:$0x3F94];
	s0 =	simm.s32 @p1 $0x1  }
0x15: {  	[smem:$0x3FB1] =	sst s0;
	s0 =	simm.s32 @!p2 $0x0  }
0x16: {  	s3 =	sld [smem:$0x3FDB];
	s0 =	simm.s32 @p2 $0x1  }
0x17: {  	s4 =	simm.s32 $0x1BF5;
	[smem:$0x3FB3] =	sst s0  }
0x18: {  	s0 =	sld [smem:$0x3F96];
	_ =	swait.ge [sflag:s4], $0x0  }
0x19: {  	s7 =	sld [smem:$0x3F97]  }
0x1a: {  	s8 =	sadd.s32 $0xFFFFE003, lr  }
0x1b: {  	s9 =	sadd.s32 $0xFFFFFEF7, lr;
	s5 =	simm.s32 $0xFFFFFFFF;
	p2 =	slt.u32 s8, $0xFFFFF086  }
0x1c: {  	p1 =	slt.u32 s9, $0xF7A;
	s5 =	simm.s32 @!p2 $0x0  }
0x1d: {  	s5 =	simm.s32 @p1 $0x1;
	p0 =	seq.s32 s7, s2  }
0x1e: {  	s7 =	smul.u32 @!p0 $0xF7A, s2;
	p2 =	seq.s32 @!p0 s5, $0x0  }
0x1f: {  	s9 =	smul.u32 $0xF7A, s1;
	s8 =	simm.s32 @!p0 $0x1BF5;
	p2 =	por !p2, p0  }
0x20: {  	[sflag:s8] =	ssyncset.s32 @!p0 $0xFFFFF086;
	s6 =	sadd.s32 @!p0 s3, s7;
	s7 =	simm.s32 @!p0 $0x108  }
0x21: {  	s3 =	sadd.s32 s3, s9;
	s6 =	sadd.s32 @!p0 $0x88, s6;
	s7 =	simm.s32 @p2 $0x1082  }
0x22: {  	[simem:s7], [sflag:s8] =	dma.local @!p0 [hbm:s6], $0xF7A  }
0x23: {  	s9 =	sor.u32 $0xD0000000, s2;
	s6 =	simm.s32 $0x108;
	_ =	swait.ge @!p0 [sflag:s8], $0x0  }
0x24: {  	s3 =	sadd.s32 $0x88, s3;
	s6 =	simm.s32 @!p1 $0x1082;
	[sflag:s4] =	ssyncset.s32 $0xFFFFF086  }
0x25: {  	[simem:s6], [sflag:s4] =	dma.local [hbm:s3], $0xF7A  }
0x26: {  	[smem:$0x3F97] =	sst s1;
	(tag) =	ssettag s2;
	_ =	strace s9  }
0x27: {  	s1 =	sld [smem:$0x3FA7]  }
0x28: {  	s2 =	sld [smem:$0x3FA8]  }
0x29: {  	s4 =	sld [smem:$0x3FAA]  }
0x2a: {  	p0 =	seq.s32 s5, $0x0;
	s5 =	sld [smem:$0x3FAB]  }
0x2b: {  	s6 =	sld [smem:$0x3FAC]  }
0x2c: {  	s7 =	sld [smem:$0x3FAD]  }
0x2d: {  	s3 =	simm.s32 $0x108;
	s8 =	sld [smem:$0x3FAE]  }
0x2e: {  	s3 =	simm.s32 @!p0 $0x1082;
	s9 =	sld [smem:$0x3FAF]  }
0x2f: {  	lr =	sadd.s32 s0, s3;
	s0 =	sld [smem:$0x3FA6]  }
0x30: {  	s3 =	sld [smem:$0x3FA9]  }
0x31: {  	[smem:$0x3FB2] =	sst s10  }
0x32: {  	s10 =	sld [smem:$0x3FB0];
	_ =	sdelay $0x3  }
0x33: {  	p0 =	seq.s32 s10, $0x1;
	s10 =	sld [smem:$0x3FB2];
	_ =	sdelay $0x3  }
0x34: {  	[smem:$0x3FB2] =	sst s10  }
0x35: {  	s10 =	sld [smem:$0x3FB1];
	_ =	sdelay $0x3  }
0x36: {  	p1 =	seq.s32 s10, $0x1;
	s10 =	sld [smem:$0x3FB2];
	_ =	sdelay $0x3  }
0x37: {  	[smem:$0x3FB2] =	sst s10  }
0x38: {  	s10 =	sld [smem:$0x3FB3]  }
0x39: {  	_ = 	snop;
	(pc) =	sbr.ind lr, $3  }
0x3a: {  	_ = 	snop  }
0x3b: {  	_ = 	snop  }
0x3c: {  	p2 =	seq.s32 s10, $0x1;
	s10 =	sld [smem:$0x3FB2]  }
0x3d: {  	_ =	shalt  }
0x3e: {  	_ =	shalt  }
0x3f: {  	_ =	shalt  }
0x40: {  	_ =	shalt  }
0x41: {  	_ =	shalt  }
0x42: {  	_ =	shalt  }
0x43: {  	_ =	shalt  }
0x44: {  	_ =	shalt  }
0x45: {  	_ =	shalt  }
0x46: {  	_ =	shalt  }
0x47: {  	_ =	shalt  }
0x48: {  	_ =	shalt  }
0x49: {  	_ =	shalt  }
0x4a: {  	_ =	shalt  }
0x4b: {  	_ =	shalt  }
0x4c: {  	_ =	shalt  }
0x4d: {  	_ =	shalt  }
0x4e: {  	_ =	shalt  }
0x4f: {  	_ =	shalt  }
0x50: {  	_ =	shalt  }
0x51: {  	_ =	shalt  }
0x52: {  	_ =	shalt  }
0x53: {  	_ =	shalt  }
0x54: {  	_ =	shalt  }
0x55: {  	_ =	shalt  }
0x56: {  	_ =	shalt  }
0x57: {  	_ =	shalt  }
0x58: {  	_ =	shalt  }
0x59: {  	_ =	shalt  }
0x5a: {  	_ =	shalt  }
0x5b: {  	_ =	shalt  }
0x5c: {  	_ =	shalt  }
0x5d: {  	_ =	shalt  }
0x5e: {  	_ =	shalt  }
0x5f: {  	_ =	shalt  }
0x60: {  	_ =	shalt  }
0x61: {  	_ =	shalt  }
0x62: {  	_ =	shalt  }
0x63: {  	_ =	shalt  }
0x64: {  	_ =	shalt  }
0x65: {  	_ =	shalt  }
0x66: {  	_ =	shalt  }
0x67: {  	_ =	shalt  }
0x68: {  	_ =	shalt  }
0x69: {  	_ =	shalt  }
0x6a: {  	_ =	shalt  }
0x6b: {  	_ =	shalt  }
0x6c: {  	_ =	shalt  }
0x6d: {  	_ =	shalt  }
0x6e: {  	_ =	shalt  }
0x6f: {  	_ =	shalt  }
0x70: {  	_ =	shalt  }
0x71: {  	_ =	shalt  }
0x72: {  	_ =	shalt  }
0x73: {  	_ =	shalt  }
0x74: {  	_ =	shalt  }
0x75: {  	_ =	shalt  }
0x76: {  	_ =	shalt  }
0x77: {  	_ =	shalt  }
0x78: {  	_ =	shalt  }
0x79: {  	_ =	shalt  }
0x7a: {  	_ =	shalt  }
0x7b: {  	_ =	shalt  }
0x7c: {  	_ =	shalt  }
0x7d: {  	_ =	shalt  }
0x7e: {  	_ =	shalt  }
0x7f: {  	_ =	shalt  }
0x80: {  	_ =	shalt  }
0x81: {  	_ =	shalt  }
0x82: {  	_ =	shalt  }
0x83: {  	_ =	shalt  }
0x84: {  	_ =	shalt  }
0x85: {  	_ =	shalt  }
0x86: {  	_ =	shalt  }
0x87: {  	_ =	shalt  }
.Lfunc_end0:
.L_simem_size_0:
called_computation.1_lowered:
.L_overlay_start_0:
0x88: {  	s2 =	sld [smem:$0x3FD9]  }
0x89: {  	s3 =	sld [smem:$0x3FFE];
	_ =	sdelay $0x1  }
0x8a: {  	s1 =	srdreg.scid  }
0x8b: {  	s0 =	sand.u32 $0x1, s1  }
0x8c: {  	s16 =	sshll.u32 s0, $0xA;
	s2 =	sadd.s32 s3, s2  }
0x8d: {  	s2 =	sadd.s32 s2, s16  }
0x8e: {  	[smem:$0x3FBE] =	sst s2  }
0x8f: {  	_ = 	snop  }
0x90: {  	(tm) =	ssettm $0x1  }
0x91: {  	s17 =	sld [smem:$0x3FFB];
	_ =	sdelay $0x3  }
0x92: {  	_ =	strace s17  }
0x93: {  	s2 =	sld [smem:$0x3FFC];
	_ =	sdelay $0x3  }
0x94: {  	_ =	strace s2  }
0x95: {  	s2 =	sld [smem:$0x3FFD];
	_ =	sdelay $0x3  }
0x96: {  	_ =	strace s2  }
0x97: {  	_ =	strace $0x8FFFFFFF  }
0x98: {  	s18 =	sld [smem:$0x3FDB];
	_ =	sdelay $0x1  }
0x99: {  	s19 =	simm.s32 $_scs_section_size  }
0x9a: {  	s4 =	simm.s32 $_size__tile_overlayer_lowered;
	s5 =	simm.s32 $_tile_overlayer_lowered  }
0x9b: {  	s22 =	simm.s32 $0x1BFF;
	s21 =	sshll.u32 s5, $0x1;
	s2 =	sadd.s32 s19, s18  }
0x9c: {  	s6 =	simm.s32 $0x0;
	s20 =	sshll.u32 s4, $0x1;
	s4 =	sadd.s32 s21, s2  }
0x9d: {  	[timem:s6], [sflag:s22] =	dma.local [hbm:s4], s20  }
0x9e: {  	_ =	swait.ge [sflag:s22], s20  }
0x9f: {  	s3 =	ssub.s32 $0x0, s20;
	[sflag:s22] =	ssyncset.done $0x0  }
0xa0: {  	[sflag:s22] =	ssyncadd.s32 s3;
	_ =	sdelay $0x1  }
0xa1: {  	s23 =	simm.s32 $0x1B8B  }
0xa2: {  	_ =	swait.ge [sflag:s23], $0x1  }
0xa3: {  	[sflag:s23] =	ssyncset.done $0x0  }
0xa4: {  	s25 =	simm.s32 $0x1B8E;
	s24 =	sld [smem:$0x3FFE];
	[sflag:s23] =	ssyncadd.s32 $0xFFFFFFFF  }
0xa5: {  	s26 =	simm.s32 $execute0_lowered;
	[smem:$0x3FD2] =	sst s25  }
0xa6: {  	s4 =	sshll.u32 s26, $0x1;
	_ =	strace $0x80000049;
	[dreg:$0x1] =	wrdreg $0xFFFFFFFF  }
0xa7: {  	s28 =	simm.s32 $_size_execute0_lowered;
	s2 =	sadd.s32 s2, s4;
	[dreg:$0x0] =	wrdreg $0x0  }
0xa8: {  	s4 =	sshll.u32 s28, $0x1;
	[dreg:$0x2] =	wrdreg s2  }
0xa9: {  	[dreg:$0x3] =	wrdreg s4  }
0xaa: {  	[dreg:$0x4] =	wrdreg $0xC0  }
0xab: {  	_ =	task [dreg:s6], $0x5FFFF  }
0xac: {  	[dreg:$0x1] =	wrdreg $0xFFFFFFFF  }
0xad: {  	[dreg:$0x0] =	wrdreg $0x60  }
0xae: {  	[dreg:$0x2] =	wrdreg s24  }
0xaf: {  	[dreg:$0x3] =	wrdreg $0xA8000  }
0xb0: {  	[dreg:$0x4] =	wrdreg $0x9  }
0xb1: {  	_ =	task.clear_ibuf [dreg:s6], $0x5FFFF;
	_ =	strace $0x90000049  }
0xb2: {  	s29 =	simm.s32 $0x9;
	_ =	strace $0x8000004B  }
0xb3: {  	_ =	swait.ge [sflag:s29], $0x1  }
0xb4: {  	[sflag:s29] =	ssyncadd.s32 $0xFFFFFFFF  }
0xb5: {  	_ =	strace $0x9000004B  }
0xb6: {  	_ =	sfence  }
0xb7: {  	s30 =	sld [smem:$0x0];
	_ =	sdelay $0x2  }
0xb8: {  	s31 =	sshll.u32 s1, $0xD;
	s1 =	sshrl.u32 s1, $0x2  }
0xb9: {  	s3 =	sand.u32 $0x4000, s31;
	s1 =	sadd.s32 s1, s30  }
0xba: {  	s0 =	sor.u32 s3, s0;
	s1 =	sshll.u32 s1, $0x11  }
0xbb: {  	s0 =	sor.u32 s1, s0  }
0xbc: {  	s0 =	sadd.s32 $0x8F2B, s0  }
0xbd: {  	[sflag:s0] =	ssyncadd.remote.s32 $0x1  }
0xbe: {  	_ =	sfence.sel $0xFFFF  }
0xbf: {  	[dreg:$0x0] =	wrdreg $0xFFFFFFFF;
	(pc) =	sbr.abs _section_cstart, $3  }
0xc0: {  	[dreg:$0x1] =	wrdreg $0xFFFFFFFF  }
0xc1: {  	_ =	task.clear_ibuf [dreg:s6], $0x2FFFF;
	_ =	strace $0x9FFFFFFF  }
0xc2: {  	(tm) =	ssettm $0x7FFFFFFF  }
0xc3: {  	_ =	shalt  }
tec
execute0_lowered:
.L_overlay_start_1:
0x0: {  	(tag) =	ssettag $0x1  }
0x1: {  	s6 =	rddreg [dreg:$0x0]  }
0x2: {  	s1 =	rddreg [dreg:$0x1];
	s3 =	simm.s32 $0x0  }
0x3: {  	s2 =	srdreg.scid;
	s0 =	stileid.u32;
	s16 =	simm.s32 $0x80  }
0x4: {  	s17 =	simm.s32 $0x2800;
	s18 =	simm.s32 $0x6800;
	s19 =	simm.s32 $0x1  }
0x5: {  	s20 =	simm.s32 $0x2;
	s22 =	simm.s32 $0x2700;
	s28 =	simm.s32 $0x1300  }
0x6: {  	s29 =	simm.s32 $0x0;
	[smem:$0x7FF] =	sst s3;
	s7 =	sand.u32 $0x1, s2  }
0x7: {  	s9 =	smul.u32 $0x14000, s0;
	s4 =	sadd.s32 $0x4000, s6;
	s10 =	sadd.s32 $0x4A600, s6  }
0x8: {  	s11 =	sadd.s32 $0x40600, s6;
	s5 =	sadd.s32 $0x2C000, s6;
	s24 =	smul.u32 $0x50000, s0  }
0x9: {  	s23 =	sshll.u32 s0, $0x1;
	s30 =	sshll.u32 s0, $0x6;
	s8 =	smul.u32 $0x140000, s7  }
0xa: {  	_ =	strace $0x8000004A;
	s12 =	ssub.s32 $0x2, s7;
	s7 =	sor.u32 s7, s23  }
0xb: {  	s23 =	simm.s32 $0x2780;
	s13 =	sshrl.u32 s12, $0x1;
	s7 =	smul.u32 $0x2800, s7  }
0xc: {  	s25 =	sshrl.u32 s24, $0x2;
	s24 =	simm.s32 $0x1280;
	s8 =	sadd.s32 s9, s8  }
0xd: {  	s12 =	ssub.s32 s12, s13;
	s26 =	sadd.s32 s25, s1;
	s25 =	simm.s32 $0x2600  }
0xe: {  	s8 =	sshrl.u32 s8, $0x3;
	s31 =	sshrl.u32 s7, $0x3;
	s12 =	smax.u32 s12, $0x1  }
0xf: {  	s13 =	sshrl.u32 s26, $0x3;
	s26 =	simm.s32 $0x2680;
	s14 =	sadd.s32 s8, s6  }
0x10: {  	s6 =	sor.u32 $0x1C03, s30;
	s7 =	sadd.s32 s10, s31;
	s15 =	sadd.s32 $0x280, s31  }
0x11: {  	s8 =	sadd.s32 s11, s31;
	s9 =	sadd.s32 s10, s15;
	s10 =	sadd.s32 s11, s15  }
0x12: {  	s11 =	sadd.s32 $0x7C600, s14;
	s14 =	simm.s32 $0x3;
	s15 =	simm.s32 $0x1400  }
.LBB2_1:
0x13: {  	[spmem:s13], [sflag:s6] =	dma.local [hbm:s5], $0x2800  }
0x14: {  	_ =	swait.ge [sflag:s14], $0x2800  }
0x15: {  	[sflag:s14] =	ssyncset.done $0x0  }
0x16: {  	[sflag:s14] =	ssyncadd.s32 $0xFFFFD800  }
0x17: {  	[bflag:$0x0] =	sbarrier.arrive $0xFFFF  }
0x18: {  	[tilespmem:s3], [sflag:$0x3] =	stream.linear.gather [hbm4b:s7+s3], $0x1400, $0x38;
	[tilespmem:$0x1E800] =	vst v63  }
0x19: {  	_ =	swait.ge [sflag:s14], $0x1400  }
0x1a: {  	[sflag:s14] =	ssyncset.done $0x0  }
0x1b: {  	[sflag:s14] =	ssyncadd.s32 $0xFFFFEC00  }
0x1c: {  	[tilespmem:s15], [sflag:$0x3] =	stream.linear.gather [hbm4b:s8+s3], $0x1400, $0x38;
	[tilespmem:$0x1E800] =	vst v63  }
0x1d: {  	_ =	swait.ge [sflag:s14], $0x1400  }
0x1e: {  	[sflag:s14] =	ssyncset.done $0x0  }
0x1f: {  	[sflag:s14] =	ssyncadd.s32 $0xFFFFEC00  }
0x20: {  	[tilespmem:s17], [sflag:$0x1] =	stream.indirect.gather [hbm4b:s4+s16], $0x80, s3, s16, $0xb8;
	[tilespmem:$0x1E800] =	vst v63  }
0x21: {  	s30 =	simm.s32 $0x80  }
0x22: {  	[tilespmem:s18], [sflag:$0x2] =	stream.indirect.gather [hbm4b:s4+s16], $0x80, s30, s16, $0xb8;
	[tilespmem:$0x1E800] =	vst v63  }
0x23: {  	_ =	swait.ge [sflag:s19], $0x4000  }
0x24: {  	[sflag:s19] =	ssyncset.done $0x0  }
0x25: {  	s30 =	simm.s32 $0x1400;
	[sflag:s19] =	ssyncadd.s32 $0xFFFFC000  }
0x26: {  	[spmem:s1] =	stream.indirect.scatter.add.f32 [tilespmem:s17], [sflag:$0x3], $0x80, s30, s16, $0xb8;
	[tilespmem:$0x1E800] =	vst v63  }
0x27: {  	_ =	swait.ge [sflag:s14], $0x4000  }
0x28: {  	[sflag:s14] =	ssyncset.done $0x0  }
0x29: {  	s30 =	simm.s32 $0x100;
	[sflag:s14] =	ssyncadd.s32 $0xFFFFC000  }
0x2a: {  	[tilespmem:s17], [sflag:$0x1] =	stream.indirect.gather [hbm4b:s4+s16], $0x80, s30, s16, $0xb8;
	[tilespmem:$0x1E800] =	vst v63  }
0x2b: {  	_ =	swait.ge [sflag:s20], $0x4000  }
0x2c: {  	[sflag:s20] =	ssyncset.done $0x0  }
0x2d: {  	s30 =	simm.s32 $0x1480;
	[sflag:s20] =	ssyncadd.s32 $0xFFFFC000  }
0x2e: {  	[spmem:s1] =	stream.indirect.scatter.add.f32 [tilespmem:s18], [sflag:$0x3], $0x80, s30, s16, $0xb8;
	[tilespmem:$0x1E800] =	vst v63  }
0x2f: {  	_ =	swait.ge [sflag:s14], $0x4000  }
0x30: {  	s31 =	simm.s32 $0x800;
	s30 =	simm.s32 $0x100;
	[sflag:s14] =	ssyncset.done $0x0  }
.LBB2_2:
0x31: {  	s0 =	sadd.s32 $0x80, s30  }
0x32: {  	[sflag:s14] =	ssyncadd.s32 $0xFFFFC000;
	s2 =	smov.u32 s31;
	s21 =	sadd.s32 $0x400, s31  }
0x33: {  	[tilespmem:s18], [sflag:$0x2] =	stream.indirect.gather [hbm4b:s4+s16], $0x80, s0, s16, $0xb8;
	[tilespmem:$0x1E800] =	vst v63  }
0x34: {  	p0 =	sne.s32 s31, $0x4800;
	_ =	swait.ge [sflag:s19], $0x4000  }
0x35: {  	[sflag:s19] =	ssyncset.done $0x0  }
0x36: {  	s0 =	sadd.s32 $0x1400, s30;
	[sflag:s19] =	ssyncadd.s32 $0xFFFFC000  }
0x37: {  	[spmem:s1] =	stream.indirect.scatter.add.f32 [tilespmem:s17], [sflag:$0x3], $0x80, s0, s16, $0xb8;
	[tilespmem:$0x1E800] =	vst v63  }
0x38: {  	_ =	swait.ge [sflag:s14], $0x4000  }
0x39: {  	[sflag:s14] =	ssyncset.done $0x0  }
0x3a: {  	s0 =	sadd.s32 $0x100, s30;
	[sflag:s14] =	ssyncadd.s32 $0xFFFFC000  }
0x3b: {  	[tilespmem:s17], [sflag:$0x1] =	stream.indirect.gather [hbm4b:s4+s16], $0x80, s0, s16, $0xb8;
	[tilespmem:$0x1E800] =	vst v63  }
0x3c: {  	_ =	swait.ge [sflag:s20], $0x4000  }
.Ltmp0:
0x3d: {  	[sflag:s20] =	ssyncset.done $0x0;
	(pc) =	sbr.rel @p0 .LBB2_2-.Ltmp0, $4  }
0x3e: {  	s0 =	sadd.s32 $0x1480, s30;
	[sflag:s20] =	ssyncadd.s32 $0xFFFFC000  }
0x3f: {  	[spmem:s1] =	stream.indirect.scatter.add.f32 [tilespmem:s18], [sflag:$0x3], $0x80, s0, s16, $0xb8;
	[tilespmem:$0x1E800] =	vst v63  }
0x40: {  	_ =	swait.ge [sflag:s14], $0x4000  }
0x41: {  	s31 =	smov.u32 s21;
	s30 =	sshra.s32 s2, $0x2;
	[sflag:s14] =	ssyncset.done $0x0  }
0x42: {  	s0 =	sadd.s32 $0x80, s30;
	[sflag:s14] =	ssyncadd.s32 $0xFFFFC000  }
0x43: {  	[tilespmem:s18], [sflag:$0x2] =	stream.indirect.gather [hbm4b:s4+s16], $0x80, s0, s16, $0xb8;
	[tilespmem:$0x1E800] =	vst v63  }
0x44: {  	_ =	swait.ge [sflag:s19], $0x4000  }
0x45: {  	[sflag:s19] =	ssyncset.done $0x0  }
0x46: {  	s21 =	sadd.s32 $0x1400, s30;
	[sflag:s19] =	ssyncadd.s32 $0xFFFFC000  }
0x47: {  	[spmem:s1] =	stream.indirect.scatter.add.f32 [tilespmem:s17], [sflag:$0x3], $0x80, s21, s16, $0xb8;
	[tilespmem:$0x1E800] =	vst v63  }
0x48: {  	_ =	swait.ge [sflag:s14], $0x4000  }
0x49: {  	[sflag:s14] =	ssyncset.done $0x0  }
0x4a: {  	s2 =	sadd.s32 $0x100, s30;
	[sflag:s14] =	ssyncadd.s32 $0xFFFFC000  }
0x4b: {  	[tilespmem:s17], [sflag:$0x1] =	stream.indirect.gather [hbm4b:s4+s16], $0x80, s2, s16, $0xb8;
	[tilespmem:$0x1E800] =	vst v63  }
0x4c: {  	_ =	swait.ge [sflag:s20], $0x4000  }
0x4d: {  	[sflag:s20] =	ssyncset.done $0x0  }
0x4e: {  	s21 =	sadd.s32 $0x1480, s30;
	[sflag:s20] =	ssyncadd.s32 $0xFFFFC000  }
0x4f: {  	[spmem:s1] =	stream.indirect.scatter.add.f32 [tilespmem:s18], [sflag:$0x3], $0x80, s21, s16, $0xb8;
	[tilespmem:$0x1E800] =	vst v63  }
0x50: {  	_ =	swait.ge [sflag:s14], $0x4000  }
0x51: {  	[sflag:s14] =	ssyncset.done $0x0  }
0x52: {  	s2 =	simm.s32 $0x1380;
	[sflag:s14] =	ssyncadd.s32 $0xFFFFC000  }
0x53: {  	[tilespmem:s18], [sflag:$0x2] =	stream.indirect.gather [hbm4b:s4+s16], $0x80, s2, s16, $0xb8;
	[tilespmem:$0x1E800] =	vst v63  }
0x54: {  	_ =	swait.ge [sflag:s19], $0x4000  }
0x55: {  	[sflag:s19] =	ssyncset.done $0x0  }
0x56: {  	[sflag:s19] =	ssyncadd.s32 $0xFFFFC000  }
0x57: {  	[spmem:s1] =	stream.indirect.scatter.add.f32 [tilespmem:s17], [sflag:$0x3], $0x80, s22, s16, $0xb8;
	[tilespmem:$0x1E800] =	vst v63  }
0x58: {  	_ =	swait.ge [sflag:s14], $0x4000  }
0x59: {  	[sflag:s14] =	ssyncset.done $0x0  }
0x5a: {  	[sflag:s14] =	ssyncadd.s32 $0xFFFFC000  }
0x5b: {  	_ =	swait.ge [sflag:s20], $0x4000  }
0x5c: {  	[sflag:s20] =	ssyncset.done $0x0  }
0x5d: {  	[sflag:s20] =	ssyncadd.s32 $0xFFFFC000  }
0x5e: {  	[spmem:s1] =	stream.indirect.scatter.add.f32 [tilespmem:s18], [sflag:$0x3], $0x80, s23, s16, $0xb8;
	[tilespmem:$0x1E800] =	vst v63  }
0x5f: {  	_ =	swait.ge [sflag:s14], $0x4000  }
0x60: {  	[sflag:s14] =	ssyncset.done $0x0  }
0x61: {  	s21 =	simm.s32 $0x0;
	[sflag:s14] =	ssyncadd.s32 $0xFFFFC000  }
0x62: {  	[tilespmem:s21], [sflag:$0x3] =	stream.linear.gather [hbm4b:s9+s21], $0x1380, $0x38;
	[tilespmem:$0x1E800] =	vst v63  }
0x63: {  	_ =	swait.ge [sflag:s14], $0x1380  }
0x64: {  	[sflag:s14] =	ssyncset.done $0x0  }
0x65: {  	[sflag:s14] =	ssyncadd.s32 $0xFFFFEC80  }
0x66: {  	[tilespmem:s15], [sflag:$0x3] =	stream.linear.gather [hbm4b:s10+s21], $0x1380, $0x38;
	[tilespmem:$0x1E800] =	vst v63  }
0x67: {  	_ =	swait.ge [sflag:s14], $0x1380  }
0x68: {  	[sflag:s14] =	ssyncset.done $0x0  }
0x69: {  	[sflag:s14] =	ssyncadd.s32 $0xFFFFEC80  }
0x6a: {  	[tilespmem:s17], [sflag:$0x1] =	stream.indirect.gather [hbm4b:s4+s16], $0x80, s21, s16, $0xb8;
	[tilespmem:$0x1E800] =	vst v63  }
0x6b: {  	s2 =	simm.s32 $0x80  }
0x6c: {  	[tilespmem:s18], [sflag:$0x2] =	stream.indirect.gather [hbm4b:s4+s16], $0x80, s2, s16, $0xb8;
	[tilespmem:$0x1E800] =	vst v63  }
0x6d: {  	_ =	swait.ge [sflag:s19], $0x4000  }
0x6e: {  	[sflag:s19] =	ssyncset.done $0x0  }
0x6f: {  	s21 =	simm.s32 $0x1400;
	[sflag:s19] =	ssyncadd.s32 $0xFFFFC000  }
0x70: {  	[spmem:s1] =	stream.indirect.scatter.add.f32 [tilespmem:s17], [sflag:$0x3], $0x80, s21, s16, $0xb8;
	[tilespmem:$0x1E800] =	vst v63  }
0x71: {  	_ =	swait.ge [sflag:s14], $0x4000  }
0x72: {  	[sflag:s14] =	ssyncset.done $0x0  }
0x73: {  	s2 =	simm.s32 $0x100;
	[sflag:s14] =	ssyncadd.s32 $0xFFFFC000  }
0x74: {  	[tilespmem:s17], [sflag:$0x1] =	stream.indirect.gather [hbm4b:s4+s16], $0x80, s2, s16, $0xb8;
	[tilespmem:$0x1E800] =	vst v63  }
0x75: {  	_ =	swait.ge [sflag:s20], $0x4000  }
0x76: {  	[sflag:s20] =	ssyncset.done $0x0  }
0x77: {  	s21 =	simm.s32 $0x1480;
	[sflag:s20] =	ssyncadd.s32 $0xFFFFC000  }
0x78: {  	[spmem:s1] =	stream.indirect.scatter.add.f32 [tilespmem:s18], [sflag:$0x3], $0x80, s21, s16, $0xb8;
	[tilespmem:$0x1E800] =	vst v63  }
0x79: {  	_ =	swait.ge [sflag:s14], $0x4000  }
0x7a: {  	s31 =	simm.s32 $0x800;
	s30 =	simm.s32 $0x100;
	[sflag:s14] =	ssyncset.done $0x0  }
.LBB2_4:
0x7b: {  	s0 =	sadd.s32 $0x80, s30  }
0x7c: {  	[sflag:s14] =	ssyncadd.s32 $0xFFFFC000;
	s2 =	smov.u32 s31;
	s21 =	sadd.s32 $0x400, s31  }
0x7d: {  	[tilespmem:s18], [sflag:$0x2] =	stream.indirect.gather [hbm4b:s4+s16], $0x80, s0, s16, $0xb8;
	[tilespmem:$0x1E800] =	vst v63  }
0x7e: {  	p0 =	sne.s32 s31, $0x4400;
	_ =	swait.ge [sflag:s19], $0x4000  }
0x7f: {  	[sflag:s19] =	ssyncset.done $0x0  }
0x80: {  	s0 =	sadd.s32 $0x1400, s30;
	[sflag:s19] =	ssyncadd.s32 $0xFFFFC000  }
0x81: {  	[spmem:s1] =	stream.indirect.scatter.add.f32 [tilespmem:s17], [sflag:$0x3], $0x80, s0, s16, $0xb8;
	[tilespmem:$0x1E800] =	vst v63  }
0x82: {  	_ =	swait.ge [sflag:s14], $0x4000  }
0x83: {  	[sflag:s14] =	ssyncset.done $0x0  }
0x84: {  	s0 =	sadd.s32 $0x100, s30;
	[sflag:s14] =	ssyncadd.s32 $0xFFFFC000  }
0x85: {  	[tilespmem:s17], [sflag:$0x1] =	stream.indirect.gather [hbm4b:s4+s16], $0x80, s0, s16, $0xb8;
	[tilespmem:$0x1E800] =	vst v63  }
0x86: {  	_ =	swait.ge [sflag:s20], $0x4000  }
.Ltmp1:
0x87: {  	[sflag:s20] =	ssyncset.done $0x0;
	(pc) =	sbr.rel @p0 .LBB2_4-.Ltmp1, $4  }
0x88: {  	s0 =	sadd.s32 $0x1480, s30;
	[sflag:s20] =	ssyncadd.s32 $0xFFFFC000  }
0x89: {  	[spmem:s1] =	stream.indirect.scatter.add.f32 [tilespmem:s18], [sflag:$0x3], $0x80, s0, s16, $0xb8;
	[tilespmem:$0x1E800] =	vst v63  }
0x8a: {  	_ =	swait.ge [sflag:s14], $0x4000  }
0x8b: {  	s31 =	smov.u32 s21;
	s30 =	sshra.s32 s2, $0x2;
	[sflag:s14] =	ssyncset.done $0x0  }
0x8c: {  	s0 =	sadd.s32 $0x80, s30;
	[sflag:s14] =	ssyncadd.s32 $0xFFFFC000  }
0x8d: {  	[tilespmem:s18], [sflag:$0x2] =	stream.indirect.gather [hbm4b:s4+s16], $0x80, s0, s16, $0xb8;
	[tilespmem:$0x1E800] =	vst v63  }
0x8e: {  	_ =	swait.ge [sflag:s19], $0x4000  }
0x8f: {  	[sflag:s19] =	ssyncset.done $0x0  }
0x90: {  	s2 =	sadd.s32 $0x1400, s30;
	[sflag:s19] =	ssyncadd.s32 $0xFFFFC000  }
0x91: {  	[spmem:s1] =	stream.indirect.scatter.add.f32 [tilespmem:s17], [sflag:$0x3], $0x80, s2, s16, $0xb8;
	[tilespmem:$0x1E800] =	vst v63  }
0x92: {  	_ =	swait.ge [sflag:s14], $0x4000  }
0x93: {  	[sflag:s14] =	ssyncset.done $0x0  }
0x94: {  	s21 =	sadd.s32 $0x100, s30;
	[sflag:s14] =	ssyncadd.s32 $0xFFFFC000  }
0x95: {  	[tilespmem:s17], [sflag:$0x1] =	stream.indirect.gather [hbm4b:s4+s16], $0x80, s21, s16, $0xb8;
	[tilespmem:$0x1E800] =	vst v63  }
0x96: {  	_ =	swait.ge [sflag:s20], $0x4000  }
0x97: {  	[sflag:s20] =	ssyncset.done $0x0  }
0x98: {  	s31 =	sadd.s32 $0x1480, s30;
	[sflag:s20] =	ssyncadd.s32 $0xFFFFC000  }
0x99: {  	[spmem:s1] =	stream.indirect.scatter.add.f32 [tilespmem:s18], [sflag:$0x3], $0x80, s31, s16, $0xb8;
	[tilespmem:$0x1E800] =	vst v63  }
0x9a: {  	_ =	swait.ge [sflag:s14], $0x4000  }
0x9b: {  	[sflag:s14] =	ssyncset.done $0x0  }
0x9c: {  	[sflag:s14] =	ssyncadd.s32 $0xFFFFC000  }
0x9d: {  	[tilespmem:s18], [sflag:$0x2] =	stream.indirect.gather [hbm4b:s4+s16], $0x80, s24, s16, $0xb8;
	[tilespmem:$0x1E800] =	vst v63  }
0x9e: {  	_ =	swait.ge [sflag:s19], $0x4000  }
0x9f: {  	[sflag:s19] =	ssyncset.done $0x0  }
0xa0: {  	[sflag:s19] =	ssyncadd.s32 $0xFFFFC000  }
0xa1: {  	[spmem:s1] =	stream.indirect.scatter.add.f32 [tilespmem:s17], [sflag:$0x3], $0x80, s25, s16, $0xb8;
	[tilespmem:$0x1E800] =	vst v63  }
0xa2: {  	_ =	swait.ge [sflag:s14], $0x4000  }
0xa3: {  	[sflag:s14] =	ssyncset.done $0x0  }
0xa4: {  	[sflag:s14] =	ssyncadd.s32 $0xFFFFC000  }
0xa5: {  	_ =	swait.ge [sflag:s20], $0x4000  }
0xa6: {  	[sflag:s20] =	ssyncset.done $0x0  }
0xa7: {  	[sflag:s20] =	ssyncadd.s32 $0xFFFFC000  }
0xa8: {  	[spmem:s1] =	stream.indirect.scatter.add.f32 [tilespmem:s18], [sflag:$0x3], $0x80, s26, s16, $0xb8;
	[tilespmem:$0x1E800] =	vst v63  }
0xa9: {  	_ =	swait.ge [sflag:s14], $0x4000  }
0xaa: {  	[sflag:s14] =	ssyncset.done $0x0  }
0xab: {  	[sflag:s14] =	ssyncadd.s32 $0xFFFFC000  }
0xac: {  	[tilespmem:s17], [sflag:$0x1] =	stream.indirect.gather [hbm4b:s4+s16], $0x80, s28, s16, $0xb8;
	[tilespmem:$0x1E800] =	vst v63  }
0xad: {  	_ =	swait.ge [sflag:s19], $0x4000  }
0xae: {  	[sflag:s19] =	ssyncset.done $0x0  }
0xaf: {  	[sflag:s19] =	ssyncadd.s32 $0xFFFFC000  }
0xb0: {  	[spmem:s1] =	stream.indirect.scatter.add.f32 [tilespmem:s17], [sflag:$0x3], $0x80, s22, s16, $0xb8;
	[tilespmem:$0x1E800] =	vst v63  }
0xb1: {  	_ =	swait.ge [sflag:s14], $0x4000  }
0xb2: {  	s29 =	sadd.s32 $0x1, s29;
	[sflag:s14] =	ssyncset.done $0x0  }
0xb3: {  	p0 =	sne.s32 s29, s12;
	[sflag:s14] =	ssyncadd.s32 $0xFFFFC000  }
.Ltmp2:
0xb4: {  	[bflag:$0x0] =	sbarrier.arrive $0xFFFF;
	(pc) =	sbr.rel @p0 .LBB2_1-.Ltmp2, $4  }
0xb5: {  	[hbm:s11], [sflag:s6] =	dma.local [spmem:s13], $0x2800  }
0xb6: {  	_ =	swait.ge [sflag:s14], $0x2800  }
0xb7: {  	[sflag:s14] =	ssyncset.done $0x0  }
0xb8: {  	[sflag:s14] =	ssyncadd.s32 $0xFFFFD800  }
0xb9: {  	_ =	sfence.sel $0x180000  }
0xba: {  	[bflag:$0x0] =	sbarrier.arrive $0xFFFF  }
0xbb: {  	_ =	strace $0x9000004A  }
0xbc: {  	s0 =	stileid.u32;
	[bflag:$0x2] =	sbarrier.arrive $0xFFFF  }
0xbd: {  	p0 =	sne.s32 s0, $0x0;
	s0 =	rddreg [dreg:$0x2]  }
0xbe: {  	s0 =	sadd.s32 @!p0 $0x100000, s0  }
0xbf: {  	[sflag:s0] =	ssyncadd.tile.s32 @!p0 $0x1;
	_ =	shalt  }
.Lfunc_end2:
_tile_overlayer_lowered:
.L_overlay_start_2:
0xc0: {  	(tag) =	ssettag $0x2  }
0xc1: {  	s0 =	rddreg [dreg:$0x0];
	s2 =	stileid.u32  }
0xc2: {  	s1 =	rddreg [dreg:$0x1];
	p0 =	sne.s32 s2, $0x0  }
0xc3: {  	s3 =	rddreg [dreg:$0x2];
	[bflag:$0x3] =	sbarrier.arrive $0xFFFF;
	s2 =	simm.s32 @!p0 $0x1C03  }
0xc4: {  	[timem:s3], [sflag:s2] =	dma.local @!p0 [hbm:s0], s1  }
0xc5: {  	s0 =	simm.s32 @!p0 $0x3  }
0xc6: {  	_ =	swait.ge @!p0 [sflag:s0], s1  }
0xc7: {  	s1 =	ssub.s32 @!p0 $0x0, s1;
	[sflag:s0] =	ssyncset.done @!p0 $0x0  }
0xc8: {  	[sflag:s0] =	ssyncadd.s32 @!p0 s1  }
0xc9: {  	[bflag:$0x3] =	sbarrier.arrive $0xFFFF  }
0xca: {  	_ =	shalt  }

// kernel: kernel.14.cloned.1.call-start
scs
__scs_entry_jumppad:
0x0: {  	(pc) =	sbr.rel $0x88, $3  }
0x1: {  	(tag) =	ssettag $0x0;
	lr =	simm.s32 $0x1  }
0x2: {  	[smem:$0x3F97] =	sst lr;
	_ =	strace $0xD0000000  }
0x3: {  	_ = 	snop  }
0x4: {  	_ = 	snop  }
0x5: {  	_ = 	snop  }
0x6: {  	_ = 	snop  }
0x7: {  	_ = 	snop  }
__scs_overlays_trampoline_lowered:
0x8: {  	[smem:$0x3FA6] =	sst s0  }
0x9: {  	[smem:$0x3FA7] =	sst s1  }
0xa: {  	[smem:$0x3FA8] =	sst s2  }
0xb: {  	[smem:$0x3FA9] =	sst s3  }
0xc: {  	[smem:$0x3FAA] =	sst s4  }
0xd: {  	[smem:$0x3FAB] =	sst s5  }
0xe: {  	[smem:$0x3FAC] =	sst s6  }
0xf: {  	[smem:$0x3FAD] =	sst s7  }
0x10: {  	[smem:$0x3FAE] =	sst s8  }
0x11: {  	[smem:$0x3FAF] =	sst s9;
	s0 =	simm.s32 @!p0 $0x0  }
0x12: {  	s1 =	sld [smem:$0x3F95];
	s0 =	simm.s32 @p0 $0x1  }
0x13: {  	[smem:$0x3FB0] =	sst s0;
	s0 =	simm.s32 @!p1 $0x0  }
0x14: {  	s2 =	sld [smem:$0x3F94];
	s0 =	simm.s32 @p1 $0x1  }
0x15: {  	[smem:$0x3FB1] =	sst s0;
	s0 =	simm.s32 @!p2 $0x0  }
0x16: {  	s3 =	sld [smem:$0x3FDB];
	s0 =	simm.s32 @p2 $0x1  }
0x17: {  	s4 =	simm.s32 $0x1BF5;
	[smem:$0x3FB3] =	sst s0  }
0x18: {  	s0 =	sld [smem:$0x3F96];
	_ =	swait.ge [sflag:s4], $0x0  }
0x19: {  	s7 =	sld [smem:$0x3F97]  }
0x1a: {  	s8 =	sadd.s32 $0xFFFFE003, lr  }
0x1b: {  	s9 =	sadd.s32 $0xFFFFFEF7, lr;
	s5 =	simm.s32 $0xFFFFFFFF;
	p2 =	slt.u32 s8, $0xFFFFF086  }
0x1c: {  	p1 =	slt.u32 s9, $0xF7A;
	s5 =	simm.s32 @!p2 $0x0  }
0x1d: {  	s5 =	simm.s32 @p1 $0x1;
	p0 =	seq.s32 s7, s2  }
0x1e: {  	s7 =	smul.u32 @!p0 $0xF7A, s2;
	p2 =	seq.s32 @!p0 s5, $0x0  }
0x1f: {  	s9 =	smul.u32 $0xF7A, s1;
	s8 =	simm.s32 @!p0 $0x1BF5;
	p2 =	por !p2, p0  }
0x20: {  	[sflag:s8] =	ssyncset.s32 @!p0 $0xFFFFF086;
	s6 =	sadd.s32 @!p0 s3, s7;
	s7 =	simm.s32 @!p0 $0x108  }
0x21: {  	s3 =	sadd.s32 s3, s9;
	s6 =	sadd.s32 @!p0 $0x88, s6;
	s7 =	simm.s32 @p2 $0x1082  }
0x22: {  	[simem:s7], [sflag:s8] =	dma.local @!p0 [hbm:s6], $0xF7A  }
0x23: {  	s9 =	sor.u32 $0xD0000000, s2;
	s6 =	simm.s32 $0x108;
	_ =	swait.ge @!p0 [sflag:s8], $0x0  }
0x24: {  	s3 =	sadd.s32 $0x88, s3;
	s6 =	simm.s32 @!p1 $0x1082;
	[sflag:s4] =	ssyncset.s32 $0xFFFFF086  }
0x25: {  	[simem:s6], [sflag:s4] =	dma.local [hbm:s3], $0xF7A  }
0x26: {  	[smem:$0x3F97] =	sst s1;
	(tag) =	ssettag s2;
	_ =	strace s9  }
0x27: {  	s1 =	sld [smem:$0x3FA7]  }
0x28: {  	s2 =	sld [smem:$0x3FA8]  }
0x29: {  	s4 =	sld [smem:$0x3FAA]  }
0x2a: {  	p0 =	seq.s32 s5, $0x0;
	s5 =	sld [smem:$0x3FAB]  }
0x2b: {  	s6 =	sld [smem:$0x3FAC]  }
0x2c: {  	s7 =	sld [smem:$0x3FAD]  }
0x2d: {  	s3 =	simm.s32 $0x108;
	s8 =	sld [smem:$0x3FAE]  }
0x2e: {  	s3 =	simm.s32 @!p0 $0x1082;
	s9 =	sld [smem:$0x3FAF]  }
0x2f: {  	lr =	sadd.s32 s0, s3;
	s0 =	sld [smem:$0x3FA6]  }
0x30: {  	s3 =	sld [smem:$0x3FA9]  }
0x31: {  	[smem:$0x3FB2] =	sst s10  }
0x32: {  	s10 =	sld [smem:$0x3FB0];
	_ =	sdelay $0x3  }
0x33: {  	p0 =	seq.s32 s10, $0x1;
	s10 =	sld [smem:$0x3FB2];
	_ =	sdelay $0x3  }
0x34: {  	[smem:$0x3FB2] =	sst s10  }
0x35: {  	s10 =	sld [smem:$0x3FB1];
	_ =	sdelay $0x3  }
0x36: {  	p1 =	seq.s32 s10, $0x1;
	s10 =	sld [smem:$0x3FB2];
	_ =	sdelay $0x3  }
0x37: {  	[smem:$0x3FB2] =	sst s10  }
0x38: {  	s10 =	sld [smem:$0x3FB3]  }
0x39: {  	_ = 	snop;
	(pc) =	sbr.ind lr, $3  }
0x3a: {  	_ = 	snop  }
0x3b: {  	_ = 	snop  }
0x3c: {  	p2 =	seq.s32 s10, $0x1;
	s10 =	sld [smem:$0x3FB2]  }
0x3d: {  	_ =	shalt  }
0x3e: {  	_ =	shalt  }
0x3f: {  	_ =	shalt  }
0x40: {  	_ =	shalt  }
0x41: {  	_ =	shalt  }
0x42: {  	_ =	shalt  }
0x43: {  	_ =	shalt  }
0x44: {  	_ =	shalt  }
0x45: {  	_ =	shalt  }
0x46: {  	_ =	shalt  }
0x47: {  	_ =	shalt  }
0x48: {  	_ =	shalt  }
0x49: {  	_ =	shalt  }
0x4a: {  	_ =	shalt  }
0x4b: {  	_ =	shalt  }
0x4c: {  	_ =	shalt  }
0x4d: {  	_ =	shalt  }
0x4e: {  	_ =	shalt  }
0x4f: {  	_ =	shalt  }
0x50: {  	_ =	shalt  }
0x51: {  	_ =	shalt  }
0x52: {  	_ =	shalt  }
0x53: {  	_ =	shalt  }
0x54: {  	_ =	shalt  }
0x55: {  	_ =	shalt  }
0x56: {  	_ =	shalt  }
0x57: {  	_ =	shalt  }
0x58: {  	_ =	shalt  }
0x59: {  	_ =	shalt  }
0x5a: {  	_ =	shalt  }
0x5b: {  	_ =	shalt  }
0x5c: {  	_ =	shalt  }
0x5d: {  	_ =	shalt  }
0x5e: {  	_ =	shalt  }
0x5f: {  	_ =	shalt  }
0x60: {  	_ =	shalt  }
0x61: {  	_ =	shalt  }
0x62: {  	_ =	shalt  }
0x63: {  	_ =	shalt  }
0x64: {  	_ =	shalt  }
0x65: {  	_ =	shalt  }
0x66: {  	_ =	shalt  }
0x67: {  	_ =	shalt  }
0x68: {  	_ =	shalt  }
0x69: {  	_ =	shalt  }
0x6a: {  	_ =	shalt  }
0x6b: {  	_ =	shalt  }
0x6c: {  	_ =	shalt  }
0x6d: {  	_ =	shalt  }
0x6e: {  	_ =	shalt  }
0x6f: {  	_ =	shalt  }
0x70: {  	_ =	shalt  }
0x71: {  	_ =	shalt  }
0x72: {  	_ =	shalt  }
0x73: {  	_ =	shalt  }
0x74: {  	_ =	shalt  }
0x75: {  	_ =	shalt  }
0x76: {  	_ =	shalt  }
0x77: {  	_ =	shalt  }
0x78: {  	_ =	shalt  }
0x79: {  	_ =	shalt  }
0x7a: {  	_ =	shalt  }
0x7b: {  	_ =	shalt  }
0x7c: {  	_ =	shalt  }
0x7d: {  	_ =	shalt  }
0x7e: {  	_ =	shalt  }
0x7f: {  	_ =	shalt  }
0x80: {  	_ =	shalt  }
0x81: {  	_ =	shalt  }
0x82: {  	_ =	shalt  }
0x83: {  	_ =	shalt  }
0x84: {  	_ =	shalt  }
0x85: {  	_ =	shalt  }
0x86: {  	_ =	shalt  }
0x87: {  	_ =	shalt  }
.Lfunc_end0:
.L_simem_size_0:
called_computation.2_lowered:
.L_overlay_start_0:
0x88: {  	s2 =	sld [smem:$0x3FD9]  }
0x89: {  	s3 =	sld [smem:$0x3FFE];
	_ =	sdelay $0x1  }
0x8a: {  	s1 =	srdreg.scid  }
0x8b: {  	s0 =	sand.u32 $0x1, s1  }
0x8c: {  	s16 =	sshll.u32 s0, $0xA;
	s2 =	sadd.s32 s3, s2  }
0x8d: {  	s2 =	sadd.s32 s2, s16  }
0x8e: {  	[smem:$0x3FBE] =	sst s2  }
0x8f: {  	_ = 	snop  }
0x90: {  	(tm) =	ssettm $0x1  }
0x91: {  	s17 =	sld [smem:$0x3FFB];
	_ =	sdelay $0x3  }
0x92: {  	_ =	strace s17  }
0x93: {  	s2 =	sld [smem:$0x3FFC];
	_ =	sdelay $0x3  }
0x94: {  	_ =	strace s2  }
0x95: {  	s2 =	sld [smem:$0x3FFD];
	_ =	sdelay $0x3  }
0x96: {  	_ =	strace s2  }
0x97: {  	_ =	strace $0x8FFFFFFF  }
0x98: {  	s18 =	sld [smem:$0x3FDB];
	_ =	sdelay $0x1  }
0x99: {  	s19 =	simm.s32 $_scs_section_size  }
0x9a: {  	s4 =	simm.s32 $_size__tile_overlayer_lowered;
	s5 =	simm.s32 $_tile_overlayer_lowered  }
0x9b: {  	s22 =	simm.s32 $0x1BFF;
	s21 =	sshll.u32 s5, $0x1;
	s2 =	sadd.s32 s19, s18  }
0x9c: {  	s6 =	simm.s32 $0x0;
	s20 =	sshll.u32 s4, $0x1;
	s4 =	sadd.s32 s21, s2  }
0x9d: {  	[timem:s6], [sflag:s22] =	dma.local [hbm:s4], s20  }
0x9e: {  	_ =	swait.ge [sflag:s22], s20  }
0x9f: {  	s3 =	ssub.s32 $0x0, s20;
	[sflag:s22] =	ssyncset.done $0x0  }
0xa0: {  	[sflag:s22] =	ssyncadd.s32 s3;
	_ =	sdelay $0x1  }
0xa1: {  	s23 =	simm.s32 $0x1B8B  }
0xa2: {  	_ =	swait.ge [sflag:s23], $0x1  }
0xa3: {  	[sflag:s23] =	ssyncset.done $0x0  }
0xa4: {  	s25 =	simm.s32 $0x1B8E;
	s24 =	sld [smem:$0x3FFE];
	[sflag:s23] =	ssyncadd.s32 $0xFFFFFFFF  }
0xa5: {  	s26 =	simm.s32 $execute0_lowered;
	[smem:$0x3FD2] =	sst s25  }
0xa6: {  	s4 =	sshll.u32 s26, $0x1;
	_ =	strace $0x8000004C;
	[dreg:$0x1] =	wrdreg $0xFFFFFFFF  }
0xa7: {  	s28 =	simm.s32 $_size_execute0_lowered;
	s2 =	sadd.s32 s2, s4;
	[dreg:$0x0] =	wrdreg $0x0  }
0xa8: {  	s4 =	sshll.u32 s28, $0x1;
	[dreg:$0x2] =	wrdreg s2  }
0xa9: {  	[dreg:$0x3] =	wrdreg s4  }
0xaa: {  	[dreg:$0x4] =	wrdreg $0xC0  }
0xab: {  	_ =	task [dreg:s6], $0x5FFFF  }
0xac: {  	[dreg:$0x1] =	wrdreg $0xFFFFFFFF  }
0xad: {  	[dreg:$0x0] =	wrdreg $0x60  }
0xae: {  	[dreg:$0x2] =	wrdreg s24  }
0xaf: {  	[dreg:$0x3] =	wrdreg $0xA8000  }
0xb0: {  	[dreg:$0x4] =	wrdreg $0x9  }
0xb1: {  	_ =	task.clear_ibuf [dreg:s6], $0x5FFFF;
	_ =	strace $0x9000004C  }
0xb2: {  	s29 =	simm.s32 $0x9;
	_ =	strace $0x8000004E  }
0xb3: {  	_ =	swait.ge [sflag:s29], $0x1  }
0xb4: {  	[sflag:s29] =	ssyncadd.s32 $0xFFFFFFFF  }
0xb5: {  	_ =	strace $0x9000004E  }
0xb6: {  	_ =	sfence  }
0xb7: {  	s30 =	sld [smem:$0x0];
	_ =	sdelay $0x2  }
0xb8: {  	s31 =	sshll.u32 s1, $0xD;
	s1 =	sshrl.u32 s1, $0x2  }
0xb9: {  	s3 =	sand.u32 $0x4000, s31;
	s1 =	sadd.s32 s1, s30  }
0xba: {  	s0 =	sor.u32 s3, s0;
	s1 =	sshll.u32 s1, $0x11  }
0xbb: {  	s0 =	sor.u32 s1, s0  }
0xbc: {  	s0 =	sadd.s32 $0x8F2B, s0  }
0xbd: {  	[sflag:s0] =	ssyncadd.remote.s32 $0x1  }
0xbe: {  	_ =	sfence.sel $0xFFFF  }
0xbf: {  	[dreg:$0x0] =	wrdreg $0xFFFFFFFF;
	(pc) =	sbr.abs _section_cstart, $3  }
0xc0: {  	[dreg:$0x1] =	wrdreg $0xFFFFFFFF  }
0xc1: {  	_ =	task.clear_ibuf [dreg:s6], $0x2FFFF;
	_ =	strace $0x9FFFFFFF  }
0xc2: {  	(tm) =	ssettm $0x7FFFFFFF  }
0xc3: {  	_ =	shalt  }
tec
execute0_lowered:
.L_overlay_start_1:
0x0: {  	(tag) =	ssettag $0x1  }
0x1: {  	s6 =	rddreg [dreg:$0x0]  }
0x2: {  	s1 =	rddreg [dreg:$0x1];
	s3 =	simm.s32 $0x0  }
0x3: {  	s2 =	srdreg.scid;
	s0 =	stileid.u32;
	s16 =	simm.s32 $0x80  }
0x4: {  	s17 =	simm.s32 $0x2800;
	s18 =	simm.s32 $0x6800;
	s19 =	simm.s32 $0x1  }
0x5: {  	s20 =	simm.s32 $0x2;
	s22 =	simm.s32 $0x2700;
	s28 =	simm.s32 $0x1300  }
0x6: {  	s29 =	simm.s32 $0x0;
	[smem:$0x7FF] =	sst s3;
	s7 =	sand.u32 $0x1, s2  }
0x7: {  	s9 =	smul.u32 $0x14000, s0;
	s4 =	sadd.s32 $0x4000, s6;
	s10 =	sadd.s32 $0x4A600, s6  }
0x8: {  	s11 =	sadd.s32 $0x40600, s6;
	s5 =	sadd.s32 $0x2C000, s6;
	s24 =	smul.u32 $0x50000, s0  }
0x9: {  	s23 =	sshll.u32 s0, $0x1;
	s30 =	sshll.u32 s0, $0x6;
	s8 =	smul.u32 $0x140000, s7  }
0xa: {  	_ =	strace $0x8000004D;
	s12 =	ssub.s32 $0x2, s7;
	s7 =	sor.u32 s7, s23  }
0xb: {  	s23 =	simm.s32 $0x2780;
	s13 =	sshrl.u32 s12, $0x1;
	s7 =	smul.u32 $0x2800, s7  }
0xc: {  	s25 =	sshrl.u32 s24, $0x2;
	s24 =	simm.s32 $0x1280;
	s8 =	sadd.s32 s9, s8  }
0xd: {  	s12 =	ssub.s32 s12, s13;
	s26 =	sadd.s32 s25, s1;
	s25 =	simm.s32 $0x2600  }
0xe: {  	s8 =	sshrl.u32 s8, $0x3;
	s31 =	sshrl.u32 s7, $0x3;
	s12 =	smax.u32 s12, $0x1  }
0xf: {  	s13 =	sshrl.u32 s26, $0x3;
	s26 =	simm.s32 $0x2680;
	s14 =	sadd.s32 s8, s6  }
0x10: {  	s6 =	sor.u32 $0x1C03, s30;
	s7 =	sadd.s32 s10, s31;
	s15 =	sadd.s32 $0x280, s31  }
0x11: {  	s8 =	sadd.s32 s11, s31;
	s9 =	sadd.s32 s10, s15;
	s10 =	sadd.s32 s11, s15  }
0x12: {  	s11 =	sadd.s32 $0x7C600, s14;
	s14 =	simm.s32 $0x3;
	s15 =	simm.s32 $0x1400  }
.LBB2_1:
0x13: {  	[spmem:s13], [sflag:s6] =	dma.local [hbm:s5], $0x2800  }
0x14: {  	_ =	swait.ge [sflag:s14], $0x2800  }
0x15: {  	[sflag:s14] =	ssyncset.done $0x0  }
0x16: {  	[sflag:s14] =	ssyncadd.s32 $0xFFFFD800  }
0x17: {  	[bflag:$0x0] =	sbarrier.arrive $0xFFFF  }
0x18: {  	[tilespmem:s3], [sflag:$0x3] =	stream.linear.gather [hbm4b:s7+s3], $0x1400, $0x38;
	[tilespmem:$0x1E800] =	vst v63  }
0x19: {  	_ =	swait.ge [sflag:s14], $0x1400  }
0x1a: {  	[sflag:s14] =	ssyncset.done $0x0  }
0x1b: {  	[sflag:s14] =	ssyncadd.s32 $0xFFFFEC00  }
0x1c: {  	[tilespmem:s15], [sflag:$0x3] =	stream.linear.gather [hbm4b:s8+s3], $0x1400, $0x38;
	[tilespmem:$0x1E800] =	vst v63  }
0x1d: {  	_ =	swait.ge [sflag:s14], $0x1400  }
0x1e: {  	[sflag:s14] =	ssyncset.done $0x0  }
0x1f: {  	[sflag:s14] =	ssyncadd.s32 $0xFFFFEC00  }
0x20: {  	[tilespmem:s17], [sflag:$0x1] =	stream.indirect.gather [hbm4b:s4+s16], $0x80, s3, s16, $0xb8;
	[tilespmem:$0x1E800] =	vst v63  }
0x21: {  	s30 =	simm.s32 $0x80  }
0x22: {  	[tilespmem:s18], [sflag:$0x2] =	stream.indirect.gather [hbm4b:s4+s16], $0x80, s30, s16, $0xb8;
	[tilespmem:$0x1E800] =	vst v63  }
0x23: {  	_ =	swait.ge [sflag:s19], $0x4000  }
0x24: {  	[sflag:s19] =	ssyncset.done $0x0  }
0x25: {  	s30 =	simm.s32 $0x1400;
	[sflag:s19] =	ssyncadd.s32 $0xFFFFC000  }
0x26: {  	[spmem:s1] =	stream.indirect.scatter.add.f32 [tilespmem:s17], [sflag:$0x3], $0x80, s30, s16, $0xb8;
	[tilespmem:$0x1E800] =	vst v63  }
0x27: {  	_ =	swait.ge [sflag:s14], $0x4000  }
0x28: {  	[sflag:s14] =	ssyncset.done $0x0  }
0x29: {  	s30 =	simm.s32 $0x100;
	[sflag:s14] =	ssyncadd.s32 $0xFFFFC000  }
0x2a: {  	[tilespmem:s17], [sflag:$0x1] =	stream.indirect.gather [hbm4b:s4+s16], $0x80, s30, s16, $0xb8;
	[tilespmem:$0x1E800] =	vst v63  }
0x2b: {  	_ =	swait.ge [sflag:s20], $0x4000  }
0x2c: {  	[sflag:s20] =	ssyncset.done $0x0  }
0x2d: {  	s30 =	simm.s32 $0x1480;
	[sflag:s20] =	ssyncadd.s32 $0xFFFFC000  }
0x2e: {  	[spmem:s1] =	stream.indirect.scatter.add.f32 [tilespmem:s18], [sflag:$0x3], $0x80, s30, s16, $0xb8;
	[tilespmem:$0x1E800] =	vst v63  }
0x2f: {  	_ =	swait.ge [sflag:s14], $0x4000  }
0x30: {  	s31 =	simm.s32 $0x800;
	s30 =	simm.s32 $0x100;
	[sflag:s14] =	ssyncset.done $0x0  }
.LBB2_2:
0x31: {  	s0 =	sadd.s32 $0x80, s30  }
0x32: {  	[sflag:s14] =	ssyncadd.s32 $0xFFFFC000;
	s2 =	smov.u32 s31;
	s21 =	sadd.s32 $0x400, s31  }
0x33: {  	[tilespmem:s18], [sflag:$0x2] =	stream.indirect.gather [hbm4b:s4+s16], $0x80, s0, s16, $0xb8;
	[tilespmem:$0x1E800] =	vst v63  }
0x34: {  	p0 =	sne.s32 s31, $0x4800;
	_ =	swait.ge [sflag:s19], $0x4000  }
0x35: {  	[sflag:s19] =	ssyncset.done $0x0  }
0x36: {  	s0 =	sadd.s32 $0x1400, s30;
	[sflag:s19] =	ssyncadd.s32 $0xFFFFC000  }
0x37: {  	[spmem:s1] =	stream.indirect.scatter.add.f32 [tilespmem:s17], [sflag:$0x3], $0x80, s0, s16, $0xb8;
	[tilespmem:$0x1E800] =	vst v63  }
0x38: {  	_ =	swait.ge [sflag:s14], $0x4000  }
0x39: {  	[sflag:s14] =	ssyncset.done $0x0  }
0x3a: {  	s0 =	sadd.s32 $0x100, s30;
	[sflag:s14] =	ssyncadd.s32 $0xFFFFC000  }
0x3b: {  	[tilespmem:s17], [sflag:$0x1] =	stream.indirect.gather [hbm4b:s4+s16], $0x80, s0, s16, $0xb8;
	[tilespmem:$0x1E800] =	vst v63  }
0x3c: {  	_ =	swait.ge [sflag:s20], $0x4000  }
.Ltmp0:
0x3d: {  	[sflag:s20] =	ssyncset.done $0x0;
	(pc) =	sbr.rel @p0 .LBB2_2-.Ltmp0, $4  }
0x3e: {  	s0 =	sadd.s32 $0x1480, s30;
	[sflag:s20] =	ssyncadd.s32 $0xFFFFC000  }
0x3f: {  	[spmem:s1] =	stream.indirect.scatter.add.f32 [tilespmem:s18], [sflag:$0x3], $0x80, s0, s16, $0xb8;
	[tilespmem:$0x1E800] =	vst v63  }
0x40: {  	_ =	swait.ge [sflag:s14], $0x4000  }
0x41: {  	s31 =	smov.u32 s21;
	s30 =	sshra.s32 s2, $0x2;
	[sflag:s14] =	ssyncset.done $0x0  }
0x42: {  	s0 =	sadd.s32 $0x80, s30;
	[sflag:s14] =	ssyncadd.s32 $0xFFFFC000  }
0x43: {  	[tilespmem:s18], [sflag:$0x2] =	stream.indirect.gather [hbm4b:s4+s16], $0x80, s0, s16, $0xb8;
	[tilespmem:$0x1E800] =	vst v63  }
0x44: {  	_ =	swait.ge [sflag:s19], $0x4000  }
0x45: {  	[sflag:s19] =	ssyncset.done $0x0  }
0x46: {  	s21 =	sadd.s32 $0x1400, s30;
	[sflag:s19] =	ssyncadd.s32 $0xFFFFC000  }
0x47: {  	[spmem:s1] =	stream.indirect.scatter.add.f32 [tilespmem:s17], [sflag:$0x3], $0x80, s21, s16, $0xb8;
	[tilespmem:$0x1E800] =	vst v63  }
0x48: {  	_ =	swait.ge [sflag:s14], $0x4000  }
0x49: {  	[sflag:s14] =	ssyncset.done $0x0  }
0x4a: {  	s2 =	sadd.s32 $0x100, s30;
	[sflag:s14] =	ssyncadd.s32 $0xFFFFC000  }
0x4b: {  	[tilespmem:s17], [sflag:$0x1] =	stream.indirect.gather [hbm4b:s4+s16], $0x80, s2, s16, $0xb8;
	[tilespmem:$0x1E800] =	vst v63  }
0x4c: {  	_ =	swait.ge [sflag:s20], $0x4000  }
0x4d: {  	[sflag:s20] =	ssyncset.done $0x0  }
0x4e: {  	s21 =	sadd.s32 $0x1480, s30;
	[sflag:s20] =	ssyncadd.s32 $0xFFFFC000  }
0x4f: {  	[spmem:s1] =	stream.indirect.scatter.add.f32 [tilespmem:s18], [sflag:$0x3], $0x80, s21, s16, $0xb8;
	[tilespmem:$0x1E800] =	vst v63  }
0x50: {  	_ =	swait.ge [sflag:s14], $0x4000  }
0x51: {  	[sflag:s14] =	ssyncset.done $0x0  }
0x52: {  	s2 =	simm.s32 $0x1380;
	[sflag:s14] =	ssyncadd.s32 $0xFFFFC000  }
0x53: {  	[tilespmem:s18], [sflag:$0x2] =	stream.indirect.gather [hbm4b:s4+s16], $0x80, s2, s16, $0xb8;
	[tilespmem:$0x1E800] =	vst v63  }
0x54: {  	_ =	swait.ge [sflag:s19], $0x4000  }
0x55: {  	[sflag:s19] =	ssyncset.done $0x0  }
0x56: {  	[sflag:s19] =	ssyncadd.s32 $0xFFFFC000  }
0x57: {  	[spmem:s1] =	stream.indirect.scatter.add.f32 [tilespmem:s17], [sflag:$0x3], $0x80, s22, s16, $0xb8;
	[tilespmem:$0x1E800] =	vst v63  }
0x58: {  	_ =	swait.ge [sflag:s14], $0x4000  }
0x59: {  	[sflag:s14] =	ssyncset.done $0x0  }
0x5a: {  	[sflag:s14] =	ssyncadd.s32 $0xFFFFC000  }
0x5b: {  	_ =	swait.ge [sflag:s20], $0x4000  }
0x5c: {  	[sflag:s20] =	ssyncset.done $0x0  }
0x5d: {  	[sflag:s20] =	ssyncadd.s32 $0xFFFFC000  }
0x5e: {  	[spmem:s1] =	stream.indirect.scatter.add.f32 [tilespmem:s18], [sflag:$0x3], $0x80, s23, s16, $0xb8;
	[tilespmem:$0x1E800] =	vst v63  }
0x5f: {  	_ =	swait.ge [sflag:s14], $0x4000  }
0x60: {  	[sflag:s14] =	ssyncset.done $0x0  }
0x61: {  	s21 =	simm.s32 $0x0;
	[sflag:s14] =	ssyncadd.s32 $0xFFFFC000  }
0x62: {  	[tilespmem:s21], [sflag:$0x3] =	stream.linear.gather [hbm4b:s9+s21], $0x1380, $0x38;
	[tilespmem:$0x1E800] =	vst v63  }
0x63: {  	_ =	swait.ge [sflag:s14], $0x1380  }
0x64: {  	[sflag:s14] =	ssyncset.done $0x0  }
0x65: {  	[sflag:s14] =	ssyncadd.s32 $0xFFFFEC80  }
0x66: {  	[tilespmem:s15], [sflag:$0x3] =	stream.linear.gather [hbm4b:s10+s21], $0x1380, $0x38;
	[tilespmem:$0x1E800] =	vst v63  }
0x67: {  	_ =	swait.ge [sflag:s14], $0x1380  }
0x68: {  	[sflag:s14] =	ssyncset.done $0x0  }
0x69: {  	[sflag:s14] =	ssyncadd.s32 $0xFFFFEC80  }
0x6a: {  	[tilespmem:s17], [sflag:$0x1] =	stream.indirect.gather [hbm4b:s4+s16], $0x80, s21, s16, $0xb8;
	[tilespmem:$0x1E800] =	vst v63  }
0x6b: {  	s2 =	simm.s32 $0x80  }
0x6c: {  	[tilespmem:s18], [sflag:$0x2] =	stream.indirect.gather [hbm4b:s4+s16], $0x80, s2, s16, $0xb8;
	[tilespmem:$0x1E800] =	vst v63  }
0x6d: {  	_ =	swait.ge [sflag:s19], $0x4000  }
0x6e: {  	[sflag:s19] =	ssyncset.done $0x0  }
0x6f: {  	s21 =	simm.s32 $0x1400;
	[sflag:s19] =	ssyncadd.s32 $0xFFFFC000  }
0x70: {  	[spmem:s1] =	stream.indirect.scatter.add.f32 [tilespmem:s17], [sflag:$0x3], $0x80, s21, s16, $0xb8;
	[tilespmem:$0x1E800] =	vst v63  }
0x71: {  	_ =	swait.ge [sflag:s14], $0x4000  }
0x72: {  	[sflag:s14] =	ssyncset.done $0x0  }
0x73: {  	s2 =	simm.s32 $0x100;
	[sflag:s14] =	ssyncadd.s32 $0xFFFFC000  }
0x74: {  	[tilespmem:s17], [sflag:$0x1] =	stream.indirect.gather [hbm4b:s4+s16], $0x80, s2, s16, $0xb8;
	[tilespmem:$0x1E800] =	vst v63  }
0x75: {  	_ =	swait.ge [sflag:s20], $0x4000  }
0x76: {  	[sflag:s20] =	ssyncset.done $0x0  }
0x77: {  	s21 =	simm.s32 $0x1480;
	[sflag:s20] =	ssyncadd.s32 $0xFFFFC000  }
0x78: {  	[spmem:s1] =	stream.indirect.scatter.add.f32 [tilespmem:s18], [sflag:$0x3], $0x80, s21, s16, $0xb8;
	[tilespmem:$0x1E800] =	vst v63  }
0x79: {  	_ =	swait.ge [sflag:s14], $0x4000  }
0x7a: {  	s31 =	simm.s32 $0x800;
	s30 =	simm.s32 $0x100;
	[sflag:s14] =	ssyncset.done $0x0  }
.LBB2_4:
0x7b: {  	s0 =	sadd.s32 $0x80, s30  }
0x7c: {  	[sflag:s14] =	ssyncadd.s32 $0xFFFFC000;
	s2 =	smov.u32 s31;
	s21 =	sadd.s32 $0x400, s31  }
0x7d: {  	[tilespmem:s18], [sflag:$0x2] =	stream.indirect.gather [hbm4b:s4+s16], $0x80, s0, s16, $0xb8;
	[tilespmem:$0x1E800] =	vst v63  }
0x7e: {  	p0 =	sne.s32 s31, $0x4400;
	_ =	swait.ge [sflag:s19], $0x4000  }
0x7f: {  	[sflag:s19] =	ssyncset.done $0x0  }
0x80: {  	s0 =	sadd.s32 $0x1400, s30;
	[sflag:s19] =	ssyncadd.s32 $0xFFFFC000  }
0x81: {  	[spmem:s1] =	stream.indirect.scatter.add.f32 [tilespmem:s17], [sflag:$0x3], $0x80, s0, s16, $0xb8;
	[tilespmem:$0x1E800] =	vst v63  }
0x82: {  	_ =	swait.ge [sflag:s14], $0x4000  }
0x83: {  	[sflag:s14] =	ssyncset.done $0x0  }
0x84: {  	s0 =	sadd.s32 $0x100, s30;
	[sflag:s14] =	ssyncadd.s32 $0xFFFFC000  }
0x85: {  	[tilespmem:s17], [sflag:$0x1] =	stream.indirect.gather [hbm4b:s4+s16], $0x80, s0, s16, $0xb8;
	[tilespmem:$0x1E800] =	vst v63  }
0x86: {  	_ =	swait.ge [sflag:s20], $0x4000  }
.Ltmp1:
0x87: {  	[sflag:s20] =	ssyncset.done $0x0;
	(pc) =	sbr.rel @p0 .LBB2_4-.Ltmp1, $4  }
0x88: {  	s0 =	sadd.s32 $0x1480, s30;
	[sflag:s20] =	ssyncadd.s32 $0xFFFFC000  }
0x89: {  	[spmem:s1] =	stream.indirect.scatter.add.f32 [tilespmem:s18], [sflag:$0x3], $0x80, s0, s16, $0xb8;
	[tilespmem:$0x1E800] =	vst v63  }
0x8a: {  	_ =	swait.ge [sflag:s14], $0x4000  }
0x8b: {  	s31 =	smov.u32 s21;
	s30 =	sshra.s32 s2, $0x2;
	[sflag:s14] =	ssyncset.done $0x0  }
0x8c: {  	s0 =	sadd.s32 $0x80, s30;
	[sflag:s14] =	ssyncadd.s32 $0xFFFFC000  }
0x8d: {  	[tilespmem:s18], [sflag:$0x2] =	stream.indirect.gather [hbm4b:s4+s16], $0x80, s0, s16, $0xb8;
	[tilespmem:$0x1E800] =	vst v63  }
0x8e: {  	_ =	swait.ge [sflag:s19], $0x4000  }
0x8f: {  	[sflag:s19] =	ssyncset.done $0x0  }
0x90: {  	s2 =	sadd.s32 $0x1400, s30;
	[sflag:s19] =	ssyncadd.s32 $0xFFFFC000  }
0x91: {  	[spmem:s1] =	stream.indirect.scatter.add.f32 [tilespmem:s17], [sflag:$0x3], $0x80, s2, s16, $0xb8;
	[tilespmem:$0x1E800] =	vst v63  }
0x92: {  	_ =	swait.ge [sflag:s14], $0x4000  }
0x93: {  	[sflag:s14] =	ssyncset.done $0x0  }
0x94: {  	s21 =	sadd.s32 $0x100, s30;
	[sflag:s14] =	ssyncadd.s32 $0xFFFFC000  }
0x95: {  	[tilespmem:s17], [sflag:$0x1] =	stream.indirect.gather [hbm4b:s4+s16], $0x80, s21, s16, $0xb8;
	[tilespmem:$0x1E800] =	vst v63  }
0x96: {  	_ =	swait.ge [sflag:s20], $0x4000  }
0x97: {  	[sflag:s20] =	ssyncset.done $0x0  }
0x98: {  	s31 =	sadd.s32 $0x1480, s30;
	[sflag:s20] =	ssyncadd.s32 $0xFFFFC000  }
0x99: {  	[spmem:s1] =	stream.indirect.scatter.add.f32 [tilespmem:s18], [sflag:$0x3], $0x80, s31, s16, $0xb8;
	[tilespmem:$0x1E800] =	vst v63  }
0x9a: {  	_ =	swait.ge [sflag:s14], $0x4000  }
0x9b: {  	[sflag:s14] =	ssyncset.done $0x0  }
0x9c: {  	[sflag:s14] =	ssyncadd.s32 $0xFFFFC000  }
0x9d: {  	[tilespmem:s18], [sflag:$0x2] =	stream.indirect.gather [hbm4b:s4+s16], $0x80, s24, s16, $0xb8;
	[tilespmem:$0x1E800] =	vst v63  }
0x9e: {  	_ =	swait.ge [sflag:s19], $0x4000  }
0x9f: {  	[sflag:s19] =	ssyncset.done $0x0  }
0xa0: {  	[sflag:s19] =	ssyncadd.s32 $0xFFFFC000  }
0xa1: {  	[spmem:s1] =	stream.indirect.scatter.add.f32 [tilespmem:s17], [sflag:$0x3], $0x80, s25, s16, $0xb8;
	[tilespmem:$0x1E800] =	vst v63  }
0xa2: {  	_ =	swait.ge [sflag:s14], $0x4000  }
0xa3: {  	[sflag:s14] =	ssyncset.done $0x0  }
0xa4: {  	[sflag:s14] =	ssyncadd.s32 $0xFFFFC000  }
0xa5: {  	_ =	swait.ge [sflag:s20], $0x4000  }
0xa6: {  	[sflag:s20] =	ssyncset.done $0x0  }
0xa7: {  	[sflag:s20] =	ssyncadd.s32 $0xFFFFC000  }
0xa8: {  	[spmem:s1] =	stream.indirect.scatter.add.f32 [tilespmem:s18], [sflag:$0x3], $0x80, s26, s16, $0xb8;
	[tilespmem:$0x1E800] =	vst v63  }
0xa9: {  	_ =	swait.ge [sflag:s14], $0x4000  }
0xaa: {  	[sflag:s14] =	ssyncset.done $0x0  }
0xab: {  	[sflag:s14] =	ssyncadd.s32 $0xFFFFC000  }
0xac: {  	[tilespmem:s17], [sflag:$0x1] =	stream.indirect.gather [hbm4b:s4+s16], $0x80, s28, s16, $0xb8;
	[tilespmem:$0x1E800] =	vst v63  }
0xad: {  	_ =	swait.ge [sflag:s19], $0x4000  }
0xae: {  	[sflag:s19] =	ssyncset.done $0x0  }
0xaf: {  	[sflag:s19] =	ssyncadd.s32 $0xFFFFC000  }
0xb0: {  	[spmem:s1] =	stream.indirect.scatter.add.f32 [tilespmem:s17], [sflag:$0x3], $0x80, s22, s16, $0xb8;
	[tilespmem:$0x1E800] =	vst v63  }
0xb1: {  	_ =	swait.ge [sflag:s14], $0x4000  }
0xb2: {  	s29 =	sadd.s32 $0x1, s29;
	[sflag:s14] =	ssyncset.done $0x0  }
0xb3: {  	p0 =	sne.s32 s29, s12;
	[sflag:s14] =	ssyncadd.s32 $0xFFFFC000  }
.Ltmp2:
0xb4: {  	[bflag:$0x0] =	sbarrier.arrive $0xFFFF;
	(pc) =	sbr.rel @p0 .LBB2_1-.Ltmp2, $4  }
0xb5: {  	[hbm:s11], [sflag:s6] =	dma.local [spmem:s13], $0x2800  }
0xb6: {  	_ =	swait.ge [sflag:s14], $0x2800  }
0xb7: {  	[sflag:s14] =	ssyncset.done $0x0  }
0xb8: {  	[sflag:s14] =	ssyncadd.s32 $0xFFFFD800  }
0xb9: {  	_ =	sfence.sel $0x180000  }
0xba: {  	[bflag:$0x0] =	sbarrier.arrive $0xFFFF  }
0xbb: {  	_ =	strace $0x9000004D  }
0xbc: {  	s0 =	stileid.u32;
	[bflag:$0x2] =	sbarrier.arrive $0xFFFF  }
0xbd: {  	p0 =	sne.s32 s0, $0x0;
	s0 =	rddreg [dreg:$0x2]  }
0xbe: {  	s0 =	sadd.s32 @!p0 $0x100000, s0  }
0xbf: {  	[sflag:s0] =	ssyncadd.tile.s32 @!p0 $0x1;
	_ =	shalt  }
.Lfunc_end2:
_tile_overlayer_lowered:
.L_overlay_start_2:
0xc0: {  	(tag) =	ssettag $0x2  }
0xc1: {  	s0 =	rddreg [dreg:$0x0];
	s2 =	stileid.u32  }
0xc2: {  	s1 =	rddreg [dreg:$0x1];
	p0 =	sne.s32 s2, $0x0  }
0xc3: {  	s3 =	rddreg [dreg:$0x2];
	[bflag:$0x3] =	sbarrier.arrive $0xFFFF;
	s2 =	simm.s32 @!p0 $0x1C03  }
0xc4: {  	[timem:s3], [sflag:s2] =	dma.local @!p0 [hbm:s0], s1  }
0xc5: {  	s0 =	simm.s32 @!p0 $0x3  }
0xc6: {  	_ =	swait.ge @!p0 [sflag:s0], s1  }
0xc7: {  	s1 =	ssub.s32 @!p0 $0x0, s1;
	[sflag:s0] =	ssyncset.done @!p0 $0x0  }
0xc8: {  	[sflag:s0] =	ssyncadd.s32 @!p0 s1  }
0xc9: {  	[bflag:$0x3] =	sbarrier.arrive $0xFFFF  }
0xca: {  	_ =	shalt  }

// kernel: kernel.8.cloned.1.call-start
scs
__scs_entry_jumppad:
0x0: {  	(pc) =	sbr.rel $0x88, $3  }
0x1: {  	(tag) =	ssettag $0x0;
	lr =	simm.s32 $0x1  }
0x2: {  	[smem:$0x3F97] =	sst lr;
	_ =	strace $0xD0000000  }
0x3: {  	_ = 	snop  }
0x4: {  	_ = 	snop  }
0x5: {  	_ = 	snop  }
0x6: {  	_ = 	snop  }
0x7: {  	_ = 	snop  }
__scs_overlays_trampoline_lowered:
0x8: {  	[smem:$0x3FA6] =	sst s0  }
0x9: {  	[smem:$0x3FA7] =	sst s1  }
0xa: {  	[smem:$0x3FA8] =	sst s2  }
0xb: {  	[smem:$0x3FA9] =	sst s3  }
0xc: {  	[smem:$0x3FAA] =	sst s4  }
0xd: {  	[smem:$0x3FAB] =	sst s5  }
0xe: {  	[smem:$0x3FAC] =	sst s6  }
0xf: {  	[smem:$0x3FAD] =	sst s7  }
0x10: {  	[smem:$0x3FAE] =	sst s8  }
0x11: {  	[smem:$0x3FAF] =	sst s9;
	s0 =	simm.s32 @!p0 $0x0  }
0x12: {  	s1 =	sld [smem:$0x3F95];
	s0 =	simm.s32 @p0 $0x1  }
0x13: {  	[smem:$0x3FB0] =	sst s0;
	s0 =	simm.s32 @!p1 $0x0  }
0x14: {  	s2 =	sld [smem:$0x3F94];
	s0 =	simm.s32 @p1 $0x1  }
0x15: {  	[smem:$0x3FB1] =	sst s0;
	s0 =	simm.s32 @!p2 $0x0  }
0x16: {  	s3 =	sld [smem:$0x3FDB];
	s0 =	simm.s32 @p2 $0x1  }
0x17: {  	s4 =	simm.s32 $0x1BF5;
	[smem:$0x3FB3] =	sst s0  }
0x18: {  	s0 =	sld [smem:$0x3F96];
	_ =	swait.ge [sflag:s4], $0x0  }
0x19: {  	s7 =	sld [smem:$0x3F97]  }
0x1a: {  	s8 =	sadd.s32 $0xFFFFE003, lr  }
0x1b: {  	s9 =	sadd.s32 $0xFFFFFEF7, lr;
	s5 =	simm.s32 $0xFFFFFFFF;
	p2 =	slt.u32 s8, $0xFFFFF086  }
0x1c: {  	p1 =	slt.u32 s9, $0xF7A;
	s5 =	simm.s32 @!p2 $0x0  }
0x1d: {  	s5 =	simm.s32 @p1 $0x1;
	p0 =	seq.s32 s7, s2  }
0x1e: {  	s7 =	smul.u32 @!p0 $0xF7A, s2;
	p2 =	seq.s32 @!p0 s5, $0x0  }
0x1f: {  	s9 =	smul.u32 $0xF7A, s1;
	s8 =	simm.s32 @!p0 $0x1BF5;
	p2 =	por !p2, p0  }
0x20: {  	[sflag:s8] =	ssyncset.s32 @!p0 $0xFFFFF086;
	s6 =	sadd.s32 @!p0 s3, s7;
	s7 =	simm.s32 @!p0 $0x108  }
0x21: {  	s3 =	sadd.s32 s3, s9;
	s6 =	sadd.s32 @!p0 $0x88, s6;
	s7 =	simm.s32 @p2 $0x1082  }
0x22: {  	[simem:s7], [sflag:s8] =	dma.local @!p0 [hbm:s6], $0xF7A  }
0x23: {  	s9 =	sor.u32 $0xD0000000, s2;
	s6 =	simm.s32 $0x108;
	_ =	swait.ge @!p0 [sflag:s8], $0x0  }
0x24: {  	s3 =	sadd.s32 $0x88, s3;
	s6 =	simm.s32 @!p1 $0x1082;
	[sflag:s4] =	ssyncset.s32 $0xFFFFF086  }
0x25: {  	[simem:s6], [sflag:s4] =	dma.local [hbm:s3], $0xF7A  }
0x26: {  	[smem:$0x3F97] =	sst s1;
	(tag) =	ssettag s2;
	_ =	strace s9  }
0x27: {  	s1 =	sld [smem:$0x3FA7]  }
0x28: {  	s2 =	sld [smem:$0x3FA8]  }
0x29: {  	s4 =	sld [smem:$0x3FAA]  }
0x2a: {  	p0 =	seq.s32 s5, $0x0;
	s5 =	sld [smem:$0x3FAB]  }
0x2b: {  	s6 =	sld [smem:$0x3FAC]  }
0x2c: {  	s7 =	sld [smem:$0x3FAD]  }
0x2d: {  	s3 =	simm.s32 $0x108;
	s8 =	sld [smem:$0x3FAE]  }
0x2e: {  	s3 =	simm.s32 @!p0 $0x1082;
	s9 =	sld [smem:$0x3FAF]  }
0x2f: {  	lr =	sadd.s32 s0, s3;
	s0 =	sld [smem:$0x3FA6]  }
0x30: {  	s3 =	sld [smem:$0x3FA9]  }
0x31: {  	[smem:$0x3FB2] =	sst s10  }
0x32: {  	s10 =	sld [smem:$0x3FB0];
	_ =	sdelay $0x3  }
0x33: {  	p0 =	seq.s32 s10, $0x1;
	s10 =	sld [smem:$0x3FB2];
	_ =	sdelay $0x3  }
0x34: {  	[smem:$0x3FB2] =	sst s10  }
0x35: {  	s10 =	sld [smem:$0x3FB1];
	_ =	sdelay $0x3  }
0x36: {  	p1 =	seq.s32 s10, $0x1;
	s10 =	sld [smem:$0x3FB2];
	_ =	sdelay $0x3  }
0x37: {  	[smem:$0x3FB2] =	sst s10  }
0x38: {  	s10 =	sld [smem:$0x3FB3]  }
0x39: {  	_ = 	snop;
	(pc) =	sbr.ind lr, $3  }
0x3a: {  	_ = 	snop  }
0x3b: {  	_ = 	snop  }
0x3c: {  	p2 =	seq.s32 s10, $0x1;
	s10 =	sld [smem:$0x3FB2]  }
0x3d: {  	_ =	shalt  }
0x3e: {  	_ =	shalt  }
0x3f: {  	_ =	shalt  }
0x40: {  	_ =	shalt  }
0x41: {  	_ =	shalt  }
0x42: {  	_ =	shalt  }
0x43: {  	_ =	shalt  }
0x44: {  	_ =	shalt  }
0x45: {  	_ =	shalt  }
0x46: {  	_ =	shalt  }
0x47: {  	_ =	shalt  }
0x48: {  	_ =	shalt  }
0x49: {  	_ =	shalt  }
0x4a: {  	_ =	shalt  }
0x4b: {  	_ =	shalt  }
0x4c: {  	_ =	shalt  }
0x4d: {  	_ =	shalt  }
0x4e: {  	_ =	shalt  }
0x4f: {  	_ =	shalt  }
0x50: {  	_ =	shalt  }
0x51: {  	_ =	shalt  }
0x52: {  	_ =	shalt  }
0x53: {  	_ =	shalt  }
0x54: {  	_ =	shalt  }
0x55: {  	_ =	shalt  }
0x56: {  	_ =	shalt  }
0x57: {  	_ =	shalt  }
0x58: {  	_ =	shalt  }
0x59: {  	_ =	shalt  }
0x5a: {  	_ =	shalt  }
0x5b: {  	_ =	shalt  }
0x5c: {  	_ =	shalt  }
0x5d: {  	_ =	shalt  }
0x5e: {  	_ =	shalt  }
0x5f: {  	_ =	shalt  }
0x60: {  	_ =	shalt  }
0x61: {  	_ =	shalt  }
0x62: {  	_ =	shalt  }
0x63: {  	_ =	shalt  }
0x64: {  	_ =	shalt  }
0x65: {  	_ =	shalt  }
0x66: {  	_ =	shalt  }
0x67: {  	_ =	shalt  }
0x68: {  	_ =	shalt  }
0x69: {  	_ =	shalt  }
0x6a: {  	_ =	shalt  }
0x6b: {  	_ =	shalt  }
0x6c: {  	_ =	shalt  }
0x6d: {  	_ =	shalt  }
0x6e: {  	_ =	shalt  }
0x6f: {  	_ =	shalt  }
0x70: {  	_ =	shalt  }
0x71: {  	_ =	shalt  }
0x72: {  	_ =	shalt  }
0x73: {  	_ =	shalt  }
0x74: {  	_ =	shalt  }
0x75: {  	_ =	shalt  }
0x76: {  	_ =	shalt  }
0x77: {  	_ =	shalt  }
0x78: {  	_ =	shalt  }
0x79: {  	_ =	shalt  }
0x7a: {  	_ =	shalt  }
0x7b: {  	_ =	shalt  }
0x7c: {  	_ =	shalt  }
0x7d: {  	_ =	shalt  }
0x7e: {  	_ =	shalt  }
0x7f: {  	_ =	shalt  }
0x80: {  	_ =	shalt  }
0x81: {  	_ =	shalt  }
0x82: {  	_ =	shalt  }
0x83: {  	_ =	shalt  }
0x84: {  	_ =	shalt  }
0x85: {  	_ =	shalt  }
0x86: {  	_ =	shalt  }
0x87: {  	_ =	shalt  }
.Lfunc_end0:
.L_simem_size_0:
called_computation_lowered:
.L_overlay_start_0:
0x88: {  	s2 =	sld [smem:$0x3FD9]  }
0x89: {  	s3 =	sld [smem:$0x3FFE];
	_ =	sdelay $0x1  }
0x8a: {  	s1 =	srdreg.scid  }
0x8b: {  	s0 =	sand.u32 $0x1, s1  }
0x8c: {  	s17 =	sshll.u32 s0, $0xA;
	s2 =	sadd.s32 s3, s2  }
0x8d: {  	s2 =	sadd.s32 s2, s17  }
0x8e: {  	[smem:$0x3FBE] =	sst s2  }
0x8f: {  	_ = 	snop  }
0x90: {  	s2 =	sld [smem:$0x3FC6];
	(tm) =	ssettm $0x1  }
0x91: {  	s18 =	sld [smem:$0x3FFB];
	_ =	sdelay $0x3  }
0x92: {  	_ =	strace s18  }
0x93: {  	s3 =	sld [smem:$0x3FFC];
	_ =	sdelay $0x3  }
0x94: {  	_ =	strace s3  }
0x95: {  	s3 =	sld [smem:$0x3FFD];
	_ =	sdelay $0x3  }
0x96: {  	_ =	strace s3  }
0x97: {  	_ =	strace $0x8FFFFFFF  }
0x98: {  	s19 =	sld [smem:$0x3FDB];
	_ =	sdelay $0x1  }
0x99: {  	s4 =	simm.s32 $_scs_section_size  }
0x9a: {  	s5 =	simm.s32 $_size__tile_overlayer_lowered;
	s6 =	simm.s32 $_tile_overlayer_lowered  }
0x9b: {  	s22 =	simm.s32 $0x1BFF;
	s21 =	sshll.u32 s6, $0x1;
	s3 =	sadd.s32 s4, s19  }
0x9c: {  	s7 =	simm.s32 $0x0;
	s20 =	sshll.u32 s5, $0x1;
	s5 =	sadd.s32 s21, s3  }
0x9d: {  	[timem:s7], [sflag:s22] =	dma.local [hbm:s5], s20  }
0x9e: {  	_ =	swait.ge [sflag:s22], s20  }
0x9f: {  	s4 =	ssub.s32 $0x0, s20;
	[sflag:s22] =	ssyncset.done $0x0  }
0xa0: {  	[sflag:s22] =	ssyncadd.s32 s4;
	_ =	sdelay $0x1  }
0xa1: {  	s23 =	simm.s32 $0x1B8B  }
0xa2: {  	_ =	swait.ge [sflag:s23], $0x1  }
0xa3: {  	[sflag:s23] =	ssyncset.done $0x0  }
0xa4: {  	s25 =	simm.s32 $0x1B8E;
	s24 =	sld [smem:$0x3FFE];
	[sflag:s23] =	ssyncadd.s32 $0xFFFFFFFF  }
0xa5: {  	s26 =	simm.s32 $execute0_lowered;
	[smem:$0x3FD2] =	sst s25  }
0xa6: {  	s5 =	sshll.u32 s26, $0x1;
	_ =	strace $0x80000046;
	[dreg:$0x1] =	wrdreg $0xFFFFFFFF  }
0xa7: {  	s28 =	simm.s32 $_size_execute0_lowered;
	s3 =	sadd.s32 s3, s5;
	[dreg:$0x0] =	wrdreg $0x0  }
0xa8: {  	s5 =	sshll.u32 s28, $0x1;
	[dreg:$0x2] =	wrdreg s3  }
0xa9: {  	[dreg:$0x3] =	wrdreg s5  }
0xaa: {  	[dreg:$0x4] =	wrdreg $0xC0  }
0xab: {  	_ =	task [dreg:s7], $0x5FFFF  }
0xac: {  	[dreg:$0x1] =	wrdreg $0xFFFFFFFF  }
0xad: {  	[dreg:$0x0] =	wrdreg $0x60  }
0xae: {  	[dreg:$0x2] =	wrdreg s2  }
0xaf: {  	[dreg:$0x3] =	wrdreg s24  }
0xb0: {  	[dreg:$0x4] =	wrdreg $0x9  }
0xb1: {  	_ =	task.clear_ibuf [dreg:s7], $0x5FFFF;
	_ =	strace $0x90000046  }
0xb2: {  	s29 =	simm.s32 $0x9;
	_ =	strace $0x80000048  }
0xb3: {  	_ =	swait.ge [sflag:s29], $0x1  }
0xb4: {  	[sflag:s29] =	ssyncadd.s32 $0xFFFFFFFF  }
0xb5: {  	_ =	strace $0x90000048  }
0xb6: {  	_ =	sfence  }
0xb7: {  	s30 =	sld [smem:$0x0];
	_ =	sdelay $0x2  }
0xb8: {  	s31 =	sshll.u32 s1, $0xD;
	s1 =	sshrl.u32 s1, $0x2  }
0xb9: {  	s3 =	sand.u32 $0x4000, s31;
	s1 =	sadd.s32 s1, s30  }
0xba: {  	s0 =	sor.u32 s3, s0;
	s1 =	sshll.u32 s1, $0x11  }
0xbb: {  	s0 =	sor.u32 s1, s0  }
0xbc: {  	s0 =	sadd.s32 $0x8F2B, s0  }
0xbd: {  	[sflag:s0] =	ssyncadd.remote.s32 $0x1  }
0xbe: {  	_ =	sfence.sel $0xFFFF  }
0xbf: {  	[dreg:$0x0] =	wrdreg $0xFFFFFFFF;
	(pc) =	sbr.abs _section_cstart, $3  }
0xc0: {  	[dreg:$0x1] =	wrdreg $0xFFFFFFFF  }
0xc1: {  	_ =	task.clear_ibuf [dreg:s7], $0x2FFFF;
	_ =	strace $0x9FFFFFFF  }
0xc2: {  	(tm) =	ssettm $0x7FFFFFFF  }
0xc3: {  	_ =	shalt  }
tec
execute0_lowered:
.L_overlay_start_1:
0x0: {  	(tag) =	ssettag $0x1  }
0x1: {  	s2 =	rddreg [dreg:$0x0]  }
0x2: {  	s1 =	srdreg.scid;
	s0 =	stileid.u32  }
0x3: {  	s4 =	rddreg [dreg:$0x1];
	s14 =	simm.s32 $0x200;
	s15 =	simm.s32 $0x1  }
0x4: {  	s16 =	simm.s32 $0x80;
	s17 =	simm.s32 $0x100;
	s18 =	simm.s32 $0x180  }
0x5: {  	s19 =	simm.s32 $0x400;
	s20 =	simm.s32 $0x2A00;
	s21 =	simm.s32 $0x5180  }
0x6: {  	s22 =	simm.s32 $0x0;
	s5 =	sand.u32 $0x1, s1;
	s3 =	sshll.u32 s0, $0x1  }
0x7: {  	s1 =	rddreg [dreg:$0x2];
	s7 =	sshrl.u32 s0, $0x2;
	s11 =	sadd.s32 $0xE600, s4  }
0x8: {  	s6 =	sor.u32 s5, s3;
	s3 =	simm.s32 $0x0;
	s9 =	smul.u32 $0x13C00, s7  }
0x9: {  	s7 =	smul.u32 $0x14000, s7;
	s30 =	ssub.s32 $0x2, s5;
	s8 =	sshll.u32 s6, $0x7  }
0xa: {  	[smem:$0x7FF] =	sst s3;
	s10 =	sshll.u32 s6, $0x6;
	s29 =	smul.u32 $0xA000, s6  }
0xb: {  	s5 =	sshrl.u32 s30, $0x1;
	s6 =	smul.u32 $0x1400, s6;
	s8 =	sand.u32 $0x380, s8  }
0xc: {  	_ =	strace $0x80000047;
	s10 =	sadd.s32 s10, s4;
	s13 =	ssub.s32 s30, s5  }
0xd: {  	s9 =	sor.u32 s9, s8;
	s7 =	sor.u32 s7, s8;
	s31 =	sshrl.u32 s29, $0x3  }
0xe: {  	s5 =	sadd.s32 s11, s6;
	s9 =	sshrl.u32 s9, $0x3;
	s7 =	sshrl.u32 s7, $0x3  }
0xf: {  	s8 =	sadd.s32 s11, s31;
	s11 =	smax.u32 s13, $0x1;
	s13 =	simm.s32 $0x50  }
0x10: {  	s9 =	sadd.s32 s9, s4;
	s12 =	sadd.s32 s7, s4;
	s4 =	sadd.s32 $0xDE00, s10  }
0x11: {  	s6 =	sadd.s32 $0x500, s8;
	s7 =	sadd.s32 $0xA00, s8;
	s8 =	sadd.s32 $0xF00, s8  }
0x12: {  	v0 =	vimm.f32 $0.0e+00;
	v1 =	vimm.f32 $1.000000000e+00;
	s9 =	sadd.s32 $0x4000, s9;
	s10 =	sadd.s32 $0x36600, s12;
	s12 =	simm.s32 $0x2  }
.LBB2_1:
0x13: {  	[tilespmem:s3], [sflag:$0x2] =	stream.linear.gather [hbm4b:s4+s3], $0x200, $0x38;
	[tilespmem:$0x7980] =	vst v63  }
0x14: {  	_ =	swait.ge [sflag:s12], $0x200  }
0x15: {  	[sflag:s12] =	ssyncset.done $0x0  }
0x16: {  	[sflag:s12] =	ssyncadd.s32 $0xFFFFFE00  }
0x17: {  	[tilespmem:s14], [sflag:$0x1] =	stream.indirect.gather [hbm4b:s2+s13], $0x80, s3, s13, $0xb8;
	[tilespmem:$0x7980] =	vst v63  }
0x18: {  	_ =	swait.ge [sflag:s15], $0x2800  }
0x19: {  	[sflag:s15] =	ssyncset.done $0x0  }
0x1a: {  	[sflag:s15] =	ssyncadd.s32 $0xFFFFD800  }
0x1b: {  	[hbm4b:s5+s3] =	stream.linear.scatter [tilespmem:s14], [sflag:$0x2], $0x2800, $0x38;
	[tilespmem:$0x7980] =	vst v63  }
0x1c: {  	_ =	swait.ge [sflag:s12], $0x2800  }
0x1d: {  	[sflag:s12] =	ssyncset.done $0x0  }
0x1e: {  	[sflag:s12] =	ssyncadd.s32 $0xFFFFD800  }
0x1f: {  	[tilespmem:s14], [sflag:$0x1] =	stream.indirect.gather [hbm4b:s2+s13], $0x80, s16, s13, $0xb8;
	[tilespmem:$0x7980] =	vst v63  }
0x20: {  	_ =	swait.ge [sflag:s15], $0x2800  }
0x21: {  	[sflag:s15] =	ssyncset.done $0x0  }
0x22: {  	[sflag:s15] =	ssyncadd.s32 $0xFFFFD800  }
0x23: {  	[hbm4b:s6+s3] =	stream.linear.scatter [tilespmem:s14], [sflag:$0x2], $0x2800, $0x38;
	[tilespmem:$0x7980] =	vst v63  }
0x24: {  	_ =	swait.ge [sflag:s12], $0x2800  }
0x25: {  	[sflag:s12] =	ssyncset.done $0x0  }
0x26: {  	[sflag:s12] =	ssyncadd.s32 $0xFFFFD800  }
0x27: {  	[tilespmem:s14], [sflag:$0x1] =	stream.indirect.gather [hbm4b:s2+s13], $0x80, s17, s13, $0xb8;
	[tilespmem:$0x7980] =	vst v63  }
0x28: {  	_ =	swait.ge [sflag:s15], $0x2800  }
0x29: {  	[sflag:s15] =	ssyncset.done $0x0  }
0x2a: {  	[sflag:s15] =	ssyncadd.s32 $0xFFFFD800  }
0x2b: {  	[hbm4b:s7+s3] =	stream.linear.scatter [tilespmem:s14], [sflag:$0x2], $0x2800, $0x38;
	[tilespmem:$0x7980] =	vst v63  }
0x2c: {  	_ =	swait.ge [sflag:s12], $0x2800  }
0x2d: {  	[sflag:s12] =	ssyncset.done $0x0  }
0x2e: {  	[sflag:s12] =	ssyncadd.s32 $0xFFFFD800  }
0x2f: {  	[tilespmem:s14], [sflag:$0x1] =	stream.indirect.gather [hbm4b:s2+s13], $0x80, s18, s13, $0xb8;
	[tilespmem:$0x7980] =	vst v63  }
0x30: {  	_ =	swait.ge [sflag:s15], $0x2800  }
0x31: {  	[sflag:s15] =	ssyncset.done $0x0  }
0x32: {  	[sflag:s15] =	ssyncadd.s32 $0xFFFFD800  }
0x33: {  	[hbm4b:s8+s3] =	stream.linear.scatter [tilespmem:s14], [sflag:$0x2], $0x2800, $0x38;
	[tilespmem:$0x7980] =	vst v63  }
0x34: {  	_ =	swait.ge [sflag:s12], $0x2800  }
0x35: {  	[sflag:s12] =	ssyncset.done $0x0  }
0x36: {  	[sflag:s12] =	ssyncadd.s32 $0xFFFFD800  }
0x37: {  	[tilespmem:s20], [sflag:$0x2] =	stream.strided.gather [hbm4b:s9+s16], $0x2780, s19, s16, $0x38;
	[tilespmem:$0x7980] =	vst v63  }
0x38: {  	_ =	swait.ge [sflag:s12], $0x2780  }
0x39: {  	[sflag:s12] =	ssyncset.done $0x0  }
0x3a: {  	s23 =	simm.s32 $0x0;
	[sflag:s12] =	ssyncadd.s32 $0xFFFFD880  }
.LBB2_2:
0x3b: {  	p0 =	sne.s32 s23, $0x9FC0  }
.Ltmp0:
0x3c: {  	_ = 	snop;
	(pc) =	sbr.rel @p0 .LBB2_2-.Ltmp0, $3  }
0x3d: {  	_ =	sdelay $0x1  }
0x3e: {  	s24 =	sshra.s32 s23, $0x2  }
0x3f: {  	s23 =	sadd.s32 $0x40, s23;
	[tilespmem:s24+$0x5180] =	vst v0  }
0x40: {  	s24 =	simm.s32 $0x0;
	s23 =	simm.s32 $0x40  }
.LBB2_4:
0x41: {  	p0 =	sne.s32 s23, $0x9C00;
	v2 =	vld [tilespmem:s24+$0x2A00];
	_ =	sdelay $0x3  }
.Ltmp1:
0x42: {  	(pc) =	sbr.rel @p0 .LBB2_4-.Ltmp1, $2  }
0x43: {  	_ =	sdelay $0x2  }
0x44: {  	s24 =	sshra.s32 s23, $0x2;
	s23 =	sadd.s32 $0x40, s23;
	[tilespmem:v2+s21+$0x0] =	vst.idx.add.f32.msk $0xffff, v1  }
0x45: {  	v2 =	vld [tilespmem:s24+$0x2A00];
	_ =	sdelay $0x5  }
0x46: {  	s22 =	sadd.s32 $0x1, s22  }
0x47: {  	p0 =	sne.s32 s22, s11  }
.Ltmp2:
0x48: {  	[tilespmem:v2+s21+$0x0] =	vst.idx.add.f32.msk $0xffff, v1;
	(pc) =	sbr.rel @p0 .LBB2_1-.Ltmp2, $4  }
0x49: {  	[hbm4b:s10+s16] =	stream.strided.scatter [tilespmem:s21], [sflag:$0x2], $0x2800, s19, s16, $0x38;
	[tilespmem:$0x7980] =	vst v63  }
0x4a: {  	_ =	swait.ge [sflag:s12], $0x2800  }
0x4b: {  	[sflag:s12] =	ssyncset.done $0x0  }
0x4c: {  	[sflag:s12] =	ssyncadd.s32 $0xFFFFD800  }
0x4d: {  	_ =	sfence.sel $0x180000  }
0x4e: {  	[bflag:$0x0] =	sbarrier.arrive $0xFFFF  }
0x4f: {  	p0 =	sne.s32 s0, $0x0;
	_ =	strace $0x90000047  }
0x50: {  	s0 =	sadd.s32 @!p0 $0x100000, s1;
	[bflag:$0x2] =	sbarrier.arrive $0xFFFF  }
0x51: {  	[sflag:s0] =	ssyncadd.tile.s32 @!p0 $0x1;
	_ =	shalt  }
.Lfunc_end2:
_tile_overlayer_lowered:
.L_overlay_start_2:
0x52: {  	(tag) =	ssettag $0x2  }
0x53: {  	s0 =	rddreg [dreg:$0x0];
	s2 =	stileid.u32  }
0x54: {  	s1 =	rddreg [dreg:$0x1];
	p0 =	sne.s32 s2, $0x0  }
0x55: {  	s3 =	rddreg [dreg:$0x2];
	[bflag:$0x3] =	sbarrier.arrive $0xFFFF;
	s2 =	simm.s32 @!p0 $0x1C02  }
0x56: {  	[timem:s3], [sflag:s2] =	dma.local @!p0 [hbm:s0], s1  }
0x57: {  	s0 =	simm.s32 @!p0 $0x2  }
0x58: {  	_ =	swait.ge @!p0 [sflag:s0], s1  }
0x59: {  	s1 =	ssub.s32 @!p0 $0x0, s1;
	[sflag:s0] =	ssyncset.done @!p0 $0x0  }
0x5a: {  	[sflag:s0] =	ssyncadd.s32 @!p0 s1  }
0x5b: {  	[bflag:$0x3] =	sbarrier.arrive $0xFFFF  }
0x5c: {  	_ =	shalt  }

</sc_bundles>
